<compile_context>
chip_gen: v7x
topology: tpu7x:2x2x1
jax: 0.10.2.dev20260603
libtpu: 0.0.44.dev20260713+nightly
codegen_flags: <defaults>
</compile_context>

<pallas_src>
import functools

import jax
import jax.numpy as jnp
from jax import lax
from jax.experimental import pallas as pl
from jax.experimental.pallas import tpu as pltpu
from jax.experimental.pallas import tpu_sc as plsc

EMB_DIM = 128
NUM_EDGES = 320000
NC = 2
NS = 16
NW = NC * NS
CH = 128
RPW = 80
PAD_ROWS = NW * RPW * CH - NUM_EDGES
NB = 8
NCHUNK = NUM_EDGES // CH
W30_CHUNKS = 48
W31_CHUNKS = 52


@functools.cache
def _build_gather_kernel():
    @functools.partial(
        pl.kernel,
        mesh=plsc.VectorSubcoreMesh(core_axis_name="c", subcore_axis_name="s"),
        out_type=jax.ShapeDtypeStruct((NUM_EDGES, EMB_DIM), jnp.float32),
        scratch_types=(
            [pltpu.VMEM((RPW, CH), jnp.int32),
             pltpu.VMEM((NB, CH // 2, EMB_DIM), jnp.float32),
             pltpu.VMEM_SHARED((9, EMB_DIM), jnp.float32)]
            + [pltpu.SemaphoreType.DMA] * (2 * NB)
        ),
    )
    def _gather_kernel(idx_hbm, table_hbm, out_hbm, idx_v, rows_v, table_s,
                       *sems):
        gsems, wsems = sems[:NB], sems[NB:]
        cid = lax.axis_index("c")
        sid = lax.axis_index("s")
        wid = sid * NC + cid
        r0 = jnp.where(wid == NW - 1, (NW - 2) * RPW + W30_CHUNKS, wid * RPW)
        row0 = r0 * CH
        n_passes = jnp.where(
            wid == NW - 2, 2 * W30_CHUNKS // NB,
            jnp.where(wid == NW - 1, 2 * W31_CHUNKS // NB, 2 * RPW // NB))

        @pl.when(sid == 0)
        def _():
            pltpu.sync_copy(table_hbm, table_s)

        pltpu.sync_copy(idx_hbm.at[pl.ds(r0, RPW)], idx_v)
        plsc.subcore_barrier()

        H = CH // 2

        def ring_pass(g, drain):
            jbase = g * NB
            gd = []
            for b in range(NB):
                j = jbase + b
                if drain:
                    pltpu.make_async_copy(
                        rows_v.at[b],
                        out_hbm.at[pl.ds(row0 + (j - NB) * H, H)],
                        wsems[b]).wait()
                gd.append(pltpu.async_copy(
                    table_s.at[idx_v.at[j // 2, pl.ds((j % 2) * H, H)]],
                    rows_v.at[b], gsems[b]))
            for b in range(NB):
                j = jbase + b
                gd[b].wait()
                pltpu.async_copy(
                    rows_v.at[b],
                    out_hbm.at[pl.ds(row0 + j * H, H)],
                    wsems[b])

        ring_pass(0, drain=False)
        lax.fori_loop(1, n_passes,
                      lambda g, c: (ring_pass(g, drain=True), c)[1], 0)
        jlast = (n_passes - 1) * NB
        for b in range(NB):
            pltpu.make_async_copy(
                rows_v.at[b],
                out_hbm.at[pl.ds(row0 + (jlast + b) * (CH // 2), CH // 2)],
                wsems[b]).wait()

    return _gather_kernel


def kernel(edge_attr, emb_table_0):
    idx = jnp.concatenate(
        [edge_attr.astype(jnp.int32),
         jnp.zeros((PAD_ROWS, 1), jnp.int32)], axis=0)
    idx = idx.reshape(NW * RPW, CH)
    return _build_gather_kernel()(idx, emb_table_0)

# --- scband reference (transcript-rebuilt; emitter-appended) ---
"""Pipeline reference for scband-bond-encoder-137438953765 (READ-ONLY COPY).

The authoritative reference and input builder live on the scoring server;
editing this copy changes nothing except your own understanding.
"""

import jax, jax.numpy as jnp
import numpy as np

EMB_DIM = 128
NUM_EDGES = 320000
FULL_BOND_FEATURE_DIMS = [9]


def _xavier_uniform(key, shape):
    fan_in, fan_out = shape[0], shape[1]
    limit = np.sqrt(6.0 / (fan_in + fan_out))
    return jax.random.uniform(key, shape, dtype=jnp.float32, minval=-limit, maxval=limit)


def setup_inputs(seed: int = 0) -> dict:
    key = jax.random.key(seed)
    k_idx, k_w = jax.random.split(key)
    edge_attr = jax.random.randint(k_idx, (NUM_EDGES, 1), 0, FULL_BOND_FEATURE_DIMS[0], dtype=jnp.int64 if jax.config.jax_enable_x64 else jnp.int32)
    tables = [_xavier_uniform(jax.random.fold_in(k_w, i), (dim, EMB_DIM)) for i, dim in enumerate(FULL_BOND_FEATURE_DIMS)]
    return {"edge_attr": edge_attr, "emb_table_0": tables[0]}


def reference(edge_attr, emb_table_0) -> jnp.ndarray:
    tables = [emb_table_0]
    bond_embedding = 0
    for i in range(edge_attr.shape[1]):
        idx = edge_attr[:, i].astype(jnp.int32)
        bond_embedding = bond_embedding + jnp.take(tables[i], idx, axis=0)
    return bond_embedding

if __name__ == "__main__":
    import jax
    _d = setup_inputs()
    print(jax.jit(kernel)(*tuple(_d.values())))

</pallas_src>

<mosaic_0001>
#map = affine_map<(d0, d1) -> (0, 0)>
module attributes {stable_mosaic.version = 14 : i64} {
  func.func @_gather_kernel(%arg0: i32, %arg1: i32, %arg2: memref<2560x128xi32, #tpu.memory_space<hbm>>, %arg3: memref<9x128xf32, #tpu.memory_space<hbm>>, %arg4: memref<320000x128xf32, #tpu.memory_space<hbm>>, %arg5: memref<80x128xi32, #tpu.memory_space<vmem>>, %arg6: memref<8x64x128xf32, #tpu.memory_space<vmem>>, %arg7: memref<9x128xf32, #tpu.memory_space<vmem_shared>>, %arg8: memref<!tpu.dma_semaphore, #tpu.memory_space<semaphore_mem>>, %arg9: memref<!tpu.dma_semaphore, #tpu.memory_space<semaphore_mem>>, %arg10: memref<!tpu.dma_semaphore, #tpu.memory_space<semaphore_mem>>, %arg11: memref<!tpu.dma_semaphore, #tpu.memory_space<semaphore_mem>>, %arg12: memref<!tpu.dma_semaphore, #tpu.memory_space<semaphore_mem>>, %arg13: memref<!tpu.dma_semaphore, #tpu.memory_space<semaphore_mem>>, %arg14: memref<!tpu.dma_semaphore, #tpu.memory_space<semaphore_mem>>, %arg15: memref<!tpu.dma_semaphore, #tpu.memory_space<semaphore_mem>>, %arg16: memref<!tpu.dma_semaphore, #tpu.memory_space<semaphore_mem>>, %arg17: memref<!tpu.dma_semaphore, #tpu.memory_space<semaphore_mem>>, %arg18: memref<!tpu.dma_semaphore, #tpu.memory_space<semaphore_mem>>, %arg19: memref<!tpu.dma_semaphore, #tpu.memory_space<semaphore_mem>>, %arg20: memref<!tpu.dma_semaphore, #tpu.memory_space<semaphore_mem>>, %arg21: memref<!tpu.dma_semaphore, #tpu.memory_space<semaphore_mem>>, %arg22: memref<!tpu.dma_semaphore, #tpu.memory_space<semaphore_mem>>, %arg23: memref<!tpu.dma_semaphore, #tpu.memory_space<semaphore_mem>>) attributes {dimension_semantics = [#tpu.dimension_semantics<core_parallel>, #tpu.dimension_semantics<subcore_parallel>], iteration_bounds = array<i64: 2, 16>, scalar_prefetch = 0 : i64, scratch_operands = 19 : i64, tpu.core_type = #tpu.core_type<sc_vector_subcore>, window_params = [{transform_indices = #map}, {transform_indices = #map}, {transform_indices = #map}]} {
    %mul3A = arith.constant 2 : i32
    %mul3A_0 = arith.muli %arg1, %mul3A : i32
    %add3A = arith.addi %mul3A_0, %arg0 : i32
    %eq3A = arith.constant 31 : i32
    %eq3A_1 = arith.cmpi eq, %add3A, %eq3A : i32
    %mul3A_2 = arith.constant 80 : i32
    %mul3A_3 = arith.muli %add3A, %mul3A_2 : i32
    %jit3A = arith.constant 2448 : i32
    %select_n3A = arith.select %eq3A_1, %jit3A, %mul3A_3 : i32
    %mul3A_4 = arith.constant 128 : i32
    %mul3A_5 = arith.muli %select_n3A, %mul3A_4 : i32
    %eq3A_6 = arith.constant 30 : i32
    %eq3A_7 = arith.cmpi eq, %add3A, %eq3A_6 : i32
    %eq3A_8 = arith.constant 31 : i32
    %eq3A_9 = arith.cmpi eq, %add3A, %eq3A_8 : i32
    %jit3A_10 = arith.constant 13 : i32
    %jit3A_11 = arith.constant 20 : i32
    %select_n3A_12 = arith.select %eq3A_9, %jit3A_10, %jit3A_11 : i32
    %jit3A_13 = arith.constant 12 : i32
    %select_n3A_14 = arith.select %eq3A_7, %jit3A_13, %select_n3A_12 : i32
    %eq3A_15 = arith.constant 0 : i32
    %eq3A_16 = arith.cmpi eq, %arg1, %eq3A_15 : i32
    %convert_element_type3A = arith.extui %eq3A_16 : i1 to i32
    %cond3A = arith.constant 0 : i32
    %cond3A_17 = arith.cmpi ne, %convert_element_type3A, %cond3A : i32
    scf.if %cond3A_17 {
      "tpu.region"() ({
        %run_scoped3A = tpu.sem_alloc : memref<!tpu.dma_semaphore, #tpu.memory_space<semaphore_mem>>
        tpu.enqueue_dma source(%arg3 : memref<9x128xf32, #tpu.memory_space<hbm>>) target(%arg7 : memref<9x128xf32, #tpu.memory_space<vmem_shared>>) target_semaphore(%run_scoped3A : memref<!tpu.dma_semaphore, #tpu.memory_space<semaphore_mem>>)
        tpu.wait_dma2 semaphore(%run_scoped3A : memref<!tpu.dma_semaphore, #tpu.memory_space<semaphore_mem>>) src(%arg3 : memref<9x128xf32, #tpu.memory_space<hbm>>) dst(%arg7 : memref<9x128xf32, #tpu.memory_space<vmem_shared>>)
        tpu.yield
      }) : () -> ()
    } else {
    }
    "tpu.region"() ({
      %run_scoped3A = tpu.sem_alloc : memref<!tpu.dma_semaphore, #tpu.memory_space<semaphore_mem>>
      %dma_start3A_484 = arith.constant 0 : i32
      %dma_start3A_485 = tpu.memref_slice %arg2[%select_n3A, %dma_start3A_484] : memref<2560x128xi32, #tpu.memory_space<hbm>> -> memref<80x128xi32, #tpu.memory_space<hbm>>
      %dma_start3A_486 = arith.constant 0 : i32
      %dma_start3A_487 = tpu.memref_slice %arg2[%select_n3A, %dma_start3A_486] : memref<2560x128xi32, #tpu.memory_space<hbm>> -> memref<80x128xi32, #tpu.memory_space<hbm>>
      tpu.enqueue_dma source(%dma_start3A_487 : memref<80x128xi32, #tpu.memory_space<hbm>>) target(%arg5 : memref<80x128xi32, #tpu.memory_space<vmem>>) target_semaphore(%run_scoped3A : memref<!tpu.dma_semaphore, #tpu.memory_space<semaphore_mem>>)
      %dma_wait3A_488 = arith.constant 0 : i32
      %dma_wait3A_489 = tpu.memref_slice %arg2[%select_n3A, %dma_wait3A_488] : memref<2560x128xi32, #tpu.memory_space<hbm>> -> memref<80x128xi32, #tpu.memory_space<hbm>>
      %dma_wait3A_490 = arith.constant 0 : i32
      %dma_wait3A_491 = tpu.memref_slice %arg2[%select_n3A, %dma_wait3A_490] : memref<2560x128xi32, #tpu.memory_space<hbm>> -> memref<80x128xi32, #tpu.memory_space<hbm>>
      tpu.wait_dma2 semaphore(%run_scoped3A : memref<!tpu.dma_semaphore, #tpu.memory_space<semaphore_mem>>) src(%dma_wait3A_491 : memref<80x128xi32, #tpu.memory_space<hbm>>) dst(%arg5 : memref<80x128xi32, #tpu.memory_space<vmem>>)
      tpu.yield
    }) : () -> ()
    %barrier3A = arith.constant 0 : index
    tpu.barrier barrier_id(%barrier3A)
    %dma_start3A = arith.constant 0 : i32
    %dma_start3A_18 = arith.constant 0 : i32
    %dma_start3A_19 = arith.constant 0 : i32
    %dma_start3A_20 = arith.constant 0 : i32
    %dma_start3A_21 = tpu.memref_slice %arg6[%dma_start3A_18, %dma_start3A_19, %dma_start3A_20] : memref<8x64x128xf32, #tpu.memory_space<vmem>> -> memref<1x64x128xf32, #tpu.memory_space<vmem>>
    %dma_start3A_22 = tpu.memref_squeeze %dma_start3A_21 : memref<1x64x128xf32, #tpu.memory_space<vmem>> -> memref<64x128xf32, #tpu.memory_space<vmem>>
    %dma_start3A_23 = arith.constant 0 : i32
    %dma_start3A_24 = tpu.memref_slice %arg5[%dma_start3A, %dma_start3A_23] : memref<80x128xi32, #tpu.memory_space<vmem>> -> memref<1x64xi32, #tpu.memory_space<vmem>>
    %dma_start3A_25 = tpu.memref_squeeze %dma_start3A_24 : memref<1x64xi32, #tpu.memory_space<vmem>> -> memref<64xi32, #tpu.memory_space<vmem>>
    %dma_start3A_26 = arith.constant 0 : i32
    %dma_start3A_27 = arith.constant 0 : i32
    %dma_start3A_28 = tpu.memref_slice %arg7[%dma_start3A_26, %dma_start3A_27] : memref<9x128xf32, #tpu.memory_space<vmem_shared>> -> memref<9x128xf32, #tpu.memory_space<vmem_shared>>
    tpu.enqueue_indirect_dma source(%dma_start3A_28 : memref<9x128xf32, #tpu.memory_space<vmem_shared>>) target(%dma_start3A_22 : memref<64x128xf32, #tpu.memory_space<vmem>>) offsets(%dma_start3A_25 : memref<64xi32, #tpu.memory_space<vmem>>) semaphore(%arg8 : memref<!tpu.dma_semaphore, #tpu.memory_space<semaphore_mem>>)
    %dma_start3A_29 = arith.constant 0 : i32
    %dma_start3A_30 = arith.constant 1 : i32
    %dma_start3A_31 = arith.constant 0 : i32
    %dma_start3A_32 = arith.constant 0 : i32
    %dma_start3A_33 = tpu.memref_slice %arg6[%dma_start3A_30, %dma_start3A_31, %dma_start3A_32] : memref<8x64x128xf32, #tpu.memory_space<vmem>> -> memref<1x64x128xf32, #tpu.memory_space<vmem>>
    %dma_start3A_34 = tpu.memref_squeeze %dma_start3A_33 : memref<1x64x128xf32, #tpu.memory_space<vmem>> -> memref<64x128xf32, #tpu.memory_space<vmem>>
    %dma_start3A_35 = arith.constant 64 : i32
    %dma_start3A_36 = tpu.memref_slice %arg5[%dma_start3A_29, %dma_start3A_35] : memref<80x128xi32, #tpu.memory_space<vmem>> -> memref<1x64xi32, #tpu.memory_space<vmem>>
    %dma_start3A_37 = tpu.memref_squeeze %dma_start3A_36 : memref<1x64xi32, #tpu.memory_space<vmem>> -> memref<64xi32, #tpu.memory_space<vmem>>
    %dma_start3A_38 = arith.constant 0 : i32
    %dma_start3A_39 = arith.constant 0 : i32
    %dma_start3A_40 = tpu.memref_slice %arg7[%dma_start3A_38, %dma_start3A_39] : memref<9x128xf32, #tpu.memory_space<vmem_shared>> -> memref<9x128xf32, #tpu.memory_space<vmem_shared>>
    tpu.enqueue_indirect_dma source(%dma_start3A_40 : memref<9x128xf32, #tpu.memory_space<vmem_shared>>) target(%dma_start3A_34 : memref<64x128xf32, #tpu.memory_space<vmem>>) offsets(%dma_start3A_37 : memref<64xi32, #tpu.memory_space<vmem>>) semaphore(%arg9 : memref<!tpu.dma_semaphore, #tpu.memory_space<semaphore_mem>>)
    %dma_start3A_41 = arith.constant 1 : i32
    %dma_start3A_42 = arith.constant 2 : i32
    %dma_start3A_43 = arith.constant 0 : i32
    %dma_start3A_44 = arith.constant 0 : i32
    %dma_start3A_45 = tpu.memref_slice %arg6[%dma_start3A_42, %dma_start3A_43, %dma_start3A_44] : memref<8x64x128xf32, #tpu.memory_space<vmem>> -> memref<1x64x128xf32, #tpu.memory_space<vmem>>
    %dma_start3A_46 = tpu.memref_squeeze %dma_start3A_45 : memref<1x64x128xf32, #tpu.memory_space<vmem>> -> memref<64x128xf32, #tpu.memory_space<vmem>>
    %dma_start3A_47 = arith.constant 0 : i32
    %dma_start3A_48 = tpu.memref_slice %arg5[%dma_start3A_41, %dma_start3A_47] : memref<80x128xi32, #tpu.memory_space<vmem>> -> memref<1x64xi32, #tpu.memory_space<vmem>>
    %dma_start3A_49 = tpu.memref_squeeze %dma_start3A_48 : memref<1x64xi32, #tpu.memory_space<vmem>> -> memref<64xi32, #tpu.memory_space<vmem>>
    %dma_start3A_50 = arith.constant 0 : i32
    %dma_start3A_51 = arith.constant 0 : i32
    %dma_start3A_52 = tpu.memref_slice %arg7[%dma_start3A_50, %dma_start3A_51] : memref<9x128xf32, #tpu.memory_space<vmem_shared>> -> memref<9x128xf32, #tpu.memory_space<vmem_shared>>
    tpu.enqueue_indirect_dma source(%dma_start3A_52 : memref<9x128xf32, #tpu.memory_space<vmem_shared>>) target(%dma_start3A_46 : memref<64x128xf32, #tpu.memory_space<vmem>>) offsets(%dma_start3A_49 : memref<64xi32, #tpu.memory_space<vmem>>) semaphore(%arg10 : memref<!tpu.dma_semaphore, #tpu.memory_space<semaphore_mem>>)
    %dma_start3A_53 = arith.constant 1 : i32
    %dma_start3A_54 = arith.constant 3 : i32
    %dma_start3A_55 = arith.constant 0 : i32
    %dma_start3A_56 = arith.constant 0 : i32
    %dma_start3A_57 = tpu.memref_slice %arg6[%dma_start3A_54, %dma_start3A_55, %dma_start3A_56] : memref<8x64x128xf32, #tpu.memory_space<vmem>> -> memref<1x64x128xf32, #tpu.memory_space<vmem>>
    %dma_start3A_58 = tpu.memref_squeeze %dma_start3A_57 : memref<1x64x128xf32, #tpu.memory_space<vmem>> -> memref<64x128xf32, #tpu.memory_space<vmem>>
    %dma_start3A_59 = arith.constant 64 : i32
    %dma_start3A_60 = tpu.memref_slice %arg5[%dma_start3A_53, %dma_start3A_59] : memref<80x128xi32, #tpu.memory_space<vmem>> -> memref<1x64xi32, #tpu.memory_space<vmem>>
    %dma_start3A_61 = tpu.memref_squeeze %dma_start3A_60 : memref<1x64xi32, #tpu.memory_space<vmem>> -> memref<64xi32, #tpu.memory_space<vmem>>
    %dma_start3A_62 = arith.constant 0 : i32
    %dma_start3A_63 = arith.constant 0 : i32
    %dma_start3A_64 = tpu.memref_slice %arg7[%dma_start3A_62, %dma_start3A_63] : memref<9x128xf32, #tpu.memory_space<vmem_shared>> -> memref<9x128xf32, #tpu.memory_space<vmem_shared>>
    tpu.enqueue_indirect_dma source(%dma_start3A_64 : memref<9x128xf32, #tpu.memory_space<vmem_shared>>) target(%dma_start3A_58 : memref<64x128xf32, #tpu.memory_space<vmem>>) offsets(%dma_start3A_61 : memref<64xi32, #tpu.memory_space<vmem>>) semaphore(%arg11 : memref<!tpu.dma_semaphore, #tpu.memory_space<semaphore_mem>>)
    %dma_start3A_65 = arith.constant 2 : i32
    %dma_start3A_66 = arith.constant 4 : i32
    %dma_start3A_67 = arith.constant 0 : i32
    %dma_start3A_68 = arith.constant 0 : i32
    %dma_start3A_69 = tpu.memref_slice %arg6[%dma_start3A_66, %dma_start3A_67, %dma_start3A_68] : memref<8x64x128xf32, #tpu.memory_space<vmem>> -> memref<1x64x128xf32, #tpu.memory_space<vmem>>
    %dma_start3A_70 = tpu.memref_squeeze %dma_start3A_69 : memref<1x64x128xf32, #tpu.memory_space<vmem>> -> memref<64x128xf32, #tpu.memory_space<vmem>>
    %dma_start3A_71 = arith.constant 0 : i32
    %dma_start3A_72 = tpu.memref_slice %arg5[%dma_start3A_65, %dma_start3A_71] : memref<80x128xi32, #tpu.memory_space<vmem>> -> memref<1x64xi32, #tpu.memory_space<vmem>>
    %dma_start3A_73 = tpu.memref_squeeze %dma_start3A_72 : memref<1x64xi32, #tpu.memory_space<vmem>> -> memref<64xi32, #tpu.memory_space<vmem>>
    %dma_start3A_74 = arith.constant 0 : i32
    %dma_start3A_75 = arith.constant 0 : i32
    %dma_start3A_76 = tpu.memref_slice %arg7[%dma_start3A_74, %dma_start3A_75] : memref<9x128xf32, #tpu.memory_space<vmem_shared>> -> memref<9x128xf32, #tpu.memory_space<vmem_shared>>
    tpu.enqueue_indirect_dma source(%dma_start3A_76 : memref<9x128xf32, #tpu.memory_space<vmem_shared>>) target(%dma_start3A_70 : memref<64x128xf32, #tpu.memory_space<vmem>>) offsets(%dma_start3A_73 : memref<64xi32, #tpu.memory_space<vmem>>) semaphore(%arg12 : memref<!tpu.dma_semaphore, #tpu.memory_space<semaphore_mem>>)
    %dma_start3A_77 = arith.constant 2 : i32
    %dma_start3A_78 = arith.constant 5 : i32
    %dma_start3A_79 = arith.constant 0 : i32
    %dma_start3A_80 = arith.constant 0 : i32
    %dma_start3A_81 = tpu.memref_slice %arg6[%dma_start3A_78, %dma_start3A_79, %dma_start3A_80] : memref<8x64x128xf32, #tpu.memory_space<vmem>> -> memref<1x64x128xf32, #tpu.memory_space<vmem>>
    %dma_start3A_82 = tpu.memref_squeeze %dma_start3A_81 : memref<1x64x128xf32, #tpu.memory_space<vmem>> -> memref<64x128xf32, #tpu.memory_space<vmem>>
    %dma_start3A_83 = arith.constant 64 : i32
    %dma_start3A_84 = tpu.memref_slice %arg5[%dma_start3A_77, %dma_start3A_83] : memref<80x128xi32, #tpu.memory_space<vmem>> -> memref<1x64xi32, #tpu.memory_space<vmem>>
    %dma_start3A_85 = tpu.memref_squeeze %dma_start3A_84 : memref<1x64xi32, #tpu.memory_space<vmem>> -> memref<64xi32, #tpu.memory_space<vmem>>
    %dma_start3A_86 = arith.constant 0 : i32
    %dma_start3A_87 = arith.constant 0 : i32
    %dma_start3A_88 = tpu.memref_slice %arg7[%dma_start3A_86, %dma_start3A_87] : memref<9x128xf32, #tpu.memory_space<vmem_shared>> -> memref<9x128xf32, #tpu.memory_space<vmem_shared>>
    tpu.enqueue_indirect_dma source(%dma_start3A_88 : memref<9x128xf32, #tpu.memory_space<vmem_shared>>) target(%dma_start3A_82 : memref<64x128xf32, #tpu.memory_space<vmem>>) offsets(%dma_start3A_85 : memref<64xi32, #tpu.memory_space<vmem>>) semaphore(%arg13 : memref<!tpu.dma_semaphore, #tpu.memory_space<semaphore_mem>>)
    %dma_start3A_89 = arith.constant 3 : i32
    %dma_start3A_90 = arith.constant 6 : i32
    %dma_start3A_91 = arith.constant 0 : i32
    %dma_start3A_92 = arith.constant 0 : i32
    %dma_start3A_93 = tpu.memref_slice %arg6[%dma_start3A_90, %dma_start3A_91, %dma_start3A_92] : memref<8x64x128xf32, #tpu.memory_space<vmem>> -> memref<1x64x128xf32, #tpu.memory_space<vmem>>
    %dma_start3A_94 = tpu.memref_squeeze %dma_start3A_93 : memref<1x64x128xf32, #tpu.memory_space<vmem>> -> memref<64x128xf32, #tpu.memory_space<vmem>>
    %dma_start3A_95 = arith.constant 0 : i32
    %dma_start3A_96 = tpu.memref_slice %arg5[%dma_start3A_89, %dma_start3A_95] : memref<80x128xi32, #tpu.memory_space<vmem>> -> memref<1x64xi32, #tpu.memory_space<vmem>>
    %dma_start3A_97 = tpu.memref_squeeze %dma_start3A_96 : memref<1x64xi32, #tpu.memory_space<vmem>> -> memref<64xi32, #tpu.memory_space<vmem>>
    %dma_start3A_98 = arith.constant 0 : i32
    %dma_start3A_99 = arith.constant 0 : i32
    %dma_start3A_100 = tpu.memref_slice %arg7[%dma_start3A_98, %dma_start3A_99] : memref<9x128xf32, #tpu.memory_space<vmem_shared>> -> memref<9x128xf32, #tpu.memory_space<vmem_shared>>
    tpu.enqueue_indirect_dma source(%dma_start3A_100 : memref<9x128xf32, #tpu.memory_space<vmem_shared>>) target(%dma_start3A_94 : memref<64x128xf32, #tpu.memory_space<vmem>>) offsets(%dma_start3A_97 : memref<64xi32, #tpu.memory_space<vmem>>) semaphore(%arg14 : memref<!tpu.dma_semaphore, #tpu.memory_space<semaphore_mem>>)
    %dma_start3A_101 = arith.constant 3 : i32
    %dma_start3A_102 = arith.constant 7 : i32
    %dma_start3A_103 = arith.constant 0 : i32
    %dma_start3A_104 = arith.constant 0 : i32
    %dma_start3A_105 = tpu.memref_slice %arg6[%dma_start3A_102, %dma_start3A_103, %dma_start3A_104] : memref<8x64x128xf32, #tpu.memory_space<vmem>> -> memref<1x64x128xf32, #tpu.memory_space<vmem>>
    %dma_start3A_106 = tpu.memref_squeeze %dma_start3A_105 : memref<1x64x128xf32, #tpu.memory_space<vmem>> -> memref<64x128xf32, #tpu.memory_space<vmem>>
    %dma_start3A_107 = arith.constant 64 : i32
    %dma_start3A_108 = tpu.memref_slice %arg5[%dma_start3A_101, %dma_start3A_107] : memref<80x128xi32, #tpu.memory_space<vmem>> -> memref<1x64xi32, #tpu.memory_space<vmem>>
    %dma_start3A_109 = tpu.memref_squeeze %dma_start3A_108 : memref<1x64xi32, #tpu.memory_space<vmem>> -> memref<64xi32, #tpu.memory_space<vmem>>
    %dma_start3A_110 = arith.constant 0 : i32
    %dma_start3A_111 = arith.constant 0 : i32
    %dma_start3A_112 = tpu.memref_slice %arg7[%dma_start3A_110, %dma_start3A_111] : memref<9x128xf32, #tpu.memory_space<vmem_shared>> -> memref<9x128xf32, #tpu.memory_space<vmem_shared>>
    tpu.enqueue_indirect_dma source(%dma_start3A_112 : memref<9x128xf32, #tpu.memory_space<vmem_shared>>) target(%dma_start3A_106 : memref<64x128xf32, #tpu.memory_space<vmem>>) offsets(%dma_start3A_109 : memref<64xi32, #tpu.memory_space<vmem>>) semaphore(%arg15 : memref<!tpu.dma_semaphore, #tpu.memory_space<semaphore_mem>>)
    %dma_wait3A = arith.constant 0 : i32
    %dma_wait3A_113 = arith.constant 0 : i32
    %dma_wait3A_114 = arith.constant 0 : i32
    %dma_wait3A_115 = arith.constant 0 : i32
    %dma_wait3A_116 = tpu.memref_slice %arg6[%dma_wait3A_113, %dma_wait3A_114, %dma_wait3A_115] : memref<8x64x128xf32, #tpu.memory_space<vmem>> -> memref<1x64x128xf32, #tpu.memory_space<vmem>>
    %dma_wait3A_117 = tpu.memref_squeeze %dma_wait3A_116 : memref<1x64x128xf32, #tpu.memory_space<vmem>> -> memref<64x128xf32, #tpu.memory_space<vmem>>
    %dma_wait3A_118 = arith.constant 0 : i32
    %dma_wait3A_119 = tpu.memref_slice %arg5[%dma_wait3A, %dma_wait3A_118] : memref<80x128xi32, #tpu.memory_space<vmem>> -> memref<1x64xi32, #tpu.memory_space<vmem>>
    %dma_wait3A_120 = tpu.memref_squeeze %dma_wait3A_119 : memref<1x64xi32, #tpu.memory_space<vmem>> -> memref<64xi32, #tpu.memory_space<vmem>>
    %dma_wait3A_121 = arith.constant 0 : i32
    %dma_wait3A_122 = arith.constant 0 : i32
    %dma_wait3A_123 = tpu.memref_slice %arg7[%dma_wait3A_121, %dma_wait3A_122] : memref<9x128xf32, #tpu.memory_space<vmem_shared>> -> memref<9x128xf32, #tpu.memory_space<vmem_shared>>
    tpu.wait_indirect_dma semaphore(%arg8 : memref<!tpu.dma_semaphore, #tpu.memory_space<semaphore_mem>>) src(%dma_wait3A_123 : memref<9x128xf32, #tpu.memory_space<vmem_shared>>) dst(%dma_wait3A_117 : memref<64x128xf32, #tpu.memory_space<vmem>>)
    %add3A_124 = arith.constant 0 : i32
    %add3A_125 = arith.addi %mul3A_5, %add3A_124 : i32
    %dma_start3A_126 = arith.constant 0 : i32
    %dma_start3A_127 = arith.constant 0 : i32
    %dma_start3A_128 = arith.constant 0 : i32
    %dma_start3A_129 = tpu.memref_slice %arg6[%dma_start3A_126, %dma_start3A_127, %dma_start3A_128] : memref<8x64x128xf32, #tpu.memory_space<vmem>> -> memref<1x64x128xf32, #tpu.memory_space<vmem>>
    %dma_start3A_130 = tpu.memref_squeeze %dma_start3A_129 : memref<1x64x128xf32, #tpu.memory_space<vmem>> -> memref<64x128xf32, #tpu.memory_space<vmem>>
    %dma_start3A_131 = arith.constant 0 : i32
    %dma_start3A_132 = tpu.memref_slice %arg4[%add3A_125, %dma_start3A_131] : memref<320000x128xf32, #tpu.memory_space<hbm>> -> memref<64x128xf32, #tpu.memory_space<hbm>>
    %dma_start3A_133 = arith.constant 0 : i32
    %dma_start3A_134 = tpu.memref_slice %arg4[%add3A_125, %dma_start3A_133] : memref<320000x128xf32, #tpu.memory_space<hbm>> -> memref<64x128xf32, #tpu.memory_space<hbm>>
    %dma_start3A_135 = arith.constant 0 : i32
    %dma_start3A_136 = arith.constant 0 : i32
    %dma_start3A_137 = tpu.memref_slice %arg6[%dma_start3A_126, %dma_start3A_135, %dma_start3A_136] : memref<8x64x128xf32, #tpu.memory_space<vmem>> -> memref<1x64x128xf32, #tpu.memory_space<vmem>>
    %dma_start3A_138 = tpu.memref_squeeze %dma_start3A_137 : memref<1x64x128xf32, #tpu.memory_space<vmem>> -> memref<64x128xf32, #tpu.memory_space<vmem>>
    tpu.enqueue_dma source(%dma_start3A_138 : memref<64x128xf32, #tpu.memory_space<vmem>>) target(%dma_start3A_134 : memref<64x128xf32, #tpu.memory_space<hbm>>) target_semaphore(%arg16 : memref<!tpu.dma_semaphore, #tpu.memory_space<semaphore_mem>>)
    %dma_wait3A_139 = arith.constant 0 : i32
    %dma_wait3A_140 = arith.constant 1 : i32
    %dma_wait3A_141 = arith.constant 0 : i32
    %dma_wait3A_142 = arith.constant 0 : i32
    %dma_wait3A_143 = tpu.memref_slice %arg6[%dma_wait3A_140, %dma_wait3A_141, %dma_wait3A_142] : memref<8x64x128xf32, #tpu.memory_space<vmem>> -> memref<1x64x128xf32, #tpu.memory_space<vmem>>
    %dma_wait3A_144 = tpu.memref_squeeze %dma_wait3A_143 : memref<1x64x128xf32, #tpu.memory_space<vmem>> -> memref<64x128xf32, #tpu.memory_space<vmem>>
    %dma_wait3A_145 = arith.constant 64 : i32
    %dma_wait3A_146 = tpu.memref_slice %arg5[%dma_wait3A_139, %dma_wait3A_145] : memref<80x128xi32, #tpu.memory_space<vmem>> -> memref<1x64xi32, #tpu.memory_space<vmem>>
    %dma_wait3A_147 = tpu.memref_squeeze %dma_wait3A_146 : memref<1x64xi32, #tpu.memory_space<vmem>> -> memref<64xi32, #tpu.memory_space<vmem>>
    %dma_wait3A_148 = arith.constant 0 : i32
    %dma_wait3A_149 = arith.constant 0 : i32
    %dma_wait3A_150 = tpu.memref_slice %arg7[%dma_wait3A_148, %dma_wait3A_149] : memref<9x128xf32, #tpu.memory_space<vmem_shared>> -> memref<9x128xf32, #tpu.memory_space<vmem_shared>>
    tpu.wait_indirect_dma semaphore(%arg9 : memref<!tpu.dma_semaphore, #tpu.memory_space<semaphore_mem>>) src(%dma_wait3A_150 : memref<9x128xf32, #tpu.memory_space<vmem_shared>>) dst(%dma_wait3A_144 : memref<64x128xf32, #tpu.memory_space<vmem>>)
    %add3A_151 = arith.constant 64 : i32
    %add3A_152 = arith.addi %mul3A_5, %add3A_151 : i32
    %dma_start3A_153 = arith.constant 1 : i32
    %dma_start3A_154 = arith.constant 0 : i32
    %dma_start3A_155 = arith.constant 0 : i32
    %dma_start3A_156 = tpu.memref_slice %arg6[%dma_start3A_153, %dma_start3A_154, %dma_start3A_155] : memref<8x64x128xf32, #tpu.memory_space<vmem>> -> memref<1x64x128xf32, #tpu.memory_space<vmem>>
    %dma_start3A_157 = tpu.memref_squeeze %dma_start3A_156 : memref<1x64x128xf32, #tpu.memory_space<vmem>> -> memref<64x128xf32, #tpu.memory_space<vmem>>
    %dma_start3A_158 = arith.constant 0 : i32
    %dma_start3A_159 = tpu.memref_slice %arg4[%add3A_152, %dma_start3A_158] : memref<320000x128xf32, #tpu.memory_space<hbm>> -> memref<64x128xf32, #tpu.memory_space<hbm>>
    %dma_start3A_160 = arith.constant 0 : i32
    %dma_start3A_161 = tpu.memref_slice %arg4[%add3A_152, %dma_start3A_160] : memref<320000x128xf32, #tpu.memory_space<hbm>> -> memref<64x128xf32, #tpu.memory_space<hbm>>
    %dma_start3A_162 = arith.constant 0 : i32
    %dma_start3A_163 = arith.constant 0 : i32
    %dma_start3A_164 = tpu.memref_slice %arg6[%dma_start3A_153, %dma_start3A_162, %dma_start3A_163] : memref<8x64x128xf32, #tpu.memory_space<vmem>> -> memref<1x64x128xf32, #tpu.memory_space<vmem>>
    %dma_start3A_165 = tpu.memref_squeeze %dma_start3A_164 : memref<1x64x128xf32, #tpu.memory_space<vmem>> -> memref<64x128xf32, #tpu.memory_space<vmem>>
    tpu.enqueue_dma source(%dma_start3A_165 : memref<64x128xf32, #tpu.memory_space<vmem>>) target(%dma_start3A_161 : memref<64x128xf32, #tpu.memory_space<hbm>>) target_semaphore(%arg17 : memref<!tpu.dma_semaphore, #tpu.memory_space<semaphore_mem>>)
    %dma_wait3A_166 = arith.constant 1 : i32
    %dma_wait3A_167 = arith.constant 2 : i32
    %dma_wait3A_168 = arith.constant 0 : i32
    %dma_wait3A_169 = arith.constant 0 : i32
    %dma_wait3A_170 = tpu.memref_slice %arg6[%dma_wait3A_167, %dma_wait3A_168, %dma_wait3A_169] : memref<8x64x128xf32, #tpu.memory_space<vmem>> -> memref<1x64x128xf32, #tpu.memory_space<vmem>>
    %dma_wait3A_171 = tpu.memref_squeeze %dma_wait3A_170 : memref<1x64x128xf32, #tpu.memory_space<vmem>> -> memref<64x128xf32, #tpu.memory_space<vmem>>
    %dma_wait3A_172 = arith.constant 0 : i32
    %dma_wait3A_173 = tpu.memref_slice %arg5[%dma_wait3A_166, %dma_wait3A_172] : memref<80x128xi32, #tpu.memory_space<vmem>> -> memref<1x64xi32, #tpu.memory_space<vmem>>
    %dma_wait3A_174 = tpu.memref_squeeze %dma_wait3A_173 : memref<1x64xi32, #tpu.memory_space<vmem>> -> memref<64xi32, #tpu.memory_space<vmem>>
    %dma_wait3A_175 = arith.constant 0 : i32
    %dma_wait3A_176 = arith.constant 0 : i32
    %dma_wait3A_177 = tpu.memref_slice %arg7[%dma_wait3A_175, %dma_wait3A_176] : memref<9x128xf32, #tpu.memory_space<vmem_shared>> -> memref<9x128xf32, #tpu.memory_space<vmem_shared>>
    tpu.wait_indirect_dma semaphore(%arg10 : memref<!tpu.dma_semaphore, #tpu.memory_space<semaphore_mem>>) src(%dma_wait3A_177 : memref<9x128xf32, #tpu.memory_space<vmem_shared>>) dst(%dma_wait3A_171 : memref<64x128xf32, #tpu.memory_space<vmem>>)
    %add3A_178 = arith.constant 128 : i32
    %add3A_179 = arith.addi %mul3A_5, %add3A_178 : i32
    %dma_start3A_180 = arith.constant 2 : i32
    %dma_start3A_181 = arith.constant 0 : i32
    %dma_start3A_182 = arith.constant 0 : i32
    %dma_start3A_183 = tpu.memref_slice %arg6[%dma_start3A_180, %dma_start3A_181, %dma_start3A_182] : memref<8x64x128xf32, #tpu.memory_space<vmem>> -> memref<1x64x128xf32, #tpu.memory_space<vmem>>
    %dma_start3A_184 = tpu.memref_squeeze %dma_start3A_183 : memref<1x64x128xf32, #tpu.memory_space<vmem>> -> memref<64x128xf32, #tpu.memory_space<vmem>>
    %dma_start3A_185 = arith.constant 0 : i32
    %dma_start3A_186 = tpu.memref_slice %arg4[%add3A_179, %dma_start3A_185] : memref<320000x128xf32, #tpu.memory_space<hbm>> -> memref<64x128xf32, #tpu.memory_space<hbm>>
    %dma_start3A_187 = arith.constant 0 : i32
    %dma_start3A_188 = tpu.memref_slice %arg4[%add3A_179, %dma_start3A_187] : memref<320000x128xf32, #tpu.memory_space<hbm>> -> memref<64x128xf32, #tpu.memory_space<hbm>>
    %dma_start3A_189 = arith.constant 0 : i32
    %dma_start3A_190 = arith.constant 0 : i32
    %dma_start3A_191 = tpu.memref_slice %arg6[%dma_start3A_180, %dma_start3A_189, %dma_start3A_190] : memref<8x64x128xf32, #tpu.memory_space<vmem>> -> memref<1x64x128xf32, #tpu.memory_space<vmem>>
    %dma_start3A_192 = tpu.memref_squeeze %dma_start3A_191 : memref<1x64x128xf32, #tpu.memory_space<vmem>> -> memref<64x128xf32, #tpu.memory_space<vmem>>
    tpu.enqueue_dma source(%dma_start3A_192 : memref<64x128xf32, #tpu.memory_space<vmem>>) target(%dma_start3A_188 : memref<64x128xf32, #tpu.memory_space<hbm>>) target_semaphore(%arg18 : memref<!tpu.dma_semaphore, #tpu.memory_space<semaphore_mem>>)
    %dma_wait3A_193 = arith.constant 1 : i32
    %dma_wait3A_194 = arith.constant 3 : i32
    %dma_wait3A_195 = arith.constant 0 : i32
    %dma_wait3A_196 = arith.constant 0 : i32
    %dma_wait3A_197 = tpu.memref_slice %arg6[%dma_wait3A_194, %dma_wait3A_195, %dma_wait3A_196] : memref<8x64x128xf32, #tpu.memory_space<vmem>> -> memref<1x64x128xf32, #tpu.memory_space<vmem>>
    %dma_wait3A_198 = tpu.memref_squeeze %dma_wait3A_197 : memref<1x64x128xf32, #tpu.memory_space<vmem>> -> memref<64x128xf32, #tpu.memory_space<vmem>>
    %dma_wait3A_199 = arith.constant 64 : i32
    %dma_wait3A_200 = tpu.memref_slice %arg5[%dma_wait3A_193, %dma_wait3A_199] : memref<80x128xi32, #tpu.memory_space<vmem>> -> memref<1x64xi32, #tpu.memory_space<vmem>>
    %dma_wait3A_201 = tpu.memref_squeeze %dma_wait3A_200 : memref<1x64xi32, #tpu.memory_space<vmem>> -> memref<64xi32, #tpu.memory_space<vmem>>
    %dma_wait3A_202 = arith.constant 0 : i32
    %dma_wait3A_203 = arith.constant 0 : i32
    %dma_wait3A_204 = tpu.memref_slice %arg7[%dma_wait3A_202, %dma_wait3A_203] : memref<9x128xf32, #tpu.memory_space<vmem_shared>> -> memref<9x128xf32, #tpu.memory_space<vmem_shared>>
    tpu.wait_indirect_dma semaphore(%arg11 : memref<!tpu.dma_semaphore, #tpu.memory_space<semaphore_mem>>) src(%dma_wait3A_204 : memref<9x128xf32, #tpu.memory_space<vmem_shared>>) dst(%dma_wait3A_198 : memref<64x128xf32, #tpu.memory_space<vmem>>)
    %add3A_205 = arith.constant 192 : i32
    %add3A_206 = arith.addi %mul3A_5, %add3A_205 : i32
    %dma_start3A_207 = arith.constant 3 : i32
    %dma_start3A_208 = arith.constant 0 : i32
    %dma_start3A_209 = arith.constant 0 : i32
    %dma_start3A_210 = tpu.memref_slice %arg6[%dma_start3A_207, %dma_start3A_208, %dma_start3A_209] : memref<8x64x128xf32, #tpu.memory_space<vmem>> -> memref<1x64x128xf32, #tpu.memory_space<vmem>>
    %dma_start3A_211 = tpu.memref_squeeze %dma_start3A_210 : memref<1x64x128xf32, #tpu.memory_space<vmem>> -> memref<64x128xf32, #tpu.memory_space<vmem>>
    %dma_start3A_212 = arith.constant 0 : i32
    %dma_start3A_213 = tpu.memref_slice %arg4[%add3A_206, %dma_start3A_212] : memref<320000x128xf32, #tpu.memory_space<hbm>> -> memref<64x128xf32, #tpu.memory_space<hbm>>
    %dma_start3A_214 = arith.constant 0 : i32
    %dma_start3A_215 = tpu.memref_slice %arg4[%add3A_206, %dma_start3A_214] : memref<320000x128xf32, #tpu.memory_space<hbm>> -> memref<64x128xf32, #tpu.memory_space<hbm>>
    %dma_start3A_216 = arith.constant 0 : i32
    %dma_start3A_217 = arith.constant 0 : i32
    %dma_start3A_218 = tpu.memref_slice %arg6[%dma_start3A_207, %dma_start3A_216, %dma_start3A_217] : memref<8x64x128xf32, #tpu.memory_space<vmem>> -> memref<1x64x128xf32, #tpu.memory_space<vmem>>
    %dma_start3A_219 = tpu.memref_squeeze %dma_start3A_218 : memref<1x64x128xf32, #tpu.memory_space<vmem>> -> memref<64x128xf32, #tpu.memory_space<vmem>>
    tpu.enqueue_dma source(%dma_start3A_219 : memref<64x128xf32, #tpu.memory_space<vmem>>) target(%dma_start3A_215 : memref<64x128xf32, #tpu.memory_space<hbm>>) target_semaphore(%arg19 : memref<!tpu.dma_semaphore, #tpu.memory_space<semaphore_mem>>)
    %dma_wait3A_220 = arith.constant 2 : i32
    %dma_wait3A_221 = arith.constant 4 : i32
    %dma_wait3A_222 = arith.constant 0 : i32
    %dma_wait3A_223 = arith.constant 0 : i32
    %dma_wait3A_224 = tpu.memref_slice %arg6[%dma_wait3A_221, %dma_wait3A_222, %dma_wait3A_223] : memref<8x64x128xf32, #tpu.memory_space<vmem>> -> memref<1x64x128xf32, #tpu.memory_space<vmem>>
    %dma_wait3A_225 = tpu.memref_squeeze %dma_wait3A_224 : memref<1x64x128xf32, #tpu.memory_space<vmem>> -> memref<64x128xf32, #tpu.memory_space<vmem>>
    %dma_wait3A_226 = arith.constant 0 : i32
    %dma_wait3A_227 = tpu.memref_slice %arg5[%dma_wait3A_220, %dma_wait3A_226] : memref<80x128xi32, #tpu.memory_space<vmem>> -> memref<1x64xi32, #tpu.memory_space<vmem>>
    %dma_wait3A_228 = tpu.memref_squeeze %dma_wait3A_227 : memref<1x64xi32, #tpu.memory_space<vmem>> -> memref<64xi32, #tpu.memory_space<vmem>>
    %dma_wait3A_229 = arith.constant 0 : i32
    %dma_wait3A_230 = arith.constant 0 : i32
    %dma_wait3A_231 = tpu.memref_slice %arg7[%dma_wait3A_229, %dma_wait3A_230] : memref<9x128xf32, #tpu.memory_space<vmem_shared>> -> memref<9x128xf32, #tpu.memory_space<vmem_shared>>
    tpu.wait_indirect_dma semaphore(%arg12 : memref<!tpu.dma_semaphore, #tpu.memory_space<semaphore_mem>>) src(%dma_wait3A_231 : memref<9x128xf32, #tpu.memory_space<vmem_shared>>) dst(%dma_wait3A_225 : memref<64x128xf32, #tpu.memory_space<vmem>>)
    %add3A_232 = arith.constant 256 : i32
    %add3A_233 = arith.addi %mul3A_5, %add3A_232 : i32
    %dma_start3A_234 = arith.constant 4 : i32
    %dma_start3A_235 = arith.constant 0 : i32
    %dma_start3A_236 = arith.constant 0 : i32
    %dma_start3A_237 = tpu.memref_slice %arg6[%dma_start3A_234, %dma_start3A_235, %dma_start3A_236] : memref<8x64x128xf32, #tpu.memory_space<vmem>> -> memref<1x64x128xf32, #tpu.memory_space<vmem>>
    %dma_start3A_238 = tpu.memref_squeeze %dma_start3A_237 : memref<1x64x128xf32, #tpu.memory_space<vmem>> -> memref<64x128xf32, #tpu.memory_space<vmem>>
    %dma_start3A_239 = arith.constant 0 : i32
    %dma_start3A_240 = tpu.memref_slice %arg4[%add3A_233, %dma_start3A_239] : memref<320000x128xf32, #tpu.memory_space<hbm>> -> memref<64x128xf32, #tpu.memory_space<hbm>>
    %dma_start3A_241 = arith.constant 0 : i32
    %dma_start3A_242 = tpu.memref_slice %arg4[%add3A_233, %dma_start3A_241] : memref<320000x128xf32, #tpu.memory_space<hbm>> -> memref<64x128xf32, #tpu.memory_space<hbm>>
    %dma_start3A_243 = arith.constant 0 : i32
    %dma_start3A_244 = arith.constant 0 : i32
    %dma_start3A_245 = tpu.memref_slice %arg6[%dma_start3A_234, %dma_start3A_243, %dma_start3A_244] : memref<8x64x128xf32, #tpu.memory_space<vmem>> -> memref<1x64x128xf32, #tpu.memory_space<vmem>>
    %dma_start3A_246 = tpu.memref_squeeze %dma_start3A_245 : memref<1x64x128xf32, #tpu.memory_space<vmem>> -> memref<64x128xf32, #tpu.memory_space<vmem>>
    tpu.enqueue_dma source(%dma_start3A_246 : memref<64x128xf32, #tpu.memory_space<vmem>>) target(%dma_start3A_242 : memref<64x128xf32, #tpu.memory_space<hbm>>) target_semaphore(%arg20 : memref<!tpu.dma_semaphore, #tpu.memory_space<semaphore_mem>>)
    %dma_wait3A_247 = arith.constant 2 : i32
    %dma_wait3A_248 = arith.constant 5 : i32
    %dma_wait3A_249 = arith.constant 0 : i32
    %dma_wait3A_250 = arith.constant 0 : i32
    %dma_wait3A_251 = tpu.memref_slice %arg6[%dma_wait3A_248, %dma_wait3A_249, %dma_wait3A_250] : memref<8x64x128xf32, #tpu.memory_space<vmem>> -> memref<1x64x128xf32, #tpu.memory_space<vmem>>
    %dma_wait3A_252 = tpu.memref_squeeze %dma_wait3A_251 : memref<1x64x128xf32, #tpu.memory_space<vmem>> -> memref<64x128xf32, #tpu.memory_space<vmem>>
    %dma_wait3A_253 = arith.constant 64 : i32
    %dma_wait3A_254 = tpu.memref_slice %arg5[%dma_wait3A_247, %dma_wait3A_253] : memref<80x128xi32, #tpu.memory_space<vmem>> -> memref<1x64xi32, #tpu.memory_space<vmem>>
    %dma_wait3A_255 = tpu.memref_squeeze %dma_wait3A_254 : memref<1x64xi32, #tpu.memory_space<vmem>> -> memref<64xi32, #tpu.memory_space<vmem>>
    %dma_wait3A_256 = arith.constant 0 : i32
    %dma_wait3A_257 = arith.constant 0 : i32
    %dma_wait3A_258 = tpu.memref_slice %arg7[%dma_wait3A_256, %dma_wait3A_257] : memref<9x128xf32, #tpu.memory_space<vmem_shared>> -> memref<9x128xf32, #tpu.memory_space<vmem_shared>>
    tpu.wait_indirect_dma semaphore(%arg13 : memref<!tpu.dma_semaphore, #tpu.memory_space<semaphore_mem>>) src(%dma_wait3A_258 : memref<9x128xf32, #tpu.memory_space<vmem_shared>>) dst(%dma_wait3A_252 : memref<64x128xf32, #tpu.memory_space<vmem>>)
    %add3A_259 = arith.constant 320 : i32
    %add3A_260 = arith.addi %mul3A_5, %add3A_259 : i32
    %dma_start3A_261 = arith.constant 5 : i32
    %dma_start3A_262 = arith.constant 0 : i32
    %dma_start3A_263 = arith.constant 0 : i32
    %dma_start3A_264 = tpu.memref_slice %arg6[%dma_start3A_261, %dma_start3A_262, %dma_start3A_263] : memref<8x64x128xf32, #tpu.memory_space<vmem>> -> memref<1x64x128xf32, #tpu.memory_space<vmem>>
    %dma_start3A_265 = tpu.memref_squeeze %dma_start3A_264 : memref<1x64x128xf32, #tpu.memory_space<vmem>> -> memref<64x128xf32, #tpu.memory_space<vmem>>
    %dma_start3A_266 = arith.constant 0 : i32
    %dma_start3A_267 = tpu.memref_slice %arg4[%add3A_260, %dma_start3A_266] : memref<320000x128xf32, #tpu.memory_space<hbm>> -> memref<64x128xf32, #tpu.memory_space<hbm>>
    %dma_start3A_268 = arith.constant 0 : i32
    %dma_start3A_269 = tpu.memref_slice %arg4[%add3A_260, %dma_start3A_268] : memref<320000x128xf32, #tpu.memory_space<hbm>> -> memref<64x128xf32, #tpu.memory_space<hbm>>
    %dma_start3A_270 = arith.constant 0 : i32
    %dma_start3A_271 = arith.constant 0 : i32
    %dma_start3A_272 = tpu.memref_slice %arg6[%dma_start3A_261, %dma_start3A_270, %dma_start3A_271] : memref<8x64x128xf32, #tpu.memory_space<vmem>> -> memref<1x64x128xf32, #tpu.memory_space<vmem>>
    %dma_start3A_273 = tpu.memref_squeeze %dma_start3A_272 : memref<1x64x128xf32, #tpu.memory_space<vmem>> -> memref<64x128xf32, #tpu.memory_space<vmem>>
    tpu.enqueue_dma source(%dma_start3A_273 : memref<64x128xf32, #tpu.memory_space<vmem>>) target(%dma_start3A_269 : memref<64x128xf32, #tpu.memory_space<hbm>>) target_semaphore(%arg21 : memref<!tpu.dma_semaphore, #tpu.memory_space<semaphore_mem>>)
    %dma_wait3A_274 = arith.constant 3 : i32
    %dma_wait3A_275 = arith.constant 6 : i32
    %dma_wait3A_276 = arith.constant 0 : i32
    %dma_wait3A_277 = arith.constant 0 : i32
    %dma_wait3A_278 = tpu.memref_slice %arg6[%dma_wait3A_275, %dma_wait3A_276, %dma_wait3A_277] : memref<8x64x128xf32, #tpu.memory_space<vmem>> -> memref<1x64x128xf32, #tpu.memory_space<vmem>>
    %dma_wait3A_279 = tpu.memref_squeeze %dma_wait3A_278 : memref<1x64x128xf32, #tpu.memory_space<vmem>> -> memref<64x128xf32, #tpu.memory_space<vmem>>
    %dma_wait3A_280 = arith.constant 0 : i32
    %dma_wait3A_281 = tpu.memref_slice %arg5[%dma_wait3A_274, %dma_wait3A_280] : memref<80x128xi32, #tpu.memory_space<vmem>> -> memref<1x64xi32, #tpu.memory_space<vmem>>
    %dma_wait3A_282 = tpu.memref_squeeze %dma_wait3A_281 : memref<1x64xi32, #tpu.memory_space<vmem>> -> memref<64xi32, #tpu.memory_space<vmem>>
    %dma_wait3A_283 = arith.constant 0 : i32
    %dma_wait3A_284 = arith.constant 0 : i32
    %dma_wait3A_285 = tpu.memref_slice %arg7[%dma_wait3A_283, %dma_wait3A_284] : memref<9x128xf32, #tpu.memory_space<vmem_shared>> -> memref<9x128xf32, #tpu.memory_space<vmem_shared>>
    tpu.wait_indirect_dma semaphore(%arg14 : memref<!tpu.dma_semaphore, #tpu.memory_space<semaphore_mem>>) src(%dma_wait3A_285 : memref<9x128xf32, #tpu.memory_space<vmem_shared>>) dst(%dma_wait3A_279 : memref<64x128xf32, #tpu.memory_space<vmem>>)
    %add3A_286 = arith.constant 384 : i32
    %add3A_287 = arith.addi %mul3A_5, %add3A_286 : i32
    %dma_start3A_288 = arith.constant 6 : i32
    %dma_start3A_289 = arith.constant 0 : i32
    %dma_start3A_290 = arith.constant 0 : i32
    %dma_start3A_291 = tpu.memref_slice %arg6[%dma_start3A_288, %dma_start3A_289, %dma_start3A_290] : memref<8x64x128xf32, #tpu.memory_space<vmem>> -> memref<1x64x128xf32, #tpu.memory_space<vmem>>
    %dma_start3A_292 = tpu.memref_squeeze %dma_start3A_291 : memref<1x64x128xf32, #tpu.memory_space<vmem>> -> memref<64x128xf32, #tpu.memory_space<vmem>>
    %dma_start3A_293 = arith.constant 0 : i32
    %dma_start3A_294 = tpu.memref_slice %arg4[%add3A_287, %dma_start3A_293] : memref<320000x128xf32, #tpu.memory_space<hbm>> -> memref<64x128xf32, #tpu.memory_space<hbm>>
    %dma_start3A_295 = arith.constant 0 : i32
    %dma_start3A_296 = tpu.memref_slice %arg4[%add3A_287, %dma_start3A_295] : memref<320000x128xf32, #tpu.memory_space<hbm>> -> memref<64x128xf32, #tpu.memory_space<hbm>>
    %dma_start3A_297 = arith.constant 0 : i32
    %dma_start3A_298 = arith.constant 0 : i32
    %dma_start3A_299 = tpu.memref_slice %arg6[%dma_start3A_288, %dma_start3A_297, %dma_start3A_298] : memref<8x64x128xf32, #tpu.memory_space<vmem>> -> memref<1x64x128xf32, #tpu.memory_space<vmem>>
    %dma_start3A_300 = tpu.memref_squeeze %dma_start3A_299 : memref<1x64x128xf32, #tpu.memory_space<vmem>> -> memref<64x128xf32, #tpu.memory_space<vmem>>
    tpu.enqueue_dma source(%dma_start3A_300 : memref<64x128xf32, #tpu.memory_space<vmem>>) target(%dma_start3A_296 : memref<64x128xf32, #tpu.memory_space<hbm>>) target_semaphore(%arg22 : memref<!tpu.dma_semaphore, #tpu.memory_space<semaphore_mem>>)
    %dma_wait3A_301 = arith.constant 3 : i32
    %dma_wait3A_302 = arith.constant 7 : i32
    %dma_wait3A_303 = arith.constant 0 : i32
    %dma_wait3A_304 = arith.constant 0 : i32
    %dma_wait3A_305 = tpu.memref_slice %arg6[%dma_wait3A_302, %dma_wait3A_303, %dma_wait3A_304] : memref<8x64x128xf32, #tpu.memory_space<vmem>> -> memref<1x64x128xf32, #tpu.memory_space<vmem>>
    %dma_wait3A_306 = tpu.memref_squeeze %dma_wait3A_305 : memref<1x64x128xf32, #tpu.memory_space<vmem>> -> memref<64x128xf32, #tpu.memory_space<vmem>>
    %dma_wait3A_307 = arith.constant 64 : i32
    %dma_wait3A_308 = tpu.memref_slice %arg5[%dma_wait3A_301, %dma_wait3A_307] : memref<80x128xi32, #tpu.memory_space<vmem>> -> memref<1x64xi32, #tpu.memory_space<vmem>>
    %dma_wait3A_309 = tpu.memref_squeeze %dma_wait3A_308 : memref<1x64xi32, #tpu.memory_space<vmem>> -> memref<64xi32, #tpu.memory_space<vmem>>
    %dma_wait3A_310 = arith.constant 0 : i32
    %dma_wait3A_311 = arith.constant 0 : i32
    %dma_wait3A_312 = tpu.memref_slice %arg7[%dma_wait3A_310, %dma_wait3A_311] : memref<9x128xf32, #tpu.memory_space<vmem_shared>> -> memref<9x128xf32, #tpu.memory_space<vmem_shared>>
    tpu.wait_indirect_dma semaphore(%arg15 : memref<!tpu.dma_semaphore, #tpu.memory_space<semaphore_mem>>) src(%dma_wait3A_312 : memref<9x128xf32, #tpu.memory_space<vmem_shared>>) dst(%dma_wait3A_306 : memref<64x128xf32, #tpu.memory_space<vmem>>)
    %add3A_313 = arith.constant 448 : i32
    %add3A_314 = arith.addi %mul3A_5, %add3A_313 : i32
    %dma_start3A_315 = arith.constant 7 : i32
    %dma_start3A_316 = arith.constant 0 : i32
    %dma_start3A_317 = arith.constant 0 : i32
    %dma_start3A_318 = tpu.memref_slice %arg6[%dma_start3A_315, %dma_start3A_316, %dma_start3A_317] : memref<8x64x128xf32, #tpu.memory_space<vmem>> -> memref<1x64x128xf32, #tpu.memory_space<vmem>>
    %dma_start3A_319 = tpu.memref_squeeze %dma_start3A_318 : memref<1x64x128xf32, #tpu.memory_space<vmem>> -> memref<64x128xf32, #tpu.memory_space<vmem>>
    %dma_start3A_320 = arith.constant 0 : i32
    %dma_start3A_321 = tpu.memref_slice %arg4[%add3A_314, %dma_start3A_320] : memref<320000x128xf32, #tpu.memory_space<hbm>> -> memref<64x128xf32, #tpu.memory_space<hbm>>
    %dma_start3A_322 = arith.constant 0 : i32
    %dma_start3A_323 = tpu.memref_slice %arg4[%add3A_314, %dma_start3A_322] : memref<320000x128xf32, #tpu.memory_space<hbm>> -> memref<64x128xf32, #tpu.memory_space<hbm>>
    %dma_start3A_324 = arith.constant 0 : i32
    %dma_start3A_325 = arith.constant 0 : i32
    %dma_start3A_326 = tpu.memref_slice %arg6[%dma_start3A_315, %dma_start3A_324, %dma_start3A_325] : memref<8x64x128xf32, #tpu.memory_space<vmem>> -> memref<1x64x128xf32, #tpu.memory_space<vmem>>
    %dma_start3A_327 = tpu.memref_squeeze %dma_start3A_326 : memref<1x64x128xf32, #tpu.memory_space<vmem>> -> memref<64x128xf32, #tpu.memory_space<vmem>>
    tpu.enqueue_dma source(%dma_start3A_327 : memref<64x128xf32, #tpu.memory_space<vmem>>) target(%dma_start3A_323 : memref<64x128xf32, #tpu.memory_space<hbm>>) target_semaphore(%arg23 : memref<!tpu.dma_semaphore, #tpu.memory_space<semaphore_mem>>)
    %while3A = arith.constant 0 : i32
    %while3A_328 = arith.constant 1 : i32
    %while3A_329 = arith.subi %select_n3A_14, %while3A_328 : i32
    %while3A_330 = arith.addi %while3A_328, %while3A_329 : i32
    %while3A_331 = arith.constant 1 : i32
    %while3A_332 = arith.divsi %while3A_329, %while3A_331 : i32
    %while3A_333 = arith.muli %while3A_332, %while3A_331 : i32
    %while3A_334 = arith.addi %while3A_328, %while3A_333 : i32
    %while3A_335 = arith.constant 1 : i32
    scf.for %while3A_484 = %while3A_328 to %while3A_334 step %while3A_335  : i32 {
      %mul3A_485 = arith.constant 8 : i32
      %mul3A_486 = arith.muli %while3A_484, %mul3A_485 : i32
      %add3A_487 = arith.constant 0 : i32
      %add3A_488 = arith.addi %mul3A_486, %add3A_487 : i32
      %sub3A_489 = arith.constant 8 : i32
      %sub3A_490 = arith.subi %add3A_488, %sub3A_489 : i32
      %mul3A_491 = arith.constant 64 : i32
      %mul3A_492 = arith.muli %sub3A_490, %mul3A_491 : i32
      %add3A_493 = arith.addi %mul3A_5, %mul3A_492 : i32
      %dma_wait3A_494 = arith.constant 0 : i32
      %dma_wait3A_495 = arith.constant 0 : i32
      %dma_wait3A_496 = arith.constant 0 : i32
      %dma_wait3A_497 = tpu.memref_slice %arg6[%dma_wait3A_494, %dma_wait3A_495, %dma_wait3A_496] : memref<8x64x128xf32, #tpu.memory_space<vmem>> -> memref<1x64x128xf32, #tpu.memory_space<vmem>>
      %dma_wait3A_498 = tpu.memref_squeeze %dma_wait3A_497 : memref<1x64x128xf32, #tpu.memory_space<vmem>> -> memref<64x128xf32, #tpu.memory_space<vmem>>
      %dma_wait3A_499 = arith.constant 0 : i32
      %dma_wait3A_500 = tpu.memref_slice %arg4[%add3A_493, %dma_wait3A_499] : memref<320000x128xf32, #tpu.memory_space<hbm>> -> memref<64x128xf32, #tpu.memory_space<hbm>>
      %dma_wait3A_501 = arith.constant 0 : i32
      %dma_wait3A_502 = tpu.memref_slice %arg4[%add3A_493, %dma_wait3A_501] : memref<320000x128xf32, #tpu.memory_space<hbm>> -> memref<64x128xf32, #tpu.memory_space<hbm>>
      %dma_wait3A_503 = arith.constant 0 : i32
      %dma_wait3A_504 = arith.constant 0 : i32
      %dma_wait3A_505 = tpu.memref_slice %arg6[%dma_wait3A_494, %dma_wait3A_503, %dma_wait3A_504] : memref<8x64x128xf32, #tpu.memory_space<vmem>> -> memref<1x64x128xf32, #tpu.memory_space<vmem>>
      %dma_wait3A_506 = tpu.memref_squeeze %dma_wait3A_505 : memref<1x64x128xf32, #tpu.memory_space<vmem>> -> memref<64x128xf32, #tpu.memory_space<vmem>>
      tpu.wait_dma2 semaphore(%arg16 : memref<!tpu.dma_semaphore, #tpu.memory_space<semaphore_mem>>) src(%dma_wait3A_506 : memref<64x128xf32, #tpu.memory_space<vmem>>) dst(%dma_wait3A_502 : memref<64x128xf32, #tpu.memory_space<hbm>>)
      %jit3A_507 = arith.constant 2 : i32
      %div3A = arith.divsi %add3A_488, %jit3A_507 : i32
      %sign3A = arith.constant 0 : i32
      %sign3A_508 = arith.cmpi sgt, %add3A_488, %sign3A : i32
      %sign3A_509 = arith.extui %sign3A_508 : i1 to i32
      %sign3A_510 = arith.constant 0 : i32
      %sign3A_511 = arith.cmpi slt, %add3A_488, %sign3A_510 : i32
      %sign3A_512 = arith.extui %sign3A_511 : i1 to i32
      %sign3A_513 = arith.subi %sign3A_509, %sign3A_512 : i32
      %sign3A_514 = arith.constant 0 : i32
      %sign3A_515 = arith.cmpi sgt, %jit3A_507, %sign3A_514 : i32
      %sign3A_516 = arith.extui %sign3A_515 : i1 to i32
      %sign3A_517 = arith.constant 0 : i32
      %sign3A_518 = arith.cmpi slt, %jit3A_507, %sign3A_517 : i32
      %sign3A_519 = arith.extui %sign3A_518 : i1 to i32
      %sign3A_520 = arith.subi %sign3A_516, %sign3A_519 : i32
      %ne3A = arith.cmpi ne, %sign3A_513, %sign3A_520 : i32
      %rem3A = arith.remsi %add3A_488, %jit3A_507 : i32
      %ne3A_521 = arith.constant 0 : i32
      %ne3A_522 = arith.cmpi ne, %rem3A, %ne3A_521 : i32
      %and3A = arith.andi %ne3A, %ne3A_522 : i1
      %sub3A_523 = arith.constant 1 : i32
      %sub3A_524 = arith.subi %div3A, %sub3A_523 : i32
      %select_n3A_525 = arith.select %and3A, %sub3A_524, %div3A : i32
      %jit3A_526 = arith.constant 2 : i32
      %eq3A_527 = arith.constant 0 : i32
      %eq3A_528 = arith.cmpi eq, %jit3A_526, %eq3A_527 : i32
      %jit3A_529 = arith.constant 1 : i32
      %select_n3A_530 = arith.select %eq3A_528, %jit3A_529, %jit3A_526 : i32
      %rem3A_531 = arith.remsi %add3A_488, %select_n3A_530 : i32
      %ne3A_532 = arith.constant 0 : i32
      %ne3A_533 = arith.cmpi ne, %rem3A_531, %ne3A_532 : i32
      %lt3A = arith.constant 0 : i32
      %lt3A_534 = arith.cmpi slt, %rem3A_531, %lt3A : i32
      %lt3A_535 = arith.constant 0 : i32
      %lt3A_536 = arith.cmpi slt, %select_n3A_530, %lt3A_535 : i32
      %ne3A_537 = arith.xori %lt3A_534, %lt3A_536 : i1
      %and3A_538 = arith.andi %ne3A_537, %ne3A_533 : i1
      %add3A_539 = arith.addi %rem3A_531, %select_n3A_530 : i32
      %select_n3A_540 = arith.select %and3A_538, %add3A_539, %rem3A_531 : i32
      %mul3A_541 = arith.constant 64 : i32
      %mul3A_542 = arith.muli %select_n3A_540, %mul3A_541 : i32
      %dma_start3A_543 = arith.constant 0 : i32
      %dma_start3A_544 = arith.constant 0 : i32
      %dma_start3A_545 = arith.constant 0 : i32
      %dma_start3A_546 = tpu.memref_slice %arg6[%dma_start3A_543, %dma_start3A_544, %dma_start3A_545] : memref<8x64x128xf32, #tpu.memory_space<vmem>> -> memref<1x64x128xf32, #tpu.memory_space<vmem>>
      %dma_start3A_547 = tpu.memref_squeeze %dma_start3A_546 : memref<1x64x128xf32, #tpu.memory_space<vmem>> -> memref<64x128xf32, #tpu.memory_space<vmem>>
      %dma_start3A_548 = tpu.memref_slice %arg5[%select_n3A_525, %mul3A_542] : memref<80x128xi32, #tpu.memory_space<vmem>> -> memref<1x64xi32, #tpu.memory_space<vmem>>
      %dma_start3A_549 = tpu.memref_squeeze %dma_start3A_548 : memref<1x64xi32, #tpu.memory_space<vmem>> -> memref<64xi32, #tpu.memory_space<vmem>>
      %dma_start3A_550 = arith.constant 0 : i32
      %dma_start3A_551 = arith.constant 0 : i32
      %dma_start3A_552 = tpu.memref_slice %arg7[%dma_start3A_550, %dma_start3A_551] : memref<9x128xf32, #tpu.memory_space<vmem_shared>> -> memref<9x128xf32, #tpu.memory_space<vmem_shared>>
      tpu.enqueue_indirect_dma source(%dma_start3A_552 : memref<9x128xf32, #tpu.memory_space<vmem_shared>>) target(%dma_start3A_547 : memref<64x128xf32, #tpu.memory_space<vmem>>) offsets(%dma_start3A_549 : memref<64xi32, #tpu.memory_space<vmem>>) semaphore(%arg8 : memref<!tpu.dma_semaphore, #tpu.memory_space<semaphore_mem>>)
      %add3A_553 = arith.constant 1 : i32
      %add3A_554 = arith.addi %mul3A_486, %add3A_553 : i32
      %sub3A_555 = arith.constant 8 : i32
      %sub3A_556 = arith.subi %add3A_554, %sub3A_555 : i32
      %mul3A_557 = arith.constant 64 : i32
      %mul3A_558 = arith.muli %sub3A_556, %mul3A_557 : i32
      %add3A_559 = arith.addi %mul3A_5, %mul3A_558 : i32
      %dma_wait3A_560 = arith.constant 1 : i32
      %dma_wait3A_561 = arith.constant 0 : i32
      %dma_wait3A_562 = arith.constant 0 : i32
      %dma_wait3A_563 = tpu.memref_slice %arg6[%dma_wait3A_560, %dma_wait3A_561, %dma_wait3A_562] : memref<8x64x128xf32, #tpu.memory_space<vmem>> -> memref<1x64x128xf32, #tpu.memory_space<vmem>>
      %dma_wait3A_564 = tpu.memref_squeeze %dma_wait3A_563 : memref<1x64x128xf32, #tpu.memory_space<vmem>> -> memref<64x128xf32, #tpu.memory_space<vmem>>
      %dma_wait3A_565 = arith.constant 0 : i32
      %dma_wait3A_566 = tpu.memref_slice %arg4[%add3A_559, %dma_wait3A_565] : memref<320000x128xf32, #tpu.memory_space<hbm>> -> memref<64x128xf32, #tpu.memory_space<hbm>>
      %dma_wait3A_567 = arith.constant 0 : i32
      %dma_wait3A_568 = tpu.memref_slice %arg4[%add3A_559, %dma_wait3A_567] : memref<320000x128xf32, #tpu.memory_space<hbm>> -> memref<64x128xf32, #tpu.memory_space<hbm>>
      %dma_wait3A_569 = arith.constant 0 : i32
      %dma_wait3A_570 = arith.constant 0 : i32
      %dma_wait3A_571 = tpu.memref_slice %arg6[%dma_wait3A_560, %dma_wait3A_569, %dma_wait3A_570] : memref<8x64x128xf32, #tpu.memory_space<vmem>> -> memref<1x64x128xf32, #tpu.memory_space<vmem>>
      %dma_wait3A_572 = tpu.memref_squeeze %dma_wait3A_571 : memref<1x64x128xf32, #tpu.memory_space<vmem>> -> memref<64x128xf32, #tpu.memory_space<vmem>>
      tpu.wait_dma2 semaphore(%arg17 : memref<!tpu.dma_semaphore, #tpu.memory_space<semaphore_mem>>) src(%dma_wait3A_572 : memref<64x128xf32, #tpu.memory_space<vmem>>) dst(%dma_wait3A_568 : memref<64x128xf32, #tpu.memory_space<hbm>>)
      %jit3A_573 = arith.constant 2 : i32
      %div3A_574 = arith.divsi %add3A_554, %jit3A_573 : i32
      %sign3A_575 = arith.constant 0 : i32
      %sign3A_576 = arith.cmpi sgt, %add3A_554, %sign3A_575 : i32
      %sign3A_577 = arith.extui %sign3A_576 : i1 to i32
      %sign3A_578 = arith.constant 0 : i32
      %sign3A_579 = arith.cmpi slt, %add3A_554, %sign3A_578 : i32
      %sign3A_580 = arith.extui %sign3A_579 : i1 to i32
      %sign3A_581 = arith.subi %sign3A_577, %sign3A_580 : i32
      %sign3A_582 = arith.constant 0 : i32
      %sign3A_583 = arith.cmpi sgt, %jit3A_573, %sign3A_582 : i32
      %sign3A_584 = arith.extui %sign3A_583 : i1 to i32
      %sign3A_585 = arith.constant 0 : i32
      %sign3A_586 = arith.cmpi slt, %jit3A_573, %sign3A_585 : i32
      %sign3A_587 = arith.extui %sign3A_586 : i1 to i32
      %sign3A_588 = arith.subi %sign3A_584, %sign3A_587 : i32
      %ne3A_589 = arith.cmpi ne, %sign3A_581, %sign3A_588 : i32
      %rem3A_590 = arith.remsi %add3A_554, %jit3A_573 : i32
      %ne3A_591 = arith.constant 0 : i32
      %ne3A_592 = arith.cmpi ne, %rem3A_590, %ne3A_591 : i32
      %and3A_593 = arith.andi %ne3A_589, %ne3A_592 : i1
      %sub3A_594 = arith.constant 1 : i32
      %sub3A_595 = arith.subi %div3A_574, %sub3A_594 : i32
      %select_n3A_596 = arith.select %and3A_593, %sub3A_595, %div3A_574 : i32
      %jit3A_597 = arith.constant 2 : i32
      %eq3A_598 = arith.constant 0 : i32
      %eq3A_599 = arith.cmpi eq, %jit3A_597, %eq3A_598 : i32
      %jit3A_600 = arith.constant 1 : i32
      %select_n3A_601 = arith.select %eq3A_599, %jit3A_600, %jit3A_597 : i32
      %rem3A_602 = arith.remsi %add3A_554, %select_n3A_601 : i32
      %ne3A_603 = arith.constant 0 : i32
      %ne3A_604 = arith.cmpi ne, %rem3A_602, %ne3A_603 : i32
      %lt3A_605 = arith.constant 0 : i32
      %lt3A_606 = arith.cmpi slt, %rem3A_602, %lt3A_605 : i32
      %lt3A_607 = arith.constant 0 : i32
      %lt3A_608 = arith.cmpi slt, %select_n3A_601, %lt3A_607 : i32
      %ne3A_609 = arith.xori %lt3A_606, %lt3A_608 : i1
      %and3A_610 = arith.andi %ne3A_609, %ne3A_604 : i1
      %add3A_611 = arith.addi %rem3A_602, %select_n3A_601 : i32
      %select_n3A_612 = arith.select %and3A_610, %add3A_611, %rem3A_602 : i32
      %mul3A_613 = arith.constant 64 : i32
      %mul3A_614 = arith.muli %select_n3A_612, %mul3A_613 : i32
      %dma_start3A_615 = arith.constant 1 : i32
      %dma_start3A_616 = arith.constant 0 : i32
      %dma_start3A_617 = arith.constant 0 : i32
      %dma_start3A_618 = tpu.memref_slice %arg6[%dma_start3A_615, %dma_start3A_616, %dma_start3A_617] : memref<8x64x128xf32, #tpu.memory_space<vmem>> -> memref<1x64x128xf32, #tpu.memory_space<vmem>>
      %dma_start3A_619 = tpu.memref_squeeze %dma_start3A_618 : memref<1x64x128xf32, #tpu.memory_space<vmem>> -> memref<64x128xf32, #tpu.memory_space<vmem>>
      %dma_start3A_620 = tpu.memref_slice %arg5[%select_n3A_596, %mul3A_614] : memref<80x128xi32, #tpu.memory_space<vmem>> -> memref<1x64xi32, #tpu.memory_space<vmem>>
      %dma_start3A_621 = tpu.memref_squeeze %dma_start3A_620 : memref<1x64xi32, #tpu.memory_space<vmem>> -> memref<64xi32, #tpu.memory_space<vmem>>
      %dma_start3A_622 = arith.constant 0 : i32
      %dma_start3A_623 = arith.constant 0 : i32
      %dma_start3A_624 = tpu.memref_slice %arg7[%dma_start3A_622, %dma_start3A_623] : memref<9x128xf32, #tpu.memory_space<vmem_shared>> -> memref<9x128xf32, #tpu.memory_space<vmem_shared>>
      tpu.enqueue_indirect_dma source(%dma_start3A_624 : memref<9x128xf32, #tpu.memory_space<vmem_shared>>) target(%dma_start3A_619 : memref<64x128xf32, #tpu.memory_space<vmem>>) offsets(%dma_start3A_621 : memref<64xi32, #tpu.memory_space<vmem>>) semaphore(%arg9 : memref<!tpu.dma_semaphore, #tpu.memory_space<semaphore_mem>>)
      %add3A_625 = arith.constant 2 : i32
      %add3A_626 = arith.addi %mul3A_486, %add3A_625 : i32
      %sub3A_627 = arith.constant 8 : i32
      %sub3A_628 = arith.subi %add3A_626, %sub3A_627 : i32
      %mul3A_629 = arith.constant 64 : i32
      %mul3A_630 = arith.muli %sub3A_628, %mul3A_629 : i32
      %add3A_631 = arith.addi %mul3A_5, %mul3A_630 : i32
      %dma_wait3A_632 = arith.constant 2 : i32
      %dma_wait3A_633 = arith.constant 0 : i32
      %dma_wait3A_634 = arith.constant 0 : i32
      %dma_wait3A_635 = tpu.memref_slice %arg6[%dma_wait3A_632, %dma_wait3A_633, %dma_wait3A_634] : memref<8x64x128xf32, #tpu.memory_space<vmem>> -> memref<1x64x128xf32, #tpu.memory_space<vmem>>
      %dma_wait3A_636 = tpu.memref_squeeze %dma_wait3A_635 : memref<1x64x128xf32, #tpu.memory_space<vmem>> -> memref<64x128xf32, #tpu.memory_space<vmem>>
      %dma_wait3A_637 = arith.constant 0 : i32
      %dma_wait3A_638 = tpu.memref_slice %arg4[%add3A_631, %dma_wait3A_637] : memref<320000x128xf32, #tpu.memory_space<hbm>> -> memref<64x128xf32, #tpu.memory_space<hbm>>
      %dma_wait3A_639 = arith.constant 0 : i32
      %dma_wait3A_640 = tpu.memref_slice %arg4[%add3A_631, %dma_wait3A_639] : memref<320000x128xf32, #tpu.memory_space<hbm>> -> memref<64x128xf32, #tpu.memory_space<hbm>>
      %dma_wait3A_641 = arith.constant 0 : i32
      %dma_wait3A_642 = arith.constant 0 : i32
      %dma_wait3A_643 = tpu.memref_slice %arg6[%dma_wait3A_632, %dma_wait3A_641, %dma_wait3A_642] : memref<8x64x128xf32, #tpu.memory_space<vmem>> -> memref<1x64x128xf32, #tpu.memory_space<vmem>>
      %dma_wait3A_644 = tpu.memref_squeeze %dma_wait3A_643 : memref<1x64x128xf32, #tpu.memory_space<vmem>> -> memref<64x128xf32, #tpu.memory_space<vmem>>
      tpu.wait_dma2 semaphore(%arg18 : memref<!tpu.dma_semaphore, #tpu.memory_space<semaphore_mem>>) src(%dma_wait3A_644 : memref<64x128xf32, #tpu.memory_space<vmem>>) dst(%dma_wait3A_640 : memref<64x128xf32, #tpu.memory_space<hbm>>)
      %jit3A_645 = arith.constant 2 : i32
      %div3A_646 = arith.divsi %add3A_626, %jit3A_645 : i32
      %sign3A_647 = arith.constant 0 : i32
      %sign3A_648 = arith.cmpi sgt, %add3A_626, %sign3A_647 : i32
      %sign3A_649 = arith.extui %sign3A_648 : i1 to i32
      %sign3A_650 = arith.constant 0 : i32
      %sign3A_651 = arith.cmpi slt, %add3A_626, %sign3A_650 : i32
      %sign3A_652 = arith.extui %sign3A_651 : i1 to i32
      %sign3A_653 = arith.subi %sign3A_649, %sign3A_652 : i32
      %sign3A_654 = arith.constant 0 : i32
      %sign3A_655 = arith.cmpi sgt, %jit3A_645, %sign3A_654 : i32
      %sign3A_656 = arith.extui %sign3A_655 : i1 to i32
      %sign3A_657 = arith.constant 0 : i32
      %sign3A_658 = arith.cmpi slt, %jit3A_645, %sign3A_657 : i32
      %sign3A_659 = arith.extui %sign3A_658 : i1 to i32
      %sign3A_660 = arith.subi %sign3A_656, %sign3A_659 : i32
      %ne3A_661 = arith.cmpi ne, %sign3A_653, %sign3A_660 : i32
      %rem3A_662 = arith.remsi %add3A_626, %jit3A_645 : i32
      %ne3A_663 = arith.constant 0 : i32
      %ne3A_664 = arith.cmpi ne, %rem3A_662, %ne3A_663 : i32
      %and3A_665 = arith.andi %ne3A_661, %ne3A_664 : i1
      %sub3A_666 = arith.constant 1 : i32
      %sub3A_667 = arith.subi %div3A_646, %sub3A_666 : i32
      %select_n3A_668 = arith.select %and3A_665, %sub3A_667, %div3A_646 : i32
      %jit3A_669 = arith.constant 2 : i32
      %eq3A_670 = arith.constant 0 : i32
      %eq3A_671 = arith.cmpi eq, %jit3A_669, %eq3A_670 : i32
      %jit3A_672 = arith.constant 1 : i32
      %select_n3A_673 = arith.select %eq3A_671, %jit3A_672, %jit3A_669 : i32
      %rem3A_674 = arith.remsi %add3A_626, %select_n3A_673 : i32
      %ne3A_675 = arith.constant 0 : i32
      %ne3A_676 = arith.cmpi ne, %rem3A_674, %ne3A_675 : i32
      %lt3A_677 = arith.constant 0 : i32
      %lt3A_678 = arith.cmpi slt, %rem3A_674, %lt3A_677 : i32
      %lt3A_679 = arith.constant 0 : i32
      %lt3A_680 = arith.cmpi slt, %select_n3A_673, %lt3A_679 : i32
      %ne3A_681 = arith.xori %lt3A_678, %lt3A_680 : i1
      %and3A_682 = arith.andi %ne3A_681, %ne3A_676 : i1
      %add3A_683 = arith.addi %rem3A_674, %select_n3A_673 : i32
      %select_n3A_684 = arith.select %and3A_682, %add3A_683, %rem3A_674 : i32
      %mul3A_685 = arith.constant 64 : i32
      %mul3A_686 = arith.muli %select_n3A_684, %mul3A_685 : i32
      %dma_start3A_687 = arith.constant 2 : i32
      %dma_start3A_688 = arith.constant 0 : i32
      %dma_start3A_689 = arith.constant 0 : i32
      %dma_start3A_690 = tpu.memref_slice %arg6[%dma_start3A_687, %dma_start3A_688, %dma_start3A_689] : memref<8x64x128xf32, #tpu.memory_space<vmem>> -> memref<1x64x128xf32, #tpu.memory_space<vmem>>
      %dma_start3A_691 = tpu.memref_squeeze %dma_start3A_690 : memref<1x64x128xf32, #tpu.memory_space<vmem>> -> memref<64x128xf32, #tpu.memory_space<vmem>>
      %dma_start3A_692 = tpu.memref_slice %arg5[%select_n3A_668, %mul3A_686] : memref<80x128xi32, #tpu.memory_space<vmem>> -> memref<1x64xi32, #tpu.memory_space<vmem>>
      %dma_start3A_693 = tpu.memref_squeeze %dma_start3A_692 : memref<1x64xi32, #tpu.memory_space<vmem>> -> memref<64xi32, #tpu.memory_space<vmem>>
      %dma_start3A_694 = arith.constant 0 : i32
      %dma_start3A_695 = arith.constant 0 : i32
      %dma_start3A_696 = tpu.memref_slice %arg7[%dma_start3A_694, %dma_start3A_695] : memref<9x128xf32, #tpu.memory_space<vmem_shared>> -> memref<9x128xf32, #tpu.memory_space<vmem_shared>>
      tpu.enqueue_indirect_dma source(%dma_start3A_696 : memref<9x128xf32, #tpu.memory_space<vmem_shared>>) target(%dma_start3A_691 : memref<64x128xf32, #tpu.memory_space<vmem>>) offsets(%dma_start3A_693 : memref<64xi32, #tpu.memory_space<vmem>>) semaphore(%arg10 : memref<!tpu.dma_semaphore, #tpu.memory_space<semaphore_mem>>)
      %add3A_697 = arith.constant 3 : i32
      %add3A_698 = arith.addi %mul3A_486, %add3A_697 : i32
      %sub3A_699 = arith.constant 8 : i32
      %sub3A_700 = arith.subi %add3A_698, %sub3A_699 : i32
      %mul3A_701 = arith.constant 64 : i32
      %mul3A_702 = arith.muli %sub3A_700, %mul3A_701 : i32
      %add3A_703 = arith.addi %mul3A_5, %mul3A_702 : i32
      %dma_wait3A_704 = arith.constant 3 : i32
      %dma_wait3A_705 = arith.constant 0 : i32
      %dma_wait3A_706 = arith.constant 0 : i32
      %dma_wait3A_707 = tpu.memref_slice %arg6[%dma_wait3A_704, %dma_wait3A_705, %dma_wait3A_706] : memref<8x64x128xf32, #tpu.memory_space<vmem>> -> memref<1x64x128xf32, #tpu.memory_space<vmem>>
      %dma_wait3A_708 = tpu.memref_squeeze %dma_wait3A_707 : memref<1x64x128xf32, #tpu.memory_space<vmem>> -> memref<64x128xf32, #tpu.memory_space<vmem>>
      %dma_wait3A_709 = arith.constant 0 : i32
      %dma_wait3A_710 = tpu.memref_slice %arg4[%add3A_703, %dma_wait3A_709] : memref<320000x128xf32, #tpu.memory_space<hbm>> -> memref<64x128xf32, #tpu.memory_space<hbm>>
      %dma_wait3A_711 = arith.constant 0 : i32
      %dma_wait3A_712 = tpu.memref_slice %arg4[%add3A_703, %dma_wait3A_711] : memref<320000x128xf32, #tpu.memory_space<hbm>> -> memref<64x128xf32, #tpu.memory_space<hbm>>
      %dma_wait3A_713 = arith.constant 0 : i32
      %dma_wait3A_714 = arith.constant 0 : i32
      %dma_wait3A_715 = tpu.memref_slice %arg6[%dma_wait3A_704, %dma_wait3A_713, %dma_wait3A_714] : memref<8x64x128xf32, #tpu.memory_space<vmem>> -> memref<1x64x128xf32, #tpu.memory_space<vmem>>
      %dma_wait3A_716 = tpu.memref_squeeze %dma_wait3A_715 : memref<1x64x128xf32, #tpu.memory_space<vmem>> -> memref<64x128xf32, #tpu.memory_space<vmem>>
      tpu.wait_dma2 semaphore(%arg19 : memref<!tpu.dma_semaphore, #tpu.memory_space<semaphore_mem>>) src(%dma_wait3A_716 : memref<64x128xf32, #tpu.memory_space<vmem>>) dst(%dma_wait3A_712 : memref<64x128xf32, #tpu.memory_space<hbm>>)
      %jit3A_717 = arith.constant 2 : i32
      %div3A_718 = arith.divsi %add3A_698, %jit3A_717 : i32
      %sign3A_719 = arith.constant 0 : i32
      %sign3A_720 = arith.cmpi sgt, %add3A_698, %sign3A_719 : i32
      %sign3A_721 = arith.extui %sign3A_720 : i1 to i32
      %sign3A_722 = arith.constant 0 : i32
      %sign3A_723 = arith.cmpi slt, %add3A_698, %sign3A_722 : i32
      %sign3A_724 = arith.extui %sign3A_723 : i1 to i32
      %sign3A_725 = arith.subi %sign3A_721, %sign3A_724 : i32
      %sign3A_726 = arith.constant 0 : i32
      %sign3A_727 = arith.cmpi sgt, %jit3A_717, %sign3A_726 : i32
      %sign3A_728 = arith.extui %sign3A_727 : i1 to i32
      %sign3A_729 = arith.constant 0 : i32
      %sign3A_730 = arith.cmpi slt, %jit3A_717, %sign3A_729 : i32
      %sign3A_731 = arith.extui %sign3A_730 : i1 to i32
      %sign3A_732 = arith.subi %sign3A_728, %sign3A_731 : i32
      %ne3A_733 = arith.cmpi ne, %sign3A_725, %sign3A_732 : i32
      %rem3A_734 = arith.remsi %add3A_698, %jit3A_717 : i32
      %ne3A_735 = arith.constant 0 : i32
      %ne3A_736 = arith.cmpi ne, %rem3A_734, %ne3A_735 : i32
      %and3A_737 = arith.andi %ne3A_733, %ne3A_736 : i1
      %sub3A_738 = arith.constant 1 : i32
      %sub3A_739 = arith.subi %div3A_718, %sub3A_738 : i32
      %select_n3A_740 = arith.select %and3A_737, %sub3A_739, %div3A_718 : i32
      %jit3A_741 = arith.constant 2 : i32
      %eq3A_742 = arith.constant 0 : i32
      %eq3A_743 = arith.cmpi eq, %jit3A_741, %eq3A_742 : i32
      %jit3A_744 = arith.constant 1 : i32
      %select_n3A_745 = arith.select %eq3A_743, %jit3A_744, %jit3A_741 : i32
      %rem3A_746 = arith.remsi %add3A_698, %select_n3A_745 : i32
      %ne3A_747 = arith.constant 0 : i32
      %ne3A_748 = arith.cmpi ne, %rem3A_746, %ne3A_747 : i32
      %lt3A_749 = arith.constant 0 : i32
      %lt3A_750 = arith.cmpi slt, %rem3A_746, %lt3A_749 : i32
      %lt3A_751 = arith.constant 0 : i32
      %lt3A_752 = arith.cmpi slt, %select_n3A_745, %lt3A_751 : i32
      %ne3A_753 = arith.xori %lt3A_750, %lt3A_752 : i1
      %and3A_754 = arith.andi %ne3A_753, %ne3A_748 : i1
      %add3A_755 = arith.addi %rem3A_746, %select_n3A_745 : i32
      %select_n3A_756 = arith.select %and3A_754, %add3A_755, %rem3A_746 : i32
      %mul3A_757 = arith.constant 64 : i32
      %mul3A_758 = arith.muli %select_n3A_756, %mul3A_757 : i32
      %dma_start3A_759 = arith.constant 3 : i32
      %dma_start3A_760 = arith.constant 0 : i32
      %dma_start3A_761 = arith.constant 0 : i32
      %dma_start3A_762 = tpu.memref_slice %arg6[%dma_start3A_759, %dma_start3A_760, %dma_start3A_761] : memref<8x64x128xf32, #tpu.memory_space<vmem>> -> memref<1x64x128xf32, #tpu.memory_space<vmem>>
      %dma_start3A_763 = tpu.memref_squeeze %dma_start3A_762 : memref<1x64x128xf32, #tpu.memory_space<vmem>> -> memref<64x128xf32, #tpu.memory_space<vmem>>
      %dma_start3A_764 = tpu.memref_slice %arg5[%select_n3A_740, %mul3A_758] : memref<80x128xi32, #tpu.memory_space<vmem>> -> memref<1x64xi32, #tpu.memory_space<vmem>>
      %dma_start3A_765 = tpu.memref_squeeze %dma_start3A_764 : memref<1x64xi32, #tpu.memory_space<vmem>> -> memref<64xi32, #tpu.memory_space<vmem>>
      %dma_start3A_766 = arith.constant 0 : i32
      %dma_start3A_767 = arith.constant 0 : i32
      %dma_start3A_768 = tpu.memref_slice %arg7[%dma_start3A_766, %dma_start3A_767] : memref<9x128xf32, #tpu.memory_space<vmem_shared>> -> memref<9x128xf32, #tpu.memory_space<vmem_shared>>
      tpu.enqueue_indirect_dma source(%dma_start3A_768 : memref<9x128xf32, #tpu.memory_space<vmem_shared>>) target(%dma_start3A_763 : memref<64x128xf32, #tpu.memory_space<vmem>>) offsets(%dma_start3A_765 : memref<64xi32, #tpu.memory_space<vmem>>) semaphore(%arg11 : memref<!tpu.dma_semaphore, #tpu.memory_space<semaphore_mem>>)
      %add3A_769 = arith.constant 4 : i32
      %add3A_770 = arith.addi %mul3A_486, %add3A_769 : i32
      %sub3A_771 = arith.constant 8 : i32
      %sub3A_772 = arith.subi %add3A_770, %sub3A_771 : i32
      %mul3A_773 = arith.constant 64 : i32
      %mul3A_774 = arith.muli %sub3A_772, %mul3A_773 : i32
      %add3A_775 = arith.addi %mul3A_5, %mul3A_774 : i32
      %dma_wait3A_776 = arith.constant 4 : i32
      %dma_wait3A_777 = arith.constant 0 : i32
      %dma_wait3A_778 = arith.constant 0 : i32
      %dma_wait3A_779 = tpu.memref_slice %arg6[%dma_wait3A_776, %dma_wait3A_777, %dma_wait3A_778] : memref<8x64x128xf32, #tpu.memory_space<vmem>> -> memref<1x64x128xf32, #tpu.memory_space<vmem>>
      %dma_wait3A_780 = tpu.memref_squeeze %dma_wait3A_779 : memref<1x64x128xf32, #tpu.memory_space<vmem>> -> memref<64x128xf32, #tpu.memory_space<vmem>>
      %dma_wait3A_781 = arith.constant 0 : i32
      %dma_wait3A_782 = tpu.memref_slice %arg4[%add3A_775, %dma_wait3A_781] : memref<320000x128xf32, #tpu.memory_space<hbm>> -> memref<64x128xf32, #tpu.memory_space<hbm>>
      %dma_wait3A_783 = arith.constant 0 : i32
      %dma_wait3A_784 = tpu.memref_slice %arg4[%add3A_775, %dma_wait3A_783] : memref<320000x128xf32, #tpu.memory_space<hbm>> -> memref<64x128xf32, #tpu.memory_space<hbm>>
      %dma_wait3A_785 = arith.constant 0 : i32
      %dma_wait3A_786 = arith.constant 0 : i32
      %dma_wait3A_787 = tpu.memref_slice %arg6[%dma_wait3A_776, %dma_wait3A_785, %dma_wait3A_786] : memref<8x64x128xf32, #tpu.memory_space<vmem>> -> memref<1x64x128xf32, #tpu.memory_space<vmem>>
      %dma_wait3A_788 = tpu.memref_squeeze %dma_wait3A_787 : memref<1x64x128xf32, #tpu.memory_space<vmem>> -> memref<64x128xf32, #tpu.memory_space<vmem>>
      tpu.wait_dma2 semaphore(%arg20 : memref<!tpu.dma_semaphore, #tpu.memory_space<semaphore_mem>>) src(%dma_wait3A_788 : memref<64x128xf32, #tpu.memory_space<vmem>>) dst(%dma_wait3A_784 : memref<64x128xf32, #tpu.memory_space<hbm>>)
      %jit3A_789 = arith.constant 2 : i32
      %div3A_790 = arith.divsi %add3A_770, %jit3A_789 : i32
      %sign3A_791 = arith.constant 0 : i32
      %sign3A_792 = arith.cmpi sgt, %add3A_770, %sign3A_791 : i32
      %sign3A_793 = arith.extui %sign3A_792 : i1 to i32
      %sign3A_794 = arith.constant 0 : i32
      %sign3A_795 = arith.cmpi slt, %add3A_770, %sign3A_794 : i32
      %sign3A_796 = arith.extui %sign3A_795 : i1 to i32
      %sign3A_797 = arith.subi %sign3A_793, %sign3A_796 : i32
      %sign3A_798 = arith.constant 0 : i32
      %sign3A_799 = arith.cmpi sgt, %jit3A_789, %sign3A_798 : i32
      %sign3A_800 = arith.extui %sign3A_799 : i1 to i32
      %sign3A_801 = arith.constant 0 : i32
      %sign3A_802 = arith.cmpi slt, %jit3A_789, %sign3A_801 : i32
      %sign3A_803 = arith.extui %sign3A_802 : i1 to i32
      %sign3A_804 = arith.subi %sign3A_800, %sign3A_803 : i32
      %ne3A_805 = arith.cmpi ne, %sign3A_797, %sign3A_804 : i32
      %rem3A_806 = arith.remsi %add3A_770, %jit3A_789 : i32
      %ne3A_807 = arith.constant 0 : i32
      %ne3A_808 = arith.cmpi ne, %rem3A_806, %ne3A_807 : i32
      %and3A_809 = arith.andi %ne3A_805, %ne3A_808 : i1
      %sub3A_810 = arith.constant 1 : i32
      %sub3A_811 = arith.subi %div3A_790, %sub3A_810 : i32
      %select_n3A_812 = arith.select %and3A_809, %sub3A_811, %div3A_790 : i32
      %jit3A_813 = arith.constant 2 : i32
      %eq3A_814 = arith.constant 0 : i32
      %eq3A_815 = arith.cmpi eq, %jit3A_813, %eq3A_814 : i32
      %jit3A_816 = arith.constant 1 : i32
      %select_n3A_817 = arith.select %eq3A_815, %jit3A_816, %jit3A_813 : i32
      %rem3A_818 = arith.remsi %add3A_770, %select_n3A_817 : i32
      %ne3A_819 = arith.constant 0 : i32
      %ne3A_820 = arith.cmpi ne, %rem3A_818, %ne3A_819 : i32
      %lt3A_821 = arith.constant 0 : i32
      %lt3A_822 = arith.cmpi slt, %rem3A_818, %lt3A_821 : i32
      %lt3A_823 = arith.constant 0 : i32
      %lt3A_824 = arith.cmpi slt, %select_n3A_817, %lt3A_823 : i32
      %ne3A_825 = arith.xori %lt3A_822, %lt3A_824 : i1
      %and3A_826 = arith.andi %ne3A_825, %ne3A_820 : i1
      %add3A_827 = arith.addi %rem3A_818, %select_n3A_817 : i32
      %select_n3A_828 = arith.select %and3A_826, %add3A_827, %rem3A_818 : i32
      %mul3A_829 = arith.constant 64 : i32
      %mul3A_830 = arith.muli %select_n3A_828, %mul3A_829 : i32
      %dma_start3A_831 = arith.constant 4 : i32
      %dma_start3A_832 = arith.constant 0 : i32
      %dma_start3A_833 = arith.constant 0 : i32
      %dma_start3A_834 = tpu.memref_slice %arg6[%dma_start3A_831, %dma_start3A_832, %dma_start3A_833] : memref<8x64x128xf32, #tpu.memory_space<vmem>> -> memref<1x64x128xf32, #tpu.memory_space<vmem>>
      %dma_start3A_835 = tpu.memref_squeeze %dma_start3A_834 : memref<1x64x128xf32, #tpu.memory_space<vmem>> -> memref<64x128xf32, #tpu.memory_space<vmem>>
      %dma_start3A_836 = tpu.memref_slice %arg5[%select_n3A_812, %mul3A_830] : memref<80x128xi32, #tpu.memory_space<vmem>> -> memref<1x64xi32, #tpu.memory_space<vmem>>
      %dma_start3A_837 = tpu.memref_squeeze %dma_start3A_836 : memref<1x64xi32, #tpu.memory_space<vmem>> -> memref<64xi32, #tpu.memory_space<vmem>>
      %dma_start3A_838 = arith.constant 0 : i32
      %dma_start3A_839 = arith.constant 0 : i32
      %dma_start3A_840 = tpu.memref_slice %arg7[%dma_start3A_838, %dma_start3A_839] : memref<9x128xf32, #tpu.memory_space<vmem_shared>> -> memref<9x128xf32, #tpu.memory_space<vmem_shared>>
      tpu.enqueue_indirect_dma source(%dma_start3A_840 : memref<9x128xf32, #tpu.memory_space<vmem_shared>>) target(%dma_start3A_835 : memref<64x128xf32, #tpu.memory_space<vmem>>) offsets(%dma_start3A_837 : memref<64xi32, #tpu.memory_space<vmem>>) semaphore(%arg12 : memref<!tpu.dma_semaphore, #tpu.memory_space<semaphore_mem>>)
      %add3A_841 = arith.constant 5 : i32
      %add3A_842 = arith.addi %mul3A_486, %add3A_841 : i32
      %sub3A_843 = arith.constant 8 : i32
      %sub3A_844 = arith.subi %add3A_842, %sub3A_843 : i32
      %mul3A_845 = arith.constant 64 : i32
      %mul3A_846 = arith.muli %sub3A_844, %mul3A_845 : i32
      %add3A_847 = arith.addi %mul3A_5, %mul3A_846 : i32
      %dma_wait3A_848 = arith.constant 5 : i32
      %dma_wait3A_849 = arith.constant 0 : i32
      %dma_wait3A_850 = arith.constant 0 : i32
      %dma_wait3A_851 = tpu.memref_slice %arg6[%dma_wait3A_848, %dma_wait3A_849, %dma_wait3A_850] : memref<8x64x128xf32, #tpu.memory_space<vmem>> -> memref<1x64x128xf32, #tpu.memory_space<vmem>>
      %dma_wait3A_852 = tpu.memref_squeeze %dma_wait3A_851 : memref<1x64x128xf32, #tpu.memory_space<vmem>> -> memref<64x128xf32, #tpu.memory_space<vmem>>
      %dma_wait3A_853 = arith.constant 0 : i32
      %dma_wait3A_854 = tpu.memref_slice %arg4[%add3A_847, %dma_wait3A_853] : memref<320000x128xf32, #tpu.memory_space<hbm>> -> memref<64x128xf32, #tpu.memory_space<hbm>>
      %dma_wait3A_855 = arith.constant 0 : i32
      %dma_wait3A_856 = tpu.memref_slice %arg4[%add3A_847, %dma_wait3A_855] : memref<320000x128xf32, #tpu.memory_space<hbm>> -> memref<64x128xf32, #tpu.memory_space<hbm>>
      %dma_wait3A_857 = arith.constant 0 : i32
      %dma_wait3A_858 = arith.constant 0 : i32
      %dma_wait3A_859 = tpu.memref_slice %arg6[%dma_wait3A_848, %dma_wait3A_857, %dma_wait3A_858] : memref<8x64x128xf32, #tpu.memory_space<vmem>> -> memref<1x64x128xf32, #tpu.memory_space<vmem>>
      %dma_wait3A_860 = tpu.memref_squeeze %dma_wait3A_859 : memref<1x64x128xf32, #tpu.memory_space<vmem>> -> memref<64x128xf32, #tpu.memory_space<vmem>>
      tpu.wait_dma2 semaphore(%arg21 : memref<!tpu.dma_semaphore, #tpu.memory_space<semaphore_mem>>) src(%dma_wait3A_860 : memref<64x128xf32, #tpu.memory_space<vmem>>) dst(%dma_wait3A_856 : memref<64x128xf32, #tpu.memory_space<hbm>>)
      %jit3A_861 = arith.constant 2 : i32
      %div3A_862 = arith.divsi %add3A_842, %jit3A_861 : i32
      %sign3A_863 = arith.constant 0 : i32
      %sign3A_864 = arith.cmpi sgt, %add3A_842, %sign3A_863 : i32
      %sign3A_865 = arith.extui %sign3A_864 : i1 to i32
      %sign3A_866 = arith.constant 0 : i32
      %sign3A_867 = arith.cmpi slt, %add3A_842, %sign3A_866 : i32
      %sign3A_868 = arith.extui %sign3A_867 : i1 to i32
      %sign3A_869 = arith.subi %sign3A_865, %sign3A_868 : i32
      %sign3A_870 = arith.constant 0 : i32
      %sign3A_871 = arith.cmpi sgt, %jit3A_861, %sign3A_870 : i32
      %sign3A_872 = arith.extui %sign3A_871 : i1 to i32
      %sign3A_873 = arith.constant 0 : i32
      %sign3A_874 = arith.cmpi slt, %jit3A_861, %sign3A_873 : i32
      %sign3A_875 = arith.extui %sign3A_874 : i1 to i32
      %sign3A_876 = arith.subi %sign3A_872, %sign3A_875 : i32
      %ne3A_877 = arith.cmpi ne, %sign3A_869, %sign3A_876 : i32
      %rem3A_878 = arith.remsi %add3A_842, %jit3A_861 : i32
      %ne3A_879 = arith.constant 0 : i32
      %ne3A_880 = arith.cmpi ne, %rem3A_878, %ne3A_879 : i32
      %and3A_881 = arith.andi %ne3A_877, %ne3A_880 : i1
      %sub3A_882 = arith.constant 1 : i32
      %sub3A_883 = arith.subi %div3A_862, %sub3A_882 : i32
      %select_n3A_884 = arith.select %and3A_881, %sub3A_883, %div3A_862 : i32
      %jit3A_885 = arith.constant 2 : i32
      %eq3A_886 = arith.constant 0 : i32
      %eq3A_887 = arith.cmpi eq, %jit3A_885, %eq3A_886 : i32
      %jit3A_888 = arith.constant 1 : i32
      %select_n3A_889 = arith.select %eq3A_887, %jit3A_888, %jit3A_885 : i32
      %rem3A_890 = arith.remsi %add3A_842, %select_n3A_889 : i32
      %ne3A_891 = arith.constant 0 : i32
      %ne3A_892 = arith.cmpi ne, %rem3A_890, %ne3A_891 : i32
      %lt3A_893 = arith.constant 0 : i32
      %lt3A_894 = arith.cmpi slt, %rem3A_890, %lt3A_893 : i32
      %lt3A_895 = arith.constant 0 : i32
      %lt3A_896 = arith.cmpi slt, %select_n3A_889, %lt3A_895 : i32
      %ne3A_897 = arith.xori %lt3A_894, %lt3A_896 : i1
      %and3A_898 = arith.andi %ne3A_897, %ne3A_892 : i1
      %add3A_899 = arith.addi %rem3A_890, %select_n3A_889 : i32
      %select_n3A_900 = arith.select %and3A_898, %add3A_899, %rem3A_890 : i32
      %mul3A_901 = arith.constant 64 : i32
      %mul3A_902 = arith.muli %select_n3A_900, %mul3A_901 : i32
      %dma_start3A_903 = arith.constant 5 : i32
      %dma_start3A_904 = arith.constant 0 : i32
      %dma_start3A_905 = arith.constant 0 : i32
      %dma_start3A_906 = tpu.memref_slice %arg6[%dma_start3A_903, %dma_start3A_904, %dma_start3A_905] : memref<8x64x128xf32, #tpu.memory_space<vmem>> -> memref<1x64x128xf32, #tpu.memory_space<vmem>>
      %dma_start3A_907 = tpu.memref_squeeze %dma_start3A_906 : memref<1x64x128xf32, #tpu.memory_space<vmem>> -> memref<64x128xf32, #tpu.memory_space<vmem>>
      %dma_start3A_908 = tpu.memref_slice %arg5[%select_n3A_884, %mul3A_902] : memref<80x128xi32, #tpu.memory_space<vmem>> -> memref<1x64xi32, #tpu.memory_space<vmem>>
      %dma_start3A_909 = tpu.memref_squeeze %dma_start3A_908 : memref<1x64xi32, #tpu.memory_space<vmem>> -> memref<64xi32, #tpu.memory_space<vmem>>
      %dma_start3A_910 = arith.constant 0 : i32
      %dma_start3A_911 = arith.constant 0 : i32
      %dma_start3A_912 = tpu.memref_slice %arg7[%dma_start3A_910, %dma_start3A_911] : memref<9x128xf32, #tpu.memory_space<vmem_shared>> -> memref<9x128xf32, #tpu.memory_space<vmem_shared>>
      tpu.enqueue_indirect_dma source(%dma_start3A_912 : memref<9x128xf32, #tpu.memory_space<vmem_shared>>) target(%dma_start3A_907 : memref<64x128xf32, #tpu.memory_space<vmem>>) offsets(%dma_start3A_909 : memref<64xi32, #tpu.memory_space<vmem>>) semaphore(%arg13 : memref<!tpu.dma_semaphore, #tpu.memory_space<semaphore_mem>>)
      %add3A_913 = arith.constant 6 : i32
      %add3A_914 = arith.addi %mul3A_486, %add3A_913 : i32
      %sub3A_915 = arith.constant 8 : i32
      %sub3A_916 = arith.subi %add3A_914, %sub3A_915 : i32
      %mul3A_917 = arith.constant 64 : i32
      %mul3A_918 = arith.muli %sub3A_916, %mul3A_917 : i32
      %add3A_919 = arith.addi %mul3A_5, %mul3A_918 : i32
      %dma_wait3A_920 = arith.constant 6 : i32
      %dma_wait3A_921 = arith.constant 0 : i32
      %dma_wait3A_922 = arith.constant 0 : i32
      %dma_wait3A_923 = tpu.memref_slice %arg6[%dma_wait3A_920, %dma_wait3A_921, %dma_wait3A_922] : memref<8x64x128xf32, #tpu.memory_space<vmem>> -> memref<1x64x128xf32, #tpu.memory_space<vmem>>
      %dma_wait3A_924 = tpu.memref_squeeze %dma_wait3A_923 : memref<1x64x128xf32, #tpu.memory_space<vmem>> -> memref<64x128xf32, #tpu.memory_space<vmem>>
      %dma_wait3A_925 = arith.constant 0 : i32
      %dma_wait3A_926 = tpu.memref_slice %arg4[%add3A_919, %dma_wait3A_925] : memref<320000x128xf32, #tpu.memory_space<hbm>> -> memref<64x128xf32, #tpu.memory_space<hbm>>
      %dma_wait3A_927 = arith.constant 0 : i32
      %dma_wait3A_928 = tpu.memref_slice %arg4[%add3A_919, %dma_wait3A_927] : memref<320000x128xf32, #tpu.memory_space<hbm>> -> memref<64x128xf32, #tpu.memory_space<hbm>>
      %dma_wait3A_929 = arith.constant 0 : i32
      %dma_wait3A_930 = arith.constant 0 : i32
      %dma_wait3A_931 = tpu.memref_slice %arg6[%dma_wait3A_920, %dma_wait3A_929, %dma_wait3A_930] : memref<8x64x128xf32, #tpu.memory_space<vmem>> -> memref<1x64x128xf32, #tpu.memory_space<vmem>>
      %dma_wait3A_932 = tpu.memref_squeeze %dma_wait3A_931 : memref<1x64x128xf32, #tpu.memory_space<vmem>> -> memref<64x128xf32, #tpu.memory_space<vmem>>
      tpu.wait_dma2 semaphore(%arg22 : memref<!tpu.dma_semaphore, #tpu.memory_space<semaphore_mem>>) src(%dma_wait3A_932 : memref<64x128xf32, #tpu.memory_space<vmem>>) dst(%dma_wait3A_928 : memref<64x128xf32, #tpu.memory_space<hbm>>)
      %jit3A_933 = arith.constant 2 : i32
      %div3A_934 = arith.divsi %add3A_914, %jit3A_933 : i32
      %sign3A_935 = arith.constant 0 : i32
      %sign3A_936 = arith.cmpi sgt, %add3A_914, %sign3A_935 : i32
      %sign3A_937 = arith.extui %sign3A_936 : i1 to i32
      %sign3A_938 = arith.constant 0 : i32
      %sign3A_939 = arith.cmpi slt, %add3A_914, %sign3A_938 : i32
      %sign3A_940 = arith.extui %sign3A_939 : i1 to i32
      %sign3A_941 = arith.subi %sign3A_937, %sign3A_940 : i32
      %sign3A_942 = arith.constant 0 : i32
      %sign3A_943 = arith.cmpi sgt, %jit3A_933, %sign3A_942 : i32
      %sign3A_944 = arith.extui %sign3A_943 : i1 to i32
      %sign3A_945 = arith.constant 0 : i32
      %sign3A_946 = arith.cmpi slt, %jit3A_933, %sign3A_945 : i32
      %sign3A_947 = arith.extui %sign3A_946 : i1 to i32
      %sign3A_948 = arith.subi %sign3A_944, %sign3A_947 : i32
      %ne3A_949 = arith.cmpi ne, %sign3A_941, %sign3A_948 : i32
      %rem3A_950 = arith.remsi %add3A_914, %jit3A_933 : i32
      %ne3A_951 = arith.constant 0 : i32
      %ne3A_952 = arith.cmpi ne, %rem3A_950, %ne3A_951 : i32
      %and3A_953 = arith.andi %ne3A_949, %ne3A_952 : i1
      %sub3A_954 = arith.constant 1 : i32
      %sub3A_955 = arith.subi %div3A_934, %sub3A_954 : i32
      %select_n3A_956 = arith.select %and3A_953, %sub3A_955, %div3A_934 : i32
      %jit3A_957 = arith.constant 2 : i32
      %eq3A_958 = arith.constant 0 : i32
      %eq3A_959 = arith.cmpi eq, %jit3A_957, %eq3A_958 : i32
      %jit3A_960 = arith.constant 1 : i32
      %select_n3A_961 = arith.select %eq3A_959, %jit3A_960, %jit3A_957 : i32
      %rem3A_962 = arith.remsi %add3A_914, %select_n3A_961 : i32
      %ne3A_963 = arith.constant 0 : i32
      %ne3A_964 = arith.cmpi ne, %rem3A_962, %ne3A_963 : i32
      %lt3A_965 = arith.constant 0 : i32
      %lt3A_966 = arith.cmpi slt, %rem3A_962, %lt3A_965 : i32
      %lt3A_967 = arith.constant 0 : i32
      %lt3A_968 = arith.cmpi slt, %select_n3A_961, %lt3A_967 : i32
      %ne3A_969 = arith.xori %lt3A_966, %lt3A_968 : i1
      %and3A_970 = arith.andi %ne3A_969, %ne3A_964 : i1
      %add3A_971 = arith.addi %rem3A_962, %select_n3A_961 : i32
      %select_n3A_972 = arith.select %and3A_970, %add3A_971, %rem3A_962 : i32
      %mul3A_973 = arith.constant 64 : i32
      %mul3A_974 = arith.muli %select_n3A_972, %mul3A_973 : i32
      %dma_start3A_975 = arith.constant 6 : i32
      %dma_start3A_976 = arith.constant 0 : i32
      %dma_start3A_977 = arith.constant 0 : i32
      %dma_start3A_978 = tpu.memref_slice %arg6[%dma_start3A_975, %dma_start3A_976, %dma_start3A_977] : memref<8x64x128xf32, #tpu.memory_space<vmem>> -> memref<1x64x128xf32, #tpu.memory_space<vmem>>
      %dma_start3A_979 = tpu.memref_squeeze %dma_start3A_978 : memref<1x64x128xf32, #tpu.memory_space<vmem>> -> memref<64x128xf32, #tpu.memory_space<vmem>>
      %dma_start3A_980 = tpu.memref_slice %arg5[%select_n3A_956, %mul3A_974] : memref<80x128xi32, #tpu.memory_space<vmem>> -> memref<1x64xi32, #tpu.memory_space<vmem>>
      %dma_start3A_981 = tpu.memref_squeeze %dma_start3A_980 : memref<1x64xi32, #tpu.memory_space<vmem>> -> memref<64xi32, #tpu.memory_space<vmem>>
      %dma_start3A_982 = arith.constant 0 : i32
      %dma_start3A_983 = arith.constant 0 : i32
      %dma_start3A_984 = tpu.memref_slice %arg7[%dma_start3A_982, %dma_start3A_983] : memref<9x128xf32, #tpu.memory_space<vmem_shared>> -> memref<9x128xf32, #tpu.memory_space<vmem_shared>>
      tpu.enqueue_indirect_dma source(%dma_start3A_984 : memref<9x128xf32, #tpu.memory_space<vmem_shared>>) target(%dma_start3A_979 : memref<64x128xf32, #tpu.memory_space<vmem>>) offsets(%dma_start3A_981 : memref<64xi32, #tpu.memory_space<vmem>>) semaphore(%arg14 : memref<!tpu.dma_semaphore, #tpu.memory_space<semaphore_mem>>)
      %add3A_985 = arith.constant 7 : i32
      %add3A_986 = arith.addi %mul3A_486, %add3A_985 : i32
      %sub3A_987 = arith.constant 8 : i32
      %sub3A_988 = arith.subi %add3A_986, %sub3A_987 : i32
      %mul3A_989 = arith.constant 64 : i32
      %mul3A_990 = arith.muli %sub3A_988, %mul3A_989 : i32
      %add3A_991 = arith.addi %mul3A_5, %mul3A_990 : i32
      %dma_wait3A_992 = arith.constant 7 : i32
      %dma_wait3A_993 = arith.constant 0 : i32
      %dma_wait3A_994 = arith.constant 0 : i32
      %dma_wait3A_995 = tpu.memref_slice %arg6[%dma_wait3A_992, %dma_wait3A_993, %dma_wait3A_994] : memref<8x64x128xf32, #tpu.memory_space<vmem>> -> memref<1x64x128xf32, #tpu.memory_space<vmem>>
      %dma_wait3A_996 = tpu.memref_squeeze %dma_wait3A_995 : memref<1x64x128xf32, #tpu.memory_space<vmem>> -> memref<64x128xf32, #tpu.memory_space<vmem>>
      %dma_wait3A_997 = arith.constant 0 : i32
      %dma_wait3A_998 = tpu.memref_slice %arg4[%add3A_991, %dma_wait3A_997] : memref<320000x128xf32, #tpu.memory_space<hbm>> -> memref<64x128xf32, #tpu.memory_space<hbm>>
      %dma_wait3A_999 = arith.constant 0 : i32
      %dma_wait3A_1000 = tpu.memref_slice %arg4[%add3A_991, %dma_wait3A_999] : memref<320000x128xf32, #tpu.memory_space<hbm>> -> memref<64x128xf32, #tpu.memory_space<hbm>>
      %dma_wait3A_1001 = arith.constant 0 : i32
      %dma_wait3A_1002 = arith.constant 0 : i32
      %dma_wait3A_1003 = tpu.memref_slice %arg6[%dma_wait3A_992, %dma_wait3A_1001, %dma_wait3A_1002] : memref<8x64x128xf32, #tpu.memory_space<vmem>> -> memref<1x64x128xf32, #tpu.memory_space<vmem>>
      %dma_wait3A_1004 = tpu.memref_squeeze %dma_wait3A_1003 : memref<1x64x128xf32, #tpu.memory_space<vmem>> -> memref<64x128xf32, #tpu.memory_space<vmem>>
      tpu.wait_dma2 semaphore(%arg23 : memref<!tpu.dma_semaphore, #tpu.memory_space<semaphore_mem>>) src(%dma_wait3A_1004 : memref<64x128xf32, #tpu.memory_space<vmem>>) dst(%dma_wait3A_1000 : memref<64x128xf32, #tpu.memory_space<hbm>>)
      %jit3A_1005 = arith.constant 2 : i32
      %div3A_1006 = arith.divsi %add3A_986, %jit3A_1005 : i32
      %sign3A_1007 = arith.constant 0 : i32
      %sign3A_1008 = arith.cmpi sgt, %add3A_986, %sign3A_1007 : i32
      %sign3A_1009 = arith.extui %sign3A_1008 : i1 to i32
      %sign3A_1010 = arith.constant 0 : i32
      %sign3A_1011 = arith.cmpi slt, %add3A_986, %sign3A_1010 : i32
      %sign3A_1012 = arith.extui %sign3A_1011 : i1 to i32
      %sign3A_1013 = arith.subi %sign3A_1009, %sign3A_1012 : i32
      %sign3A_1014 = arith.constant 0 : i32
      %sign3A_1015 = arith.cmpi sgt, %jit3A_1005, %sign3A_1014 : i32
      %sign3A_1016 = arith.extui %sign3A_1015 : i1 to i32
      %sign3A_1017 = arith.constant 0 : i32
      %sign3A_1018 = arith.cmpi slt, %jit3A_1005, %sign3A_1017 : i32
      %sign3A_1019 = arith.extui %sign3A_1018 : i1 to i32
      %sign3A_1020 = arith.subi %sign3A_1016, %sign3A_1019 : i32
      %ne3A_1021 = arith.cmpi ne, %sign3A_1013, %sign3A_1020 : i32
      %rem3A_1022 = arith.remsi %add3A_986, %jit3A_1005 : i32
      %ne3A_1023 = arith.constant 0 : i32
      %ne3A_1024 = arith.cmpi ne, %rem3A_1022, %ne3A_1023 : i32
      %and3A_1025 = arith.andi %ne3A_1021, %ne3A_1024 : i1
      %sub3A_1026 = arith.constant 1 : i32
      %sub3A_1027 = arith.subi %div3A_1006, %sub3A_1026 : i32
      %select_n3A_1028 = arith.select %and3A_1025, %sub3A_1027, %div3A_1006 : i32
      %jit3A_1029 = arith.constant 2 : i32
      %eq3A_1030 = arith.constant 0 : i32
      %eq3A_1031 = arith.cmpi eq, %jit3A_1029, %eq3A_1030 : i32
      %jit3A_1032 = arith.constant 1 : i32
      %select_n3A_1033 = arith.select %eq3A_1031, %jit3A_1032, %jit3A_1029 : i32
      %rem3A_1034 = arith.remsi %add3A_986, %select_n3A_1033 : i32
      %ne3A_1035 = arith.constant 0 : i32
      %ne3A_1036 = arith.cmpi ne, %rem3A_1034, %ne3A_1035 : i32
      %lt3A_1037 = arith.constant 0 : i32
      %lt3A_1038 = arith.cmpi slt, %rem3A_1034, %lt3A_1037 : i32
      %lt3A_1039 = arith.constant 0 : i32
      %lt3A_1040 = arith.cmpi slt, %select_n3A_1033, %lt3A_1039 : i32
      %ne3A_1041 = arith.xori %lt3A_1038, %lt3A_1040 : i1
      %and3A_1042 = arith.andi %ne3A_1041, %ne3A_1036 : i1
      %add3A_1043 = arith.addi %rem3A_1034, %select_n3A_1033 : i32
      %select_n3A_1044 = arith.select %and3A_1042, %add3A_1043, %rem3A_1034 : i32
      %mul3A_1045 = arith.constant 64 : i32
      %mul3A_1046 = arith.muli %select_n3A_1044, %mul3A_1045 : i32
      %dma_start3A_1047 = arith.constant 7 : i32
      %dma_start3A_1048 = arith.constant 0 : i32
      %dma_start3A_1049 = arith.constant 0 : i32
      %dma_start3A_1050 = tpu.memref_slice %arg6[%dma_start3A_1047, %dma_start3A_1048, %dma_start3A_1049] : memref<8x64x128xf32, #tpu.memory_space<vmem>> -> memref<1x64x128xf32, #tpu.memory_space<vmem>>
      %dma_start3A_1051 = tpu.memref_squeeze %dma_start3A_1050 : memref<1x64x128xf32, #tpu.memory_space<vmem>> -> memref<64x128xf32, #tpu.memory_space<vmem>>
      %dma_start3A_1052 = tpu.memref_slice %arg5[%select_n3A_1028, %mul3A_1046] : memref<80x128xi32, #tpu.memory_space<vmem>> -> memref<1x64xi32, #tpu.memory_space<vmem>>
      %dma_start3A_1053 = tpu.memref_squeeze %dma_start3A_1052 : memref<1x64xi32, #tpu.memory_space<vmem>> -> memref<64xi32, #tpu.memory_space<vmem>>
      %dma_start3A_1054 = arith.constant 0 : i32
      %dma_start3A_1055 = arith.constant 0 : i32
      %dma_start3A_1056 = tpu.memref_slice %arg7[%dma_start3A_1054, %dma_start3A_1055] : memref<9x128xf32, #tpu.memory_space<vmem_shared>> -> memref<9x128xf32, #tpu.memory_space<vmem_shared>>
      tpu.enqueue_indirect_dma source(%dma_start3A_1056 : memref<9x128xf32, #tpu.memory_space<vmem_shared>>) target(%dma_start3A_1051 : memref<64x128xf32, #tpu.memory_space<vmem>>) offsets(%dma_start3A_1053 : memref<64xi32, #tpu.memory_space<vmem>>) semaphore(%arg15 : memref<!tpu.dma_semaphore, #tpu.memory_space<semaphore_mem>>)
      %add3A_1057 = arith.constant 0 : i32
      %add3A_1058 = arith.addi %mul3A_486, %add3A_1057 : i32
      %dma_wait3A_1059 = arith.constant 0 : i32
      %dma_wait3A_1060 = arith.constant 0 : i32
      %dma_wait3A_1061 = arith.constant 0 : i32
      %dma_wait3A_1062 = tpu.memref_slice %arg6[%dma_wait3A_1059, %dma_wait3A_1060, %dma_wait3A_1061] : memref<8x64x128xf32, #tpu.memory_space<vmem>> -> memref<1x64x128xf32, #tpu.memory_space<vmem>>
      %dma_wait3A_1063 = tpu.memref_squeeze %dma_wait3A_1062 : memref<1x64x128xf32, #tpu.memory_space<vmem>> -> memref<64x128xf32, #tpu.memory_space<vmem>>
      %dma_wait3A_1064 = tpu.memref_slice %arg5[%select_n3A_525, %mul3A_542] : memref<80x128xi32, #tpu.memory_space<vmem>> -> memref<1x64xi32, #tpu.memory_space<vmem>>
      %dma_wait3A_1065 = tpu.memref_squeeze %dma_wait3A_1064 : memref<1x64xi32, #tpu.memory_space<vmem>> -> memref<64xi32, #tpu.memory_space<vmem>>
      %dma_wait3A_1066 = arith.constant 0 : i32
      %dma_wait3A_1067 = arith.constant 0 : i32
      %dma_wait3A_1068 = tpu.memref_slice %arg7[%dma_wait3A_1066, %dma_wait3A_1067] : memref<9x128xf32, #tpu.memory_space<vmem_shared>> -> memref<9x128xf32, #tpu.memory_space<vmem_shared>>
      tpu.wait_indirect_dma semaphore(%arg8 : memref<!tpu.dma_semaphore, #tpu.memory_space<semaphore_mem>>) src(%dma_wait3A_1068 : memref<9x128xf32, #tpu.memory_space<vmem_shared>>) dst(%dma_wait3A_1063 : memref<64x128xf32, #tpu.memory_space<vmem>>)
      %mul3A_1069 = arith.constant 64 : i32
      %mul3A_1070 = arith.muli %add3A_1058, %mul3A_1069 : i32
      %add3A_1071 = arith.addi %mul3A_5, %mul3A_1070 : i32
      %dma_start3A_1072 = arith.constant 0 : i32
      %dma_start3A_1073 = arith.constant 0 : i32
      %dma_start3A_1074 = arith.constant 0 : i32
      %dma_start3A_1075 = tpu.memref_slice %arg6[%dma_start3A_1072, %dma_start3A_1073, %dma_start3A_1074] : memref<8x64x128xf32, #tpu.memory_space<vmem>> -> memref<1x64x128xf32, #tpu.memory_space<vmem>>
      %dma_start3A_1076 = tpu.memref_squeeze %dma_start3A_1075 : memref<1x64x128xf32, #tpu.memory_space<vmem>> -> memref<64x128xf32, #tpu.memory_space<vmem>>
      %dma_start3A_1077 = arith.constant 0 : i32
      %dma_start3A_1078 = tpu.memref_slice %arg4[%add3A_1071, %dma_start3A_1077] : memref<320000x128xf32, #tpu.memory_space<hbm>> -> memref<64x128xf32, #tpu.memory_space<hbm>>
      %dma_start3A_1079 = arith.constant 0 : i32
      %dma_start3A_1080 = tpu.memref_slice %arg4[%add3A_1071, %dma_start3A_1079] : memref<320000x128xf32, #tpu.memory_space<hbm>> -> memref<64x128xf32, #tpu.memory_space<hbm>>
      %dma_start3A_1081 = arith.constant 0 : i32
      %dma_start3A_1082 = arith.constant 0 : i32
      %dma_start3A_1083 = tpu.memref_slice %arg6[%dma_start3A_1072, %dma_start3A_1081, %dma_start3A_1082] : memref<8x64x128xf32, #tpu.memory_space<vmem>> -> memref<1x64x128xf32, #tpu.memory_space<vmem>>
      %dma_start3A_1084 = tpu.memref_squeeze %dma_start3A_1083 : memref<1x64x128xf32, #tpu.memory_space<vmem>> -> memref<64x128xf32, #tpu.memory_space<vmem>>
      tpu.enqueue_dma source(%dma_start3A_1084 : memref<64x128xf32, #tpu.memory_space<vmem>>) target(%dma_start3A_1080 : memref<64x128xf32, #tpu.memory_space<hbm>>) target_semaphore(%arg16 : memref<!tpu.dma_semaphore, #tpu.memory_space<semaphore_mem>>)
      %add3A_1085 = arith.constant 1 : i32
      %add3A_1086 = arith.addi %mul3A_486, %add3A_1085 : i32
      %dma_wait3A_1087 = arith.constant 1 : i32
      %dma_wait3A_1088 = arith.constant 0 : i32
      %dma_wait3A_1089 = arith.constant 0 : i32
      %dma_wait3A_1090 = tpu.memref_slice %arg6[%dma_wait3A_1087, %dma_wait3A_1088, %dma_wait3A_1089] : memref<8x64x128xf32, #tpu.memory_space<vmem>> -> memref<1x64x128xf32, #tpu.memory_space<vmem>>
      %dma_wait3A_1091 = tpu.memref_squeeze %dma_wait3A_1090 : memref<1x64x128xf32, #tpu.memory_space<vmem>> -> memref<64x128xf32, #tpu.memory_space<vmem>>
      %dma_wait3A_1092 = tpu.memref_slice %arg5[%select_n3A_596, %mul3A_614] : memref<80x128xi32, #tpu.memory_space<vmem>> -> memref<1x64xi32, #tpu.memory_space<vmem>>
      %dma_wait3A_1093 = tpu.memref_squeeze %dma_wait3A_1092 : memref<1x64xi32, #tpu.memory_space<vmem>> -> memref<64xi32, #tpu.memory_space<vmem>>
      %dma_wait3A_1094 = arith.constant 0 : i32
      %dma_wait3A_1095 = arith.constant 0 : i32
      %dma_wait3A_1096 = tpu.memref_slice %arg7[%dma_wait3A_1094, %dma_wait3A_1095] : memref<9x128xf32, #tpu.memory_space<vmem_shared>> -> memref<9x128xf32, #tpu.memory_space<vmem_shared>>
      tpu.wait_indirect_dma semaphore(%arg9 : memref<!tpu.dma_semaphore, #tpu.memory_space<semaphore_mem>>) src(%dma_wait3A_1096 : memref<9x128xf32, #tpu.memory_space<vmem_shared>>) dst(%dma_wait3A_1091 : memref<64x128xf32, #tpu.memory_space<vmem>>)
      %mul3A_1097 = arith.constant 64 : i32
      %mul3A_1098 = arith.muli %add3A_1086, %mul3A_1097 : i32
      %add3A_1099 = arith.addi %mul3A_5, %mul3A_1098 : i32
      %dma_start3A_1100 = arith.constant 1 : i32
      %dma_start3A_1101 = arith.constant 0 : i32
      %dma_start3A_1102 = arith.constant 0 : i32
      %dma_start3A_1103 = tpu.memref_slice %arg6[%dma_start3A_1100, %dma_start3A_1101, %dma_start3A_1102] : memref<8x64x128xf32, #tpu.memory_space<vmem>> -> memref<1x64x128xf32, #tpu.memory_space<vmem>>
      %dma_start3A_1104 = tpu.memref_squeeze %dma_start3A_1103 : memref<1x64x128xf32, #tpu.memory_space<vmem>> -> memref<64x128xf32, #tpu.memory_space<vmem>>
      %dma_start3A_1105 = arith.constant 0 : i32
      %dma_start3A_1106 = tpu.memref_slice %arg4[%add3A_1099, %dma_start3A_1105] : memref<320000x128xf32, #tpu.memory_space<hbm>> -> memref<64x128xf32, #tpu.memory_space<hbm>>
      %dma_start3A_1107 = arith.constant 0 : i32
      %dma_start3A_1108 = tpu.memref_slice %arg4[%add3A_1099, %dma_start3A_1107] : memref<320000x128xf32, #tpu.memory_space<hbm>> -> memref<64x128xf32, #tpu.memory_space<hbm>>
      %dma_start3A_1109 = arith.constant 0 : i32
      %dma_start3A_1110 = arith.constant 0 : i32
      %dma_start3A_1111 = tpu.memref_slice %arg6[%dma_start3A_1100, %dma_start3A_1109, %dma_start3A_1110] : memref<8x64x128xf32, #tpu.memory_space<vmem>> -> memref<1x64x128xf32, #tpu.memory_space<vmem>>
      %dma_start3A_1112 = tpu.memref_squeeze %dma_start3A_1111 : memref<1x64x128xf32, #tpu.memory_space<vmem>> -> memref<64x128xf32, #tpu.memory_space<vmem>>
      tpu.enqueue_dma source(%dma_start3A_1112 : memref<64x128xf32, #tpu.memory_space<vmem>>) target(%dma_start3A_1108 : memref<64x128xf32, #tpu.memory_space<hbm>>) target_semaphore(%arg17 : memref<!tpu.dma_semaphore, #tpu.memory_space<semaphore_mem>>)
      %add3A_1113 = arith.constant 2 : i32
      %add3A_1114 = arith.addi %mul3A_486, %add3A_1113 : i32
      %dma_wait3A_1115 = arith.constant 2 : i32
      %dma_wait3A_1116 = arith.constant 0 : i32
      %dma_wait3A_1117 = arith.constant 0 : i32
      %dma_wait3A_1118 = tpu.memref_slice %arg6[%dma_wait3A_1115, %dma_wait3A_1116, %dma_wait3A_1117] : memref<8x64x128xf32, #tpu.memory_space<vmem>> -> memref<1x64x128xf32, #tpu.memory_space<vmem>>
      %dma_wait3A_1119 = tpu.memref_squeeze %dma_wait3A_1118 : memref<1x64x128xf32, #tpu.memory_space<vmem>> -> memref<64x128xf32, #tpu.memory_space<vmem>>
      %dma_wait3A_1120 = tpu.memref_slice %arg5[%select_n3A_668, %mul3A_686] : memref<80x128xi32, #tpu.memory_space<vmem>> -> memref<1x64xi32, #tpu.memory_space<vmem>>
      %dma_wait3A_1121 = tpu.memref_squeeze %dma_wait3A_1120 : memref<1x64xi32, #tpu.memory_space<vmem>> -> memref<64xi32, #tpu.memory_space<vmem>>
      %dma_wait3A_1122 = arith.constant 0 : i32
      %dma_wait3A_1123 = arith.constant 0 : i32
      %dma_wait3A_1124 = tpu.memref_slice %arg7[%dma_wait3A_1122, %dma_wait3A_1123] : memref<9x128xf32, #tpu.memory_space<vmem_shared>> -> memref<9x128xf32, #tpu.memory_space<vmem_shared>>
      tpu.wait_indirect_dma semaphore(%arg10 : memref<!tpu.dma_semaphore, #tpu.memory_space<semaphore_mem>>) src(%dma_wait3A_1124 : memref<9x128xf32, #tpu.memory_space<vmem_shared>>) dst(%dma_wait3A_1119 : memref<64x128xf32, #tpu.memory_space<vmem>>)
      %mul3A_1125 = arith.constant 64 : i32
      %mul3A_1126 = arith.muli %add3A_1114, %mul3A_1125 : i32
      %add3A_1127 = arith.addi %mul3A_5, %mul3A_1126 : i32
      %dma_start3A_1128 = arith.constant 2 : i32
      %dma_start3A_1129 = arith.constant 0 : i32
      %dma_start3A_1130 = arith.constant 0 : i32
      %dma_start3A_1131 = tpu.memref_slice %arg6[%dma_start3A_1128, %dma_start3A_1129, %dma_start3A_1130] : memref<8x64x128xf32, #tpu.memory_space<vmem>> -> memref<1x64x128xf32, #tpu.memory_space<vmem>>
      %dma_start3A_1132 = tpu.memref_squeeze %dma_start3A_1131 : memref<1x64x128xf32, #tpu.memory_space<vmem>> -> memref<64x128xf32, #tpu.memory_space<vmem>>
      %dma_start3A_1133 = arith.constant 0 : i32
      %dma_start3A_1134 = tpu.memref_slice %arg4[%add3A_1127, %dma_start3A_1133] : memref<320000x128xf32, #tpu.memory_space<hbm>> -> memref<64x128xf32, #tpu.memory_space<hbm>>
      %dma_start3A_1135 = arith.constant 0 : i32
      %dma_start3A_1136 = tpu.memref_slice %arg4[%add3A_1127, %dma_start3A_1135] : memref<320000x128xf32, #tpu.memory_space<hbm>> -> memref<64x128xf32, #tpu.memory_space<hbm>>
      %dma_start3A_1137 = arith.constant 0 : i32
      %dma_start3A_1138 = arith.constant 0 : i32
      %dma_start3A_1139 = tpu.memref_slice %arg6[%dma_start3A_1128, %dma_start3A_1137, %dma_start3A_1138] : memref<8x64x128xf32, #tpu.memory_space<vmem>> -> memref<1x64x128xf32, #tpu.memory_space<vmem>>
      %dma_start3A_1140 = tpu.memref_squeeze %dma_start3A_1139 : memref<1x64x128xf32, #tpu.memory_space<vmem>> -> memref<64x128xf32, #tpu.memory_space<vmem>>
      tpu.enqueue_dma source(%dma_start3A_1140 : memref<64x128xf32, #tpu.memory_space<vmem>>) target(%dma_start3A_1136 : memref<64x128xf32, #tpu.memory_space<hbm>>) target_semaphore(%arg18 : memref<!tpu.dma_semaphore, #tpu.memory_space<semaphore_mem>>)
      %add3A_1141 = arith.constant 3 : i32
      %add3A_1142 = arith.addi %mul3A_486, %add3A_1141 : i32
      %dma_wait3A_1143 = arith.constant 3 : i32
      %dma_wait3A_1144 = arith.constant 0 : i32
      %dma_wait3A_1145 = arith.constant 0 : i32
      %dma_wait3A_1146 = tpu.memref_slice %arg6[%dma_wait3A_1143, %dma_wait3A_1144, %dma_wait3A_1145] : memref<8x64x128xf32, #tpu.memory_space<vmem>> -> memref<1x64x128xf32, #tpu.memory_space<vmem>>
      %dma_wait3A_1147 = tpu.memref_squeeze %dma_wait3A_1146 : memref<1x64x128xf32, #tpu.memory_space<vmem>> -> memref<64x128xf32, #tpu.memory_space<vmem>>
      %dma_wait3A_1148 = tpu.memref_slice %arg5[%select_n3A_740, %mul3A_758] : memref<80x128xi32, #tpu.memory_space<vmem>> -> memref<1x64xi32, #tpu.memory_space<vmem>>
      %dma_wait3A_1149 = tpu.memref_squeeze %dma_wait3A_1148 : memref<1x64xi32, #tpu.memory_space<vmem>> -> memref<64xi32, #tpu.memory_space<vmem>>
      %dma_wait3A_1150 = arith.constant 0 : i32
      %dma_wait3A_1151 = arith.constant 0 : i32
      %dma_wait3A_1152 = tpu.memref_slice %arg7[%dma_wait3A_1150, %dma_wait3A_1151] : memref<9x128xf32, #tpu.memory_space<vmem_shared>> -> memref<9x128xf32, #tpu.memory_space<vmem_shared>>
      tpu.wait_indirect_dma semaphore(%arg11 : memref<!tpu.dma_semaphore, #tpu.memory_space<semaphore_mem>>) src(%dma_wait3A_1152 : memref<9x128xf32, #tpu.memory_space<vmem_shared>>) dst(%dma_wait3A_1147 : memref<64x128xf32, #tpu.memory_space<vmem>>)
      %mul3A_1153 = arith.constant 64 : i32
      %mul3A_1154 = arith.muli %add3A_1142, %mul3A_1153 : i32
      %add3A_1155 = arith.addi %mul3A_5, %mul3A_1154 : i32
      %dma_start3A_1156 = arith.constant 3 : i32
      %dma_start3A_1157 = arith.constant 0 : i32
      %dma_start3A_1158 = arith.constant 0 : i32
      %dma_start3A_1159 = tpu.memref_slice %arg6[%dma_start3A_1156, %dma_start3A_1157, %dma_start3A_1158] : memref<8x64x128xf32, #tpu.memory_space<vmem>> -> memref<1x64x128xf32, #tpu.memory_space<vmem>>
      %dma_start3A_1160 = tpu.memref_squeeze %dma_start3A_1159 : memref<1x64x128xf32, #tpu.memory_space<vmem>> -> memref<64x128xf32, #tpu.memory_space<vmem>>
      %dma_start3A_1161 = arith.constant 0 : i32
      %dma_start3A_1162 = tpu.memref_slice %arg4[%add3A_1155, %dma_start3A_1161] : memref<320000x128xf32, #tpu.memory_space<hbm>> -> memref<64x128xf32, #tpu.memory_space<hbm>>
      %dma_start3A_1163 = arith.constant 0 : i32
      %dma_start3A_1164 = tpu.memref_slice %arg4[%add3A_1155, %dma_start3A_1163] : memref<320000x128xf32, #tpu.memory_space<hbm>> -> memref<64x128xf32, #tpu.memory_space<hbm>>
      %dma_start3A_1165 = arith.constant 0 : i32
      %dma_start3A_1166 = arith.constant 0 : i32
      %dma_start3A_1167 = tpu.memref_slice %arg6[%dma_start3A_1156, %dma_start3A_1165, %dma_start3A_1166] : memref<8x64x128xf32, #tpu.memory_space<vmem>> -> memref<1x64x128xf32, #tpu.memory_space<vmem>>
      %dma_start3A_1168 = tpu.memref_squeeze %dma_start3A_1167 : memref<1x64x128xf32, #tpu.memory_space<vmem>> -> memref<64x128xf32, #tpu.memory_space<vmem>>
      tpu.enqueue_dma source(%dma_start3A_1168 : memref<64x128xf32, #tpu.memory_space<vmem>>) target(%dma_start3A_1164 : memref<64x128xf32, #tpu.memory_space<hbm>>) target_semaphore(%arg19 : memref<!tpu.dma_semaphore, #tpu.memory_space<semaphore_mem>>)
      %add3A_1169 = arith.constant 4 : i32
      %add3A_1170 = arith.addi %mul3A_486, %add3A_1169 : i32
      %dma_wait3A_1171 = arith.constant 4 : i32
      %dma_wait3A_1172 = arith.constant 0 : i32
      %dma_wait3A_1173 = arith.constant 0 : i32
      %dma_wait3A_1174 = tpu.memref_slice %arg6[%dma_wait3A_1171, %dma_wait3A_1172, %dma_wait3A_1173] : memref<8x64x128xf32, #tpu.memory_space<vmem>> -> memref<1x64x128xf32, #tpu.memory_space<vmem>>
      %dma_wait3A_1175 = tpu.memref_squeeze %dma_wait3A_1174 : memref<1x64x128xf32, #tpu.memory_space<vmem>> -> memref<64x128xf32, #tpu.memory_space<vmem>>
      %dma_wait3A_1176 = tpu.memref_slice %arg5[%select_n3A_812, %mul3A_830] : memref<80x128xi32, #tpu.memory_space<vmem>> -> memref<1x64xi32, #tpu.memory_space<vmem>>
      %dma_wait3A_1177 = tpu.memref_squeeze %dma_wait3A_1176 : memref<1x64xi32, #tpu.memory_space<vmem>> -> memref<64xi32, #tpu.memory_space<vmem>>
      %dma_wait3A_1178 = arith.constant 0 : i32
      %dma_wait3A_1179 = arith.constant 0 : i32
      %dma_wait3A_1180 = tpu.memref_slice %arg7[%dma_wait3A_1178, %dma_wait3A_1179] : memref<9x128xf32, #tpu.memory_space<vmem_shared>> -> memref<9x128xf32, #tpu.memory_space<vmem_shared>>
      tpu.wait_indirect_dma semaphore(%arg12 : memref<!tpu.dma_semaphore, #tpu.memory_space<semaphore_mem>>) src(%dma_wait3A_1180 : memref<9x128xf32, #tpu.memory_space<vmem_shared>>) dst(%dma_wait3A_1175 : memref<64x128xf32, #tpu.memory_space<vmem>>)
      %mul3A_1181 = arith.constant 64 : i32
      %mul3A_1182 = arith.muli %add3A_1170, %mul3A_1181 : i32
      %add3A_1183 = arith.addi %mul3A_5, %mul3A_1182 : i32
      %dma_start3A_1184 = arith.constant 4 : i32
      %dma_start3A_1185 = arith.constant 0 : i32
      %dma_start3A_1186 = arith.constant 0 : i32
      %dma_start3A_1187 = tpu.memref_slice %arg6[%dma_start3A_1184, %dma_start3A_1185, %dma_start3A_1186] : memref<8x64x128xf32, #tpu.memory_space<vmem>> -> memref<1x64x128xf32, #tpu.memory_space<vmem>>
      %dma_start3A_1188 = tpu.memref_squeeze %dma_start3A_1187 : memref<1x64x128xf32, #tpu.memory_space<vmem>> -> memref<64x128xf32, #tpu.memory_space<vmem>>
      %dma_start3A_1189 = arith.constant 0 : i32
      %dma_start3A_1190 = tpu.memref_slice %arg4[%add3A_1183, %dma_start3A_1189] : memref<320000x128xf32, #tpu.memory_space<hbm>> -> memref<64x128xf32, #tpu.memory_space<hbm>>
      %dma_start3A_1191 = arith.constant 0 : i32
      %dma_start3A_1192 = tpu.memref_slice %arg4[%add3A_1183, %dma_start3A_1191] : memref<320000x128xf32, #tpu.memory_space<hbm>> -> memref<64x128xf32, #tpu.memory_space<hbm>>
      %dma_start3A_1193 = arith.constant 0 : i32
      %dma_start3A_1194 = arith.constant 0 : i32
      %dma_start3A_1195 = tpu.memref_slice %arg6[%dma_start3A_1184, %dma_start3A_1193, %dma_start3A_1194] : memref<8x64x128xf32, #tpu.memory_space<vmem>> -> memref<1x64x128xf32, #tpu.memory_space<vmem>>
      %dma_start3A_1196 = tpu.memref_squeeze %dma_start3A_1195 : memref<1x64x128xf32, #tpu.memory_space<vmem>> -> memref<64x128xf32, #tpu.memory_space<vmem>>
      tpu.enqueue_dma source(%dma_start3A_1196 : memref<64x128xf32, #tpu.memory_space<vmem>>) target(%dma_start3A_1192 : memref<64x128xf32, #tpu.memory_space<hbm>>) target_semaphore(%arg20 : memref<!tpu.dma_semaphore, #tpu.memory_space<semaphore_mem>>)
      %add3A_1197 = arith.constant 5 : i32
      %add3A_1198 = arith.addi %mul3A_486, %add3A_1197 : i32
      %dma_wait3A_1199 = arith.constant 5 : i32
      %dma_wait3A_1200 = arith.constant 0 : i32
      %dma_wait3A_1201 = arith.constant 0 : i32
      %dma_wait3A_1202 = tpu.memref_slice %arg6[%dma_wait3A_1199, %dma_wait3A_1200, %dma_wait3A_1201] : memref<8x64x128xf32, #tpu.memory_space<vmem>> -> memref<1x64x128xf32, #tpu.memory_space<vmem>>
      %dma_wait3A_1203 = tpu.memref_squeeze %dma_wait3A_1202 : memref<1x64x128xf32, #tpu.memory_space<vmem>> -> memref<64x128xf32, #tpu.memory_space<vmem>>
      %dma_wait3A_1204 = tpu.memref_slice %arg5[%select_n3A_884, %mul3A_902] : memref<80x128xi32, #tpu.memory_space<vmem>> -> memref<1x64xi32, #tpu.memory_space<vmem>>
      %dma_wait3A_1205 = tpu.memref_squeeze %dma_wait3A_1204 : memref<1x64xi32, #tpu.memory_space<vmem>> -> memref<64xi32, #tpu.memory_space<vmem>>
      %dma_wait3A_1206 = arith.constant 0 : i32
      %dma_wait3A_1207 = arith.constant 0 : i32
      %dma_wait3A_1208 = tpu.memref_slice %arg7[%dma_wait3A_1206, %dma_wait3A_1207] : memref<9x128xf32, #tpu.memory_space<vmem_shared>> -> memref<9x128xf32, #tpu.memory_space<vmem_shared>>
      tpu.wait_indirect_dma semaphore(%arg13 : memref<!tpu.dma_semaphore, #tpu.memory_space<semaphore_mem>>) src(%dma_wait3A_1208 : memref<9x128xf32, #tpu.memory_space<vmem_shared>>) dst(%dma_wait3A_1203 : memref<64x128xf32, #tpu.memory_space<vmem>>)
      %mul3A_1209 = arith.constant 64 : i32
      %mul3A_1210 = arith.muli %add3A_1198, %mul3A_1209 : i32
      %add3A_1211 = arith.addi %mul3A_5, %mul3A_1210 : i32
      %dma_start3A_1212 = arith.constant 5 : i32
      %dma_start3A_1213 = arith.constant 0 : i32
      %dma_start3A_1214 = arith.constant 0 : i32
      %dma_start3A_1215 = tpu.memref_slice %arg6[%dma_start3A_1212, %dma_start3A_1213, %dma_start3A_1214] : memref<8x64x128xf32, #tpu.memory_space<vmem>> -> memref<1x64x128xf32, #tpu.memory_space<vmem>>
      %dma_start3A_1216 = tpu.memref_squeeze %dma_start3A_1215 : memref<1x64x128xf32, #tpu.memory_space<vmem>> -> memref<64x128xf32, #tpu.memory_space<vmem>>
      %dma_start3A_1217 = arith.constant 0 : i32
      %dma_start3A_1218 = tpu.memref_slice %arg4[%add3A_1211, %dma_start3A_1217] : memref<320000x128xf32, #tpu.memory_space<hbm>> -> memref<64x128xf32, #tpu.memory_space<hbm>>
      %dma_start3A_1219 = arith.constant 0 : i32
      %dma_start3A_1220 = tpu.memref_slice %arg4[%add3A_1211, %dma_start3A_1219] : memref<320000x128xf32, #tpu.memory_space<hbm>> -> memref<64x128xf32, #tpu.memory_space<hbm>>
      %dma_start3A_1221 = arith.constant 0 : i32
      %dma_start3A_1222 = arith.constant 0 : i32
      %dma_start3A_1223 = tpu.memref_slice %arg6[%dma_start3A_1212, %dma_start3A_1221, %dma_start3A_1222] : memref<8x64x128xf32, #tpu.memory_space<vmem>> -> memref<1x64x128xf32, #tpu.memory_space<vmem>>
      %dma_start3A_1224 = tpu.memref_squeeze %dma_start3A_1223 : memref<1x64x128xf32, #tpu.memory_space<vmem>> -> memref<64x128xf32, #tpu.memory_space<vmem>>
      tpu.enqueue_dma source(%dma_start3A_1224 : memref<64x128xf32, #tpu.memory_space<vmem>>) target(%dma_start3A_1220 : memref<64x128xf32, #tpu.memory_space<hbm>>) target_semaphore(%arg21 : memref<!tpu.dma_semaphore, #tpu.memory_space<semaphore_mem>>)
      %add3A_1225 = arith.constant 6 : i32
      %add3A_1226 = arith.addi %mul3A_486, %add3A_1225 : i32
      %dma_wait3A_1227 = arith.constant 6 : i32
      %dma_wait3A_1228 = arith.constant 0 : i32
      %dma_wait3A_1229 = arith.constant 0 : i32
      %dma_wait3A_1230 = tpu.memref_slice %arg6[%dma_wait3A_1227, %dma_wait3A_1228, %dma_wait3A_1229] : memref<8x64x128xf32, #tpu.memory_space<vmem>> -> memref<1x64x128xf32, #tpu.memory_space<vmem>>
      %dma_wait3A_1231 = tpu.memref_squeeze %dma_wait3A_1230 : memref<1x64x128xf32, #tpu.memory_space<vmem>> -> memref<64x128xf32, #tpu.memory_space<vmem>>
      %dma_wait3A_1232 = tpu.memref_slice %arg5[%select_n3A_956, %mul3A_974] : memref<80x128xi32, #tpu.memory_space<vmem>> -> memref<1x64xi32, #tpu.memory_space<vmem>>
      %dma_wait3A_1233 = tpu.memref_squeeze %dma_wait3A_1232 : memref<1x64xi32, #tpu.memory_space<vmem>> -> memref<64xi32, #tpu.memory_space<vmem>>
      %dma_wait3A_1234 = arith.constant 0 : i32
      %dma_wait3A_1235 = arith.constant 0 : i32
      %dma_wait3A_1236 = tpu.memref_slice %arg7[%dma_wait3A_1234, %dma_wait3A_1235] : memref<9x128xf32, #tpu.memory_space<vmem_shared>> -> memref<9x128xf32, #tpu.memory_space<vmem_shared>>
      tpu.wait_indirect_dma semaphore(%arg14 : memref<!tpu.dma_semaphore, #tpu.memory_space<semaphore_mem>>) src(%dma_wait3A_1236 : memref<9x128xf32, #tpu.memory_space<vmem_shared>>) dst(%dma_wait3A_1231 : memref<64x128xf32, #tpu.memory_space<vmem>>)
      %mul3A_1237 = arith.constant 64 : i32
      %mul3A_1238 = arith.muli %add3A_1226, %mul3A_1237 : i32
      %add3A_1239 = arith.addi %mul3A_5, %mul3A_1238 : i32
      %dma_start3A_1240 = arith.constant 6 : i32
      %dma_start3A_1241 = arith.constant 0 : i32
      %dma_start3A_1242 = arith.constant 0 : i32
      %dma_start3A_1243 = tpu.memref_slice %arg6[%dma_start3A_1240, %dma_start3A_1241, %dma_start3A_1242] : memref<8x64x128xf32, #tpu.memory_space<vmem>> -> memref<1x64x128xf32, #tpu.memory_space<vmem>>
      %dma_start3A_1244 = tpu.memref_squeeze %dma_start3A_1243 : memref<1x64x128xf32, #tpu.memory_space<vmem>> -> memref<64x128xf32, #tpu.memory_space<vmem>>
      %dma_start3A_1245 = arith.constant 0 : i32
      %dma_start3A_1246 = tpu.memref_slice %arg4[%add3A_1239, %dma_start3A_1245] : memref<320000x128xf32, #tpu.memory_space<hbm>> -> memref<64x128xf32, #tpu.memory_space<hbm>>
      %dma_start3A_1247 = arith.constant 0 : i32
      %dma_start3A_1248 = tpu.memref_slice %arg4[%add3A_1239, %dma_start3A_1247] : memref<320000x128xf32, #tpu.memory_space<hbm>> -> memref<64x128xf32, #tpu.memory_space<hbm>>
      %dma_start3A_1249 = arith.constant 0 : i32
      %dma_start3A_1250 = arith.constant 0 : i32
      %dma_start3A_1251 = tpu.memref_slice %arg6[%dma_start3A_1240, %dma_start3A_1249, %dma_start3A_1250] : memref<8x64x128xf32, #tpu.memory_space<vmem>> -> memref<1x64x128xf32, #tpu.memory_space<vmem>>
      %dma_start3A_1252 = tpu.memref_squeeze %dma_start3A_1251 : memref<1x64x128xf32, #tpu.memory_space<vmem>> -> memref<64x128xf32, #tpu.memory_space<vmem>>
      tpu.enqueue_dma source(%dma_start3A_1252 : memref<64x128xf32, #tpu.memory_space<vmem>>) target(%dma_start3A_1248 : memref<64x128xf32, #tpu.memory_space<hbm>>) target_semaphore(%arg22 : memref<!tpu.dma_semaphore, #tpu.memory_space<semaphore_mem>>)
      %add3A_1253 = arith.constant 7 : i32
      %add3A_1254 = arith.addi %mul3A_486, %add3A_1253 : i32
      %dma_wait3A_1255 = arith.constant 7 : i32
      %dma_wait3A_1256 = arith.constant 0 : i32
      %dma_wait3A_1257 = arith.constant 0 : i32
      %dma_wait3A_1258 = tpu.memref_slice %arg6[%dma_wait3A_1255, %dma_wait3A_1256, %dma_wait3A_1257] : memref<8x64x128xf32, #tpu.memory_space<vmem>> -> memref<1x64x128xf32, #tpu.memory_space<vmem>>
      %dma_wait3A_1259 = tpu.memref_squeeze %dma_wait3A_1258 : memref<1x64x128xf32, #tpu.memory_space<vmem>> -> memref<64x128xf32, #tpu.memory_space<vmem>>
      %dma_wait3A_1260 = tpu.memref_slice %arg5[%select_n3A_1028, %mul3A_1046] : memref<80x128xi32, #tpu.memory_space<vmem>> -> memref<1x64xi32, #tpu.memory_space<vmem>>
      %dma_wait3A_1261 = tpu.memref_squeeze %dma_wait3A_1260 : memref<1x64xi32, #tpu.memory_space<vmem>> -> memref<64xi32, #tpu.memory_space<vmem>>
      %dma_wait3A_1262 = arith.constant 0 : i32
      %dma_wait3A_1263 = arith.constant 0 : i32
      %dma_wait3A_1264 = tpu.memref_slice %arg7[%dma_wait3A_1262, %dma_wait3A_1263] : memref<9x128xf32, #tpu.memory_space<vmem_shared>> -> memref<9x128xf32, #tpu.memory_space<vmem_shared>>
      tpu.wait_indirect_dma semaphore(%arg15 : memref<!tpu.dma_semaphore, #tpu.memory_space<semaphore_mem>>) src(%dma_wait3A_1264 : memref<9x128xf32, #tpu.memory_space<vmem_shared>>) dst(%dma_wait3A_1259 : memref<64x128xf32, #tpu.memory_space<vmem>>)
      %mul3A_1265 = arith.constant 64 : i32
      %mul3A_1266 = arith.muli %add3A_1254, %mul3A_1265 : i32
      %add3A_1267 = arith.addi %mul3A_5, %mul3A_1266 : i32
      %dma_start3A_1268 = arith.constant 7 : i32
      %dma_start3A_1269 = arith.constant 0 : i32
      %dma_start3A_1270 = arith.constant 0 : i32
      %dma_start3A_1271 = tpu.memref_slice %arg6[%dma_start3A_1268, %dma_start3A_1269, %dma_start3A_1270] : memref<8x64x128xf32, #tpu.memory_space<vmem>> -> memref<1x64x128xf32, #tpu.memory_space<vmem>>
      %dma_start3A_1272 = tpu.memref_squeeze %dma_start3A_1271 : memref<1x64x128xf32, #tpu.memory_space<vmem>> -> memref<64x128xf32, #tpu.memory_space<vmem>>
      %dma_start3A_1273 = arith.constant 0 : i32
      %dma_start3A_1274 = tpu.memref_slice %arg4[%add3A_1267, %dma_start3A_1273] : memref<320000x128xf32, #tpu.memory_space<hbm>> -> memref<64x128xf32, #tpu.memory_space<hbm>>
      %dma_start3A_1275 = arith.constant 0 : i32
      %dma_start3A_1276 = tpu.memref_slice %arg4[%add3A_1267, %dma_start3A_1275] : memref<320000x128xf32, #tpu.memory_space<hbm>> -> memref<64x128xf32, #tpu.memory_space<hbm>>
      %dma_start3A_1277 = arith.constant 0 : i32
      %dma_start3A_1278 = arith.constant 0 : i32
      %dma_start3A_1279 = tpu.memref_slice %arg6[%dma_start3A_1268, %dma_start3A_1277, %dma_start3A_1278] : memref<8x64x128xf32, #tpu.memory_space<vmem>> -> memref<1x64x128xf32, #tpu.memory_space<vmem>>
      %dma_start3A_1280 = tpu.memref_squeeze %dma_start3A_1279 : memref<1x64x128xf32, #tpu.memory_space<vmem>> -> memref<64x128xf32, #tpu.memory_space<vmem>>
      tpu.enqueue_dma source(%dma_start3A_1280 : memref<64x128xf32, #tpu.memory_space<vmem>>) target(%dma_start3A_1276 : memref<64x128xf32, #tpu.memory_space<hbm>>) target_semaphore(%arg23 : memref<!tpu.dma_semaphore, #tpu.memory_space<semaphore_mem>>)
    }
    %while3A_336 = arith.constant 1 : i32
    scf.for %while3A_484 = %while3A_334 to %while3A_330 step %while3A_336  : i32 {
      %mul3A_485 = arith.constant 8 : i32
      %mul3A_486 = arith.muli %while3A_484, %mul3A_485 : i32
      %add3A_487 = arith.constant 0 : i32
      %add3A_488 = arith.addi %mul3A_486, %add3A_487 : i32
      %sub3A_489 = arith.constant 8 : i32
      %sub3A_490 = arith.subi %add3A_488, %sub3A_489 : i32
      %mul3A_491 = arith.constant 64 : i32
      %mul3A_492 = arith.muli %sub3A_490, %mul3A_491 : i32
      %add3A_493 = arith.addi %mul3A_5, %mul3A_492 : i32
      %dma_wait3A_494 = arith.constant 0 : i32
      %dma_wait3A_495 = arith.constant 0 : i32
      %dma_wait3A_496 = arith.constant 0 : i32
      %dma_wait3A_497 = tpu.memref_slice %arg6[%dma_wait3A_494, %dma_wait3A_495, %dma_wait3A_496] : memref<8x64x128xf32, #tpu.memory_space<vmem>> -> memref<1x64x128xf32, #tpu.memory_space<vmem>>
      %dma_wait3A_498 = tpu.memref_squeeze %dma_wait3A_497 : memref<1x64x128xf32, #tpu.memory_space<vmem>> -> memref<64x128xf32, #tpu.memory_space<vmem>>
      %dma_wait3A_499 = arith.constant 0 : i32
      %dma_wait3A_500 = tpu.memref_slice %arg4[%add3A_493, %dma_wait3A_499] : memref<320000x128xf32, #tpu.memory_space<hbm>> -> memref<64x128xf32, #tpu.memory_space<hbm>>
      %dma_wait3A_501 = arith.constant 0 : i32
      %dma_wait3A_502 = tpu.memref_slice %arg4[%add3A_493, %dma_wait3A_501] : memref<320000x128xf32, #tpu.memory_space<hbm>> -> memref<64x128xf32, #tpu.memory_space<hbm>>
      %dma_wait3A_503 = arith.constant 0 : i32
      %dma_wait3A_504 = arith.constant 0 : i32
      %dma_wait3A_505 = tpu.memref_slice %arg6[%dma_wait3A_494, %dma_wait3A_503, %dma_wait3A_504] : memref<8x64x128xf32, #tpu.memory_space<vmem>> -> memref<1x64x128xf32, #tpu.memory_space<vmem>>
      %dma_wait3A_506 = tpu.memref_squeeze %dma_wait3A_505 : memref<1x64x128xf32, #tpu.memory_space<vmem>> -> memref<64x128xf32, #tpu.memory_space<vmem>>
      tpu.wait_dma2 semaphore(%arg16 : memref<!tpu.dma_semaphore, #tpu.memory_space<semaphore_mem>>) src(%dma_wait3A_506 : memref<64x128xf32, #tpu.memory_space<vmem>>) dst(%dma_wait3A_502 : memref<64x128xf32, #tpu.memory_space<hbm>>)
      %jit3A_507 = arith.constant 2 : i32
      %div3A = arith.divsi %add3A_488, %jit3A_507 : i32
      %sign3A = arith.constant 0 : i32
      %sign3A_508 = arith.cmpi sgt, %add3A_488, %sign3A : i32
      %sign3A_509 = arith.extui %sign3A_508 : i1 to i32
      %sign3A_510 = arith.constant 0 : i32
      %sign3A_511 = arith.cmpi slt, %add3A_488, %sign3A_510 : i32
      %sign3A_512 = arith.extui %sign3A_511 : i1 to i32
      %sign3A_513 = arith.subi %sign3A_509, %sign3A_512 : i32
      %sign3A_514 = arith.constant 0 : i32
      %sign3A_515 = arith.cmpi sgt, %jit3A_507, %sign3A_514 : i32
      %sign3A_516 = arith.extui %sign3A_515 : i1 to i32
      %sign3A_517 = arith.constant 0 : i32
      %sign3A_518 = arith.cmpi slt, %jit3A_507, %sign3A_517 : i32
      %sign3A_519 = arith.extui %sign3A_518 : i1 to i32
      %sign3A_520 = arith.subi %sign3A_516, %sign3A_519 : i32
      %ne3A = arith.cmpi ne, %sign3A_513, %sign3A_520 : i32
      %rem3A = arith.remsi %add3A_488, %jit3A_507 : i32
      %ne3A_521 = arith.constant 0 : i32
      %ne3A_522 = arith.cmpi ne, %rem3A, %ne3A_521 : i32
      %and3A = arith.andi %ne3A, %ne3A_522 : i1
      %sub3A_523 = arith.constant 1 : i32
      %sub3A_524 = arith.subi %div3A, %sub3A_523 : i32
      %select_n3A_525 = arith.select %and3A, %sub3A_524, %div3A : i32
      %jit3A_526 = arith.constant 2 : i32
      %eq3A_527 = arith.constant 0 : i32
      %eq3A_528 = arith.cmpi eq, %jit3A_526, %eq3A_527 : i32
      %jit3A_529 = arith.constant 1 : i32
      %select_n3A_530 = arith.select %eq3A_528, %jit3A_529, %jit3A_526 : i32
      %rem3A_531 = arith.remsi %add3A_488, %select_n3A_530 : i32
      %ne3A_532 = arith.constant 0 : i32
      %ne3A_533 = arith.cmpi ne, %rem3A_531, %ne3A_532 : i32
      %lt3A = arith.constant 0 : i32
      %lt3A_534 = arith.cmpi slt, %rem3A_531, %lt3A : i32
      %lt3A_535 = arith.constant 0 : i32
      %lt3A_536 = arith.cmpi slt, %select_n3A_530, %lt3A_535 : i32
      %ne3A_537 = arith.xori %lt3A_534, %lt3A_536 : i1
      %and3A_538 = arith.andi %ne3A_537, %ne3A_533 : i1
      %add3A_539 = arith.addi %rem3A_531, %select_n3A_530 : i32
      %select_n3A_540 = arith.select %and3A_538, %add3A_539, %rem3A_531 : i32
      %mul3A_541 = arith.constant 64 : i32
      %mul3A_542 = arith.muli %select_n3A_540, %mul3A_541 : i32
      %dma_start3A_543 = arith.constant 0 : i32
      %dma_start3A_544 = arith.constant 0 : i32
      %dma_start3A_545 = arith.constant 0 : i32
      %dma_start3A_546 = tpu.memref_slice %arg6[%dma_start3A_543, %dma_start3A_544, %dma_start3A_545] : memref<8x64x128xf32, #tpu.memory_space<vmem>> -> memref<1x64x128xf32, #tpu.memory_space<vmem>>
      %dma_start3A_547 = tpu.memref_squeeze %dma_start3A_546 : memref<1x64x128xf32, #tpu.memory_space<vmem>> -> memref<64x128xf32, #tpu.memory_space<vmem>>
      %dma_start3A_548 = tpu.memref_slice %arg5[%select_n3A_525, %mul3A_542] : memref<80x128xi32, #tpu.memory_space<vmem>> -> memref<1x64xi32, #tpu.memory_space<vmem>>
      %dma_start3A_549 = tpu.memref_squeeze %dma_start3A_548 : memref<1x64xi32, #tpu.memory_space<vmem>> -> memref<64xi32, #tpu.memory_space<vmem>>
      %dma_start3A_550 = arith.constant 0 : i32
      %dma_start3A_551 = arith.constant 0 : i32
      %dma_start3A_552 = tpu.memref_slice %arg7[%dma_start3A_550, %dma_start3A_551] : memref<9x128xf32, #tpu.memory_space<vmem_shared>> -> memref<9x128xf32, #tpu.memory_space<vmem_shared>>
      tpu.enqueue_indirect_dma source(%dma_start3A_552 : memref<9x128xf32, #tpu.memory_space<vmem_shared>>) target(%dma_start3A_547 : memref<64x128xf32, #tpu.memory_space<vmem>>) offsets(%dma_start3A_549 : memref<64xi32, #tpu.memory_space<vmem>>) semaphore(%arg8 : memref<!tpu.dma_semaphore, #tpu.memory_space<semaphore_mem>>)
      %add3A_553 = arith.constant 1 : i32
      %add3A_554 = arith.addi %mul3A_486, %add3A_553 : i32
      %sub3A_555 = arith.constant 8 : i32
      %sub3A_556 = arith.subi %add3A_554, %sub3A_555 : i32
      %mul3A_557 = arith.constant 64 : i32
      %mul3A_558 = arith.muli %sub3A_556, %mul3A_557 : i32
      %add3A_559 = arith.addi %mul3A_5, %mul3A_558 : i32
      %dma_wait3A_560 = arith.constant 1 : i32
      %dma_wait3A_561 = arith.constant 0 : i32
      %dma_wait3A_562 = arith.constant 0 : i32
      %dma_wait3A_563 = tpu.memref_slice %arg6[%dma_wait3A_560, %dma_wait3A_561, %dma_wait3A_562] : memref<8x64x128xf32, #tpu.memory_space<vmem>> -> memref<1x64x128xf32, #tpu.memory_space<vmem>>
      %dma_wait3A_564 = tpu.memref_squeeze %dma_wait3A_563 : memref<1x64x128xf32, #tpu.memory_space<vmem>> -> memref<64x128xf32, #tpu.memory_space<vmem>>
      %dma_wait3A_565 = arith.constant 0 : i32
      %dma_wait3A_566 = tpu.memref_slice %arg4[%add3A_559, %dma_wait3A_565] : memref<320000x128xf32, #tpu.memory_space<hbm>> -> memref<64x128xf32, #tpu.memory_space<hbm>>
      %dma_wait3A_567 = arith.constant 0 : i32
      %dma_wait3A_568 = tpu.memref_slice %arg4[%add3A_559, %dma_wait3A_567] : memref<320000x128xf32, #tpu.memory_space<hbm>> -> memref<64x128xf32, #tpu.memory_space<hbm>>
      %dma_wait3A_569 = arith.constant 0 : i32
      %dma_wait3A_570 = arith.constant 0 : i32
      %dma_wait3A_571 = tpu.memref_slice %arg6[%dma_wait3A_560, %dma_wait3A_569, %dma_wait3A_570] : memref<8x64x128xf32, #tpu.memory_space<vmem>> -> memref<1x64x128xf32, #tpu.memory_space<vmem>>
      %dma_wait3A_572 = tpu.memref_squeeze %dma_wait3A_571 : memref<1x64x128xf32, #tpu.memory_space<vmem>> -> memref<64x128xf32, #tpu.memory_space<vmem>>
      tpu.wait_dma2 semaphore(%arg17 : memref<!tpu.dma_semaphore, #tpu.memory_space<semaphore_mem>>) src(%dma_wait3A_572 : memref<64x128xf32, #tpu.memory_space<vmem>>) dst(%dma_wait3A_568 : memref<64x128xf32, #tpu.memory_space<hbm>>)
      %jit3A_573 = arith.constant 2 : i32
      %div3A_574 = arith.divsi %add3A_554, %jit3A_573 : i32
      %sign3A_575 = arith.constant 0 : i32
      %sign3A_576 = arith.cmpi sgt, %add3A_554, %sign3A_575 : i32
      %sign3A_577 = arith.extui %sign3A_576 : i1 to i32
      %sign3A_578 = arith.constant 0 : i32
      %sign3A_579 = arith.cmpi slt, %add3A_554, %sign3A_578 : i32
      %sign3A_580 = arith.extui %sign3A_579 : i1 to i32
      %sign3A_581 = arith.subi %sign3A_577, %sign3A_580 : i32
      %sign3A_582 = arith.constant 0 : i32
      %sign3A_583 = arith.cmpi sgt, %jit3A_573, %sign3A_582 : i32
      %sign3A_584 = arith.extui %sign3A_583 : i1 to i32
      %sign3A_585 = arith.constant 0 : i32
      %sign3A_586 = arith.cmpi slt, %jit3A_573, %sign3A_585 : i32
      %sign3A_587 = arith.extui %sign3A_586 : i1 to i32
      %sign3A_588 = arith.subi %sign3A_584, %sign3A_587 : i32
      %ne3A_589 = arith.cmpi ne, %sign3A_581, %sign3A_588 : i32
      %rem3A_590 = arith.remsi %add3A_554, %jit3A_573 : i32
      %ne3A_591 = arith.constant 0 : i32
      %ne3A_592 = arith.cmpi ne, %rem3A_590, %ne3A_591 : i32
      %and3A_593 = arith.andi %ne3A_589, %ne3A_592 : i1
      %sub3A_594 = arith.constant 1 : i32
      %sub3A_595 = arith.subi %div3A_574, %sub3A_594 : i32
      %select_n3A_596 = arith.select %and3A_593, %sub3A_595, %div3A_574 : i32
      %jit3A_597 = arith.constant 2 : i32
      %eq3A_598 = arith.constant 0 : i32
      %eq3A_599 = arith.cmpi eq, %jit3A_597, %eq3A_598 : i32
      %jit3A_600 = arith.constant 1 : i32
      %select_n3A_601 = arith.select %eq3A_599, %jit3A_600, %jit3A_597 : i32
      %rem3A_602 = arith.remsi %add3A_554, %select_n3A_601 : i32
      %ne3A_603 = arith.constant 0 : i32
      %ne3A_604 = arith.cmpi ne, %rem3A_602, %ne3A_603 : i32
      %lt3A_605 = arith.constant 0 : i32
      %lt3A_606 = arith.cmpi slt, %rem3A_602, %lt3A_605 : i32
      %lt3A_607 = arith.constant 0 : i32
      %lt3A_608 = arith.cmpi slt, %select_n3A_601, %lt3A_607 : i32
      %ne3A_609 = arith.xori %lt3A_606, %lt3A_608 : i1
      %and3A_610 = arith.andi %ne3A_609, %ne3A_604 : i1
      %add3A_611 = arith.addi %rem3A_602, %select_n3A_601 : i32
      %select_n3A_612 = arith.select %and3A_610, %add3A_611, %rem3A_602 : i32
      %mul3A_613 = arith.constant 64 : i32
      %mul3A_614 = arith.muli %select_n3A_612, %mul3A_613 : i32
      %dma_start3A_615 = arith.constant 1 : i32
      %dma_start3A_616 = arith.constant 0 : i32
      %dma_start3A_617 = arith.constant 0 : i32
      %dma_start3A_618 = tpu.memref_slice %arg6[%dma_start3A_615, %dma_start3A_616, %dma_start3A_617] : memref<8x64x128xf32, #tpu.memory_space<vmem>> -> memref<1x64x128xf32, #tpu.memory_space<vmem>>
      %dma_start3A_619 = tpu.memref_squeeze %dma_start3A_618 : memref<1x64x128xf32, #tpu.memory_space<vmem>> -> memref<64x128xf32, #tpu.memory_space<vmem>>
      %dma_start3A_620 = tpu.memref_slice %arg5[%select_n3A_596, %mul3A_614] : memref<80x128xi32, #tpu.memory_space<vmem>> -> memref<1x64xi32, #tpu.memory_space<vmem>>
      %dma_start3A_621 = tpu.memref_squeeze %dma_start3A_620 : memref<1x64xi32, #tpu.memory_space<vmem>> -> memref<64xi32, #tpu.memory_space<vmem>>
      %dma_start3A_622 = arith.constant 0 : i32
      %dma_start3A_623 = arith.constant 0 : i32
      %dma_start3A_624 = tpu.memref_slice %arg7[%dma_start3A_622, %dma_start3A_623] : memref<9x128xf32, #tpu.memory_space<vmem_shared>> -> memref<9x128xf32, #tpu.memory_space<vmem_shared>>
      tpu.enqueue_indirect_dma source(%dma_start3A_624 : memref<9x128xf32, #tpu.memory_space<vmem_shared>>) target(%dma_start3A_619 : memref<64x128xf32, #tpu.memory_space<vmem>>) offsets(%dma_start3A_621 : memref<64xi32, #tpu.memory_space<vmem>>) semaphore(%arg9 : memref<!tpu.dma_semaphore, #tpu.memory_space<semaphore_mem>>)
      %add3A_625 = arith.constant 2 : i32
      %add3A_626 = arith.addi %mul3A_486, %add3A_625 : i32
      %sub3A_627 = arith.constant 8 : i32
      %sub3A_628 = arith.subi %add3A_626, %sub3A_627 : i32
      %mul3A_629 = arith.constant 64 : i32
      %mul3A_630 = arith.muli %sub3A_628, %mul3A_629 : i32
      %add3A_631 = arith.addi %mul3A_5, %mul3A_630 : i32
      %dma_wait3A_632 = arith.constant 2 : i32
      %dma_wait3A_633 = arith.constant 0 : i32
      %dma_wait3A_634 = arith.constant 0 : i32
      %dma_wait3A_635 = tpu.memref_slice %arg6[%dma_wait3A_632, %dma_wait3A_633, %dma_wait3A_634] : memref<8x64x128xf32, #tpu.memory_space<vmem>> -> memref<1x64x128xf32, #tpu.memory_space<vmem>>
      %dma_wait3A_636 = tpu.memref_squeeze %dma_wait3A_635 : memref<1x64x128xf32, #tpu.memory_space<vmem>> -> memref<64x128xf32, #tpu.memory_space<vmem>>
      %dma_wait3A_637 = arith.constant 0 : i32
      %dma_wait3A_638 = tpu.memref_slice %arg4[%add3A_631, %dma_wait3A_637] : memref<320000x128xf32, #tpu.memory_space<hbm>> -> memref<64x128xf32, #tpu.memory_space<hbm>>
      %dma_wait3A_639 = arith.constant 0 : i32
      %dma_wait3A_640 = tpu.memref_slice %arg4[%add3A_631, %dma_wait3A_639] : memref<320000x128xf32, #tpu.memory_space<hbm>> -> memref<64x128xf32, #tpu.memory_space<hbm>>
      %dma_wait3A_641 = arith.constant 0 : i32
      %dma_wait3A_642 = arith.constant 0 : i32
      %dma_wait3A_643 = tpu.memref_slice %arg6[%dma_wait3A_632, %dma_wait3A_641, %dma_wait3A_642] : memref<8x64x128xf32, #tpu.memory_space<vmem>> -> memref<1x64x128xf32, #tpu.memory_space<vmem>>
      %dma_wait3A_644 = tpu.memref_squeeze %dma_wait3A_643 : memref<1x64x128xf32, #tpu.memory_space<vmem>> -> memref<64x128xf32, #tpu.memory_space<vmem>>
      tpu.wait_dma2 semaphore(%arg18 : memref<!tpu.dma_semaphore, #tpu.memory_space<semaphore_mem>>) src(%dma_wait3A_644 : memref<64x128xf32, #tpu.memory_space<vmem>>) dst(%dma_wait3A_640 : memref<64x128xf32, #tpu.memory_space<hbm>>)
      %jit3A_645 = arith.constant 2 : i32
      %div3A_646 = arith.divsi %add3A_626, %jit3A_645 : i32
      %sign3A_647 = arith.constant 0 : i32
      %sign3A_648 = arith.cmpi sgt, %add3A_626, %sign3A_647 : i32
      %sign3A_649 = arith.extui %sign3A_648 : i1 to i32
      %sign3A_650 = arith.constant 0 : i32
      %sign3A_651 = arith.cmpi slt, %add3A_626, %sign3A_650 : i32
      %sign3A_652 = arith.extui %sign3A_651 : i1 to i32
      %sign3A_653 = arith.subi %sign3A_649, %sign3A_652 : i32
      %sign3A_654 = arith.constant 0 : i32
      %sign3A_655 = arith.cmpi sgt, %jit3A_645, %sign3A_654 : i32
      %sign3A_656 = arith.extui %sign3A_655 : i1 to i32
      %sign3A_657 = arith.constant 0 : i32
      %sign3A_658 = arith.cmpi slt, %jit3A_645, %sign3A_657 : i32
      %sign3A_659 = arith.extui %sign3A_658 : i1 to i32
      %sign3A_660 = arith.subi %sign3A_656, %sign3A_659 : i32
      %ne3A_661 = arith.cmpi ne, %sign3A_653, %sign3A_660 : i32
      %rem3A_662 = arith.remsi %add3A_626, %jit3A_645 : i32
      %ne3A_663 = arith.constant 0 : i32
      %ne3A_664 = arith.cmpi ne, %rem3A_662, %ne3A_663 : i32
      %and3A_665 = arith.andi %ne3A_661, %ne3A_664 : i1
      %sub3A_666 = arith.constant 1 : i32
      %sub3A_667 = arith.subi %div3A_646, %sub3A_666 : i32
      %select_n3A_668 = arith.select %and3A_665, %sub3A_667, %div3A_646 : i32
      %jit3A_669 = arith.constant 2 : i32
      %eq3A_670 = arith.constant 0 : i32
      %eq3A_671 = arith.cmpi eq, %jit3A_669, %eq3A_670 : i32
      %jit3A_672 = arith.constant 1 : i32
      %select_n3A_673 = arith.select %eq3A_671, %jit3A_672, %jit3A_669 : i32
      %rem3A_674 = arith.remsi %add3A_626, %select_n3A_673 : i32
      %ne3A_675 = arith.constant 0 : i32
      %ne3A_676 = arith.cmpi ne, %rem3A_674, %ne3A_675 : i32
      %lt3A_677 = arith.constant 0 : i32
      %lt3A_678 = arith.cmpi slt, %rem3A_674, %lt3A_677 : i32
      %lt3A_679 = arith.constant 0 : i32
      %lt3A_680 = arith.cmpi slt, %select_n3A_673, %lt3A_679 : i32
      %ne3A_681 = arith.xori %lt3A_678, %lt3A_680 : i1
      %and3A_682 = arith.andi %ne3A_681, %ne3A_676 : i1
      %add3A_683 = arith.addi %rem3A_674, %select_n3A_673 : i32
      %select_n3A_684 = arith.select %and3A_682, %add3A_683, %rem3A_674 : i32
      %mul3A_685 = arith.constant 64 : i32
      %mul3A_686 = arith.muli %select_n3A_684, %mul3A_685 : i32
      %dma_start3A_687 = arith.constant 2 : i32
      %dma_start3A_688 = arith.constant 0 : i32
      %dma_start3A_689 = arith.constant 0 : i32
      %dma_start3A_690 = tpu.memref_slice %arg6[%dma_start3A_687, %dma_start3A_688, %dma_start3A_689] : memref<8x64x128xf32, #tpu.memory_space<vmem>> -> memref<1x64x128xf32, #tpu.memory_space<vmem>>
      %dma_start3A_691 = tpu.memref_squeeze %dma_start3A_690 : memref<1x64x128xf32, #tpu.memory_space<vmem>> -> memref<64x128xf32, #tpu.memory_space<vmem>>
      %dma_start3A_692 = tpu.memref_slice %arg5[%select_n3A_668, %mul3A_686] : memref<80x128xi32, #tpu.memory_space<vmem>> -> memref<1x64xi32, #tpu.memory_space<vmem>>
      %dma_start3A_693 = tpu.memref_squeeze %dma_start3A_692 : memref<1x64xi32, #tpu.memory_space<vmem>> -> memref<64xi32, #tpu.memory_space<vmem>>
      %dma_start3A_694 = arith.constant 0 : i32
      %dma_start3A_695 = arith.constant 0 : i32
      %dma_start3A_696 = tpu.memref_slice %arg7[%dma_start3A_694, %dma_start3A_695] : memref<9x128xf32, #tpu.memory_space<vmem_shared>> -> memref<9x128xf32, #tpu.memory_space<vmem_shared>>
      tpu.enqueue_indirect_dma source(%dma_start3A_696 : memref<9x128xf32, #tpu.memory_space<vmem_shared>>) target(%dma_start3A_691 : memref<64x128xf32, #tpu.memory_space<vmem>>) offsets(%dma_start3A_693 : memref<64xi32, #tpu.memory_space<vmem>>) semaphore(%arg10 : memref<!tpu.dma_semaphore, #tpu.memory_space<semaphore_mem>>)
      %add3A_697 = arith.constant 3 : i32
      %add3A_698 = arith.addi %mul3A_486, %add3A_697 : i32
      %sub3A_699 = arith.constant 8 : i32
      %sub3A_700 = arith.subi %add3A_698, %sub3A_699 : i32
      %mul3A_701 = arith.constant 64 : i32
      %mul3A_702 = arith.muli %sub3A_700, %mul3A_701 : i32
      %add3A_703 = arith.addi %mul3A_5, %mul3A_702 : i32
      %dma_wait3A_704 = arith.constant 3 : i32
      %dma_wait3A_705 = arith.constant 0 : i32
      %dma_wait3A_706 = arith.constant 0 : i32
      %dma_wait3A_707 = tpu.memref_slice %arg6[%dma_wait3A_704, %dma_wait3A_705, %dma_wait3A_706] : memref<8x64x128xf32, #tpu.memory_space<vmem>> -> memref<1x64x128xf32, #tpu.memory_space<vmem>>
      %dma_wait3A_708 = tpu.memref_squeeze %dma_wait3A_707 : memref<1x64x128xf32, #tpu.memory_space<vmem>> -> memref<64x128xf32, #tpu.memory_space<vmem>>
      %dma_wait3A_709 = arith.constant 0 : i32
      %dma_wait3A_710 = tpu.memref_slice %arg4[%add3A_703, %dma_wait3A_709] : memref<320000x128xf32, #tpu.memory_space<hbm>> -> memref<64x128xf32, #tpu.memory_space<hbm>>
      %dma_wait3A_711 = arith.constant 0 : i32
      %dma_wait3A_712 = tpu.memref_slice %arg4[%add3A_703, %dma_wait3A_711] : memref<320000x128xf32, #tpu.memory_space<hbm>> -> memref<64x128xf32, #tpu.memory_space<hbm>>
      %dma_wait3A_713 = arith.constant 0 : i32
      %dma_wait3A_714 = arith.constant 0 : i32
      %dma_wait3A_715 = tpu.memref_slice %arg6[%dma_wait3A_704, %dma_wait3A_713, %dma_wait3A_714] : memref<8x64x128xf32, #tpu.memory_space<vmem>> -> memref<1x64x128xf32, #tpu.memory_space<vmem>>
      %dma_wait3A_716 = tpu.memref_squeeze %dma_wait3A_715 : memref<1x64x128xf32, #tpu.memory_space<vmem>> -> memref<64x128xf32, #tpu.memory_space<vmem>>
      tpu.wait_dma2 semaphore(%arg19 : memref<!tpu.dma_semaphore, #tpu.memory_space<semaphore_mem>>) src(%dma_wait3A_716 : memref<64x128xf32, #tpu.memory_space<vmem>>) dst(%dma_wait3A_712 : memref<64x128xf32, #tpu.memory_space<hbm>>)
      %jit3A_717 = arith.constant 2 : i32
      %div3A_718 = arith.divsi %add3A_698, %jit3A_717 : i32
      %sign3A_719 = arith.constant 0 : i32
      %sign3A_720 = arith.cmpi sgt, %add3A_698, %sign3A_719 : i32
      %sign3A_721 = arith.extui %sign3A_720 : i1 to i32
      %sign3A_722 = arith.constant 0 : i32
      %sign3A_723 = arith.cmpi slt, %add3A_698, %sign3A_722 : i32
      %sign3A_724 = arith.extui %sign3A_723 : i1 to i32
      %sign3A_725 = arith.subi %sign3A_721, %sign3A_724 : i32
      %sign3A_726 = arith.constant 0 : i32
      %sign3A_727 = arith.cmpi sgt, %jit3A_717, %sign3A_726 : i32
      %sign3A_728 = arith.extui %sign3A_727 : i1 to i32
      %sign3A_729 = arith.constant 0 : i32
      %sign3A_730 = arith.cmpi slt, %jit3A_717, %sign3A_729 : i32
      %sign3A_731 = arith.extui %sign3A_730 : i1 to i32
      %sign3A_732 = arith.subi %sign3A_728, %sign3A_731 : i32
      %ne3A_733 = arith.cmpi ne, %sign3A_725, %sign3A_732 : i32
      %rem3A_734 = arith.remsi %add3A_698, %jit3A_717 : i32
      %ne3A_735 = arith.constant 0 : i32
      %ne3A_736 = arith.cmpi ne, %rem3A_734, %ne3A_735 : i32
      %and3A_737 = arith.andi %ne3A_733, %ne3A_736 : i1
      %sub3A_738 = arith.constant 1 : i32
      %sub3A_739 = arith.subi %div3A_718, %sub3A_738 : i32
      %select_n3A_740 = arith.select %and3A_737, %sub3A_739, %div3A_718 : i32
      %jit3A_741 = arith.constant 2 : i32
      %eq3A_742 = arith.constant 0 : i32
      %eq3A_743 = arith.cmpi eq, %jit3A_741, %eq3A_742 : i32
      %jit3A_744 = arith.constant 1 : i32
      %select_n3A_745 = arith.select %eq3A_743, %jit3A_744, %jit3A_741 : i32
      %rem3A_746 = arith.remsi %add3A_698, %select_n3A_745 : i32
      %ne3A_747 = arith.constant 0 : i32
      %ne3A_748 = arith.cmpi ne, %rem3A_746, %ne3A_747 : i32
      %lt3A_749 = arith.constant 0 : i32
      %lt3A_750 = arith.cmpi slt, %rem3A_746, %lt3A_749 : i32
      %lt3A_751 = arith.constant 0 : i32
      %lt3A_752 = arith.cmpi slt, %select_n3A_745, %lt3A_751 : i32
      %ne3A_753 = arith.xori %lt3A_750, %lt3A_752 : i1
      %and3A_754 = arith.andi %ne3A_753, %ne3A_748 : i1
      %add3A_755 = arith.addi %rem3A_746, %select_n3A_745 : i32
      %select_n3A_756 = arith.select %and3A_754, %add3A_755, %rem3A_746 : i32
      %mul3A_757 = arith.constant 64 : i32
      %mul3A_758 = arith.muli %select_n3A_756, %mul3A_757 : i32
      %dma_start3A_759 = arith.constant 3 : i32
      %dma_start3A_760 = arith.constant 0 : i32
      %dma_start3A_761 = arith.constant 0 : i32
      %dma_start3A_762 = tpu.memref_slice %arg6[%dma_start3A_759, %dma_start3A_760, %dma_start3A_761] : memref<8x64x128xf32, #tpu.memory_space<vmem>> -> memref<1x64x128xf32, #tpu.memory_space<vmem>>
      %dma_start3A_763 = tpu.memref_squeeze %dma_start3A_762 : memref<1x64x128xf32, #tpu.memory_space<vmem>> -> memref<64x128xf32, #tpu.memory_space<vmem>>
      %dma_start3A_764 = tpu.memref_slice %arg5[%select_n3A_740, %mul3A_758] : memref<80x128xi32, #tpu.memory_space<vmem>> -> memref<1x64xi32, #tpu.memory_space<vmem>>
      %dma_start3A_765 = tpu.memref_squeeze %dma_start3A_764 : memref<1x64xi32, #tpu.memory_space<vmem>> -> memref<64xi32, #tpu.memory_space<vmem>>
      %dma_start3A_766 = arith.constant 0 : i32
      %dma_start3A_767 = arith.constant 0 : i32
      %dma_start3A_768 = tpu.memref_slice %arg7[%dma_start3A_766, %dma_start3A_767] : memref<9x128xf32, #tpu.memory_space<vmem_shared>> -> memref<9x128xf32, #tpu.memory_space<vmem_shared>>
      tpu.enqueue_indirect_dma source(%dma_start3A_768 : memref<9x128xf32, #tpu.memory_space<vmem_shared>>) target(%dma_start3A_763 : memref<64x128xf32, #tpu.memory_space<vmem>>) offsets(%dma_start3A_765 : memref<64xi32, #tpu.memory_space<vmem>>) semaphore(%arg11 : memref<!tpu.dma_semaphore, #tpu.memory_space<semaphore_mem>>)
      %add3A_769 = arith.constant 4 : i32
      %add3A_770 = arith.addi %mul3A_486, %add3A_769 : i32
      %sub3A_771 = arith.constant 8 : i32
      %sub3A_772 = arith.subi %add3A_770, %sub3A_771 : i32
      %mul3A_773 = arith.constant 64 : i32
      %mul3A_774 = arith.muli %sub3A_772, %mul3A_773 : i32
      %add3A_775 = arith.addi %mul3A_5, %mul3A_774 : i32
      %dma_wait3A_776 = arith.constant 4 : i32
      %dma_wait3A_777 = arith.constant 0 : i32
      %dma_wait3A_778 = arith.constant 0 : i32
      %dma_wait3A_779 = tpu.memref_slice %arg6[%dma_wait3A_776, %dma_wait3A_777, %dma_wait3A_778] : memref<8x64x128xf32, #tpu.memory_space<vmem>> -> memref<1x64x128xf32, #tpu.memory_space<vmem>>
      %dma_wait3A_780 = tpu.memref_squeeze %dma_wait3A_779 : memref<1x64x128xf32, #tpu.memory_space<vmem>> -> memref<64x128xf32, #tpu.memory_space<vmem>>
      %dma_wait3A_781 = arith.constant 0 : i32
      %dma_wait3A_782 = tpu.memref_slice %arg4[%add3A_775, %dma_wait3A_781] : memref<320000x128xf32, #tpu.memory_space<hbm>> -> memref<64x128xf32, #tpu.memory_space<hbm>>
      %dma_wait3A_783 = arith.constant 0 : i32
      %dma_wait3A_784 = tpu.memref_slice %arg4[%add3A_775, %dma_wait3A_783] : memref<320000x128xf32, #tpu.memory_space<hbm>> -> memref<64x128xf32, #tpu.memory_space<hbm>>
      %dma_wait3A_785 = arith.constant 0 : i32
      %dma_wait3A_786 = arith.constant 0 : i32
      %dma_wait3A_787 = tpu.memref_slice %arg6[%dma_wait3A_776, %dma_wait3A_785, %dma_wait3A_786] : memref<8x64x128xf32, #tpu.memory_space<vmem>> -> memref<1x64x128xf32, #tpu.memory_space<vmem>>
      %dma_wait3A_788 = tpu.memref_squeeze %dma_wait3A_787 : memref<1x64x128xf32, #tpu.memory_space<vmem>> -> memref<64x128xf32, #tpu.memory_space<vmem>>
      tpu.wait_dma2 semaphore(%arg20 : memref<!tpu.dma_semaphore, #tpu.memory_space<semaphore_mem>>) src(%dma_wait3A_788 : memref<64x128xf32, #tpu.memory_space<vmem>>) dst(%dma_wait3A_784 : memref<64x128xf32, #tpu.memory_space<hbm>>)
      %jit3A_789 = arith.constant 2 : i32
      %div3A_790 = arith.divsi %add3A_770, %jit3A_789 : i32
      %sign3A_791 = arith.constant 0 : i32
      %sign3A_792 = arith.cmpi sgt, %add3A_770, %sign3A_791 : i32
      %sign3A_793 = arith.extui %sign3A_792 : i1 to i32
      %sign3A_794 = arith.constant 0 : i32
      %sign3A_795 = arith.cmpi slt, %add3A_770, %sign3A_794 : i32
      %sign3A_796 = arith.extui %sign3A_795 : i1 to i32
      %sign3A_797 = arith.subi %sign3A_793, %sign3A_796 : i32
      %sign3A_798 = arith.constant 0 : i32
      %sign3A_799 = arith.cmpi sgt, %jit3A_789, %sign3A_798 : i32
      %sign3A_800 = arith.extui %sign3A_799 : i1 to i32
      %sign3A_801 = arith.constant 0 : i32
      %sign3A_802 = arith.cmpi slt, %jit3A_789, %sign3A_801 : i32
      %sign3A_803 = arith.extui %sign3A_802 : i1 to i32
      %sign3A_804 = arith.subi %sign3A_800, %sign3A_803 : i32
      %ne3A_805 = arith.cmpi ne, %sign3A_797, %sign3A_804 : i32
      %rem3A_806 = arith.remsi %add3A_770, %jit3A_789 : i32
      %ne3A_807 = arith.constant 0 : i32
      %ne3A_808 = arith.cmpi ne, %rem3A_806, %ne3A_807 : i32
      %and3A_809 = arith.andi %ne3A_805, %ne3A_808 : i1
      %sub3A_810 = arith.constant 1 : i32
      %sub3A_811 = arith.subi %div3A_790, %sub3A_810 : i32
      %select_n3A_812 = arith.select %and3A_809, %sub3A_811, %div3A_790 : i32
      %jit3A_813 = arith.constant 2 : i32
      %eq3A_814 = arith.constant 0 : i32
      %eq3A_815 = arith.cmpi eq, %jit3A_813, %eq3A_814 : i32
      %jit3A_816 = arith.constant 1 : i32
      %select_n3A_817 = arith.select %eq3A_815, %jit3A_816, %jit3A_813 : i32
      %rem3A_818 = arith.remsi %add3A_770, %select_n3A_817 : i32
      %ne3A_819 = arith.constant 0 : i32
      %ne3A_820 = arith.cmpi ne, %rem3A_818, %ne3A_819 : i32
      %lt3A_821 = arith.constant 0 : i32
      %lt3A_822 = arith.cmpi slt, %rem3A_818, %lt3A_821 : i32
      %lt3A_823 = arith.constant 0 : i32
      %lt3A_824 = arith.cmpi slt, %select_n3A_817, %lt3A_823 : i32
      %ne3A_825 = arith.xori %lt3A_822, %lt3A_824 : i1
      %and3A_826 = arith.andi %ne3A_825, %ne3A_820 : i1
      %add3A_827 = arith.addi %rem3A_818, %select_n3A_817 : i32
      %select_n3A_828 = arith.select %and3A_826, %add3A_827, %rem3A_818 : i32
      %mul3A_829 = arith.constant 64 : i32
      %mul3A_830 = arith.muli %select_n3A_828, %mul3A_829 : i32
      %dma_start3A_831 = arith.constant 4 : i32
      %dma_start3A_832 = arith.constant 0 : i32
      %dma_start3A_833 = arith.constant 0 : i32
      %dma_start3A_834 = tpu.memref_slice %arg6[%dma_start3A_831, %dma_start3A_832, %dma_start3A_833] : memref<8x64x128xf32, #tpu.memory_space<vmem>> -> memref<1x64x128xf32, #tpu.memory_space<vmem>>
      %dma_start3A_835 = tpu.memref_squeeze %dma_start3A_834 : memref<1x64x128xf32, #tpu.memory_space<vmem>> -> memref<64x128xf32, #tpu.memory_space<vmem>>
      %dma_start3A_836 = tpu.memref_slice %arg5[%select_n3A_812, %mul3A_830] : memref<80x128xi32, #tpu.memory_space<vmem>> -> memref<1x64xi32, #tpu.memory_space<vmem>>
      %dma_start3A_837 = tpu.memref_squeeze %dma_start3A_836 : memref<1x64xi32, #tpu.memory_space<vmem>> -> memref<64xi32, #tpu.memory_space<vmem>>
      %dma_start3A_838 = arith.constant 0 : i32
      %dma_start3A_839 = arith.constant 0 : i32
      %dma_start3A_840 = tpu.memref_slice %arg7[%dma_start3A_838, %dma_start3A_839] : memref<9x128xf32, #tpu.memory_space<vmem_shared>> -> memref<9x128xf32, #tpu.memory_space<vmem_shared>>
      tpu.enqueue_indirect_dma source(%dma_start3A_840 : memref<9x128xf32, #tpu.memory_space<vmem_shared>>) target(%dma_start3A_835 : memref<64x128xf32, #tpu.memory_space<vmem>>) offsets(%dma_start3A_837 : memref<64xi32, #tpu.memory_space<vmem>>) semaphore(%arg12 : memref<!tpu.dma_semaphore, #tpu.memory_space<semaphore_mem>>)
      %add3A_841 = arith.constant 5 : i32
      %add3A_842 = arith.addi %mul3A_486, %add3A_841 : i32
      %sub3A_843 = arith.constant 8 : i32
      %sub3A_844 = arith.subi %add3A_842, %sub3A_843 : i32
      %mul3A_845 = arith.constant 64 : i32
      %mul3A_846 = arith.muli %sub3A_844, %mul3A_845 : i32
      %add3A_847 = arith.addi %mul3A_5, %mul3A_846 : i32
      %dma_wait3A_848 = arith.constant 5 : i32
      %dma_wait3A_849 = arith.constant 0 : i32
      %dma_wait3A_850 = arith.constant 0 : i32
      %dma_wait3A_851 = tpu.memref_slice %arg6[%dma_wait3A_848, %dma_wait3A_849, %dma_wait3A_850] : memref<8x64x128xf32, #tpu.memory_space<vmem>> -> memref<1x64x128xf32, #tpu.memory_space<vmem>>
      %dma_wait3A_852 = tpu.memref_squeeze %dma_wait3A_851 : memref<1x64x128xf32, #tpu.memory_space<vmem>> -> memref<64x128xf32, #tpu.memory_space<vmem>>
      %dma_wait3A_853 = arith.constant 0 : i32
      %dma_wait3A_854 = tpu.memref_slice %arg4[%add3A_847, %dma_wait3A_853] : memref<320000x128xf32, #tpu.memory_space<hbm>> -> memref<64x128xf32, #tpu.memory_space<hbm>>
      %dma_wait3A_855 = arith.constant 0 : i32
      %dma_wait3A_856 = tpu.memref_slice %arg4[%add3A_847, %dma_wait3A_855] : memref<320000x128xf32, #tpu.memory_space<hbm>> -> memref<64x128xf32, #tpu.memory_space<hbm>>
      %dma_wait3A_857 = arith.constant 0 : i32
      %dma_wait3A_858 = arith.constant 0 : i32
      %dma_wait3A_859 = tpu.memref_slice %arg6[%dma_wait3A_848, %dma_wait3A_857, %dma_wait3A_858] : memref<8x64x128xf32, #tpu.memory_space<vmem>> -> memref<1x64x128xf32, #tpu.memory_space<vmem>>
      %dma_wait3A_860 = tpu.memref_squeeze %dma_wait3A_859 : memref<1x64x128xf32, #tpu.memory_space<vmem>> -> memref<64x128xf32, #tpu.memory_space<vmem>>
      tpu.wait_dma2 semaphore(%arg21 : memref<!tpu.dma_semaphore, #tpu.memory_space<semaphore_mem>>) src(%dma_wait3A_860 : memref<64x128xf32, #tpu.memory_space<vmem>>) dst(%dma_wait3A_856 : memref<64x128xf32, #tpu.memory_space<hbm>>)
      %jit3A_861 = arith.constant 2 : i32
      %div3A_862 = arith.divsi %add3A_842, %jit3A_861 : i32
      %sign3A_863 = arith.constant 0 : i32
      %sign3A_864 = arith.cmpi sgt, %add3A_842, %sign3A_863 : i32
      %sign3A_865 = arith.extui %sign3A_864 : i1 to i32
      %sign3A_866 = arith.constant 0 : i32
      %sign3A_867 = arith.cmpi slt, %add3A_842, %sign3A_866 : i32
      %sign3A_868 = arith.extui %sign3A_867 : i1 to i32
      %sign3A_869 = arith.subi %sign3A_865, %sign3A_868 : i32
      %sign3A_870 = arith.constant 0 : i32
      %sign3A_871 = arith.cmpi sgt, %jit3A_861, %sign3A_870 : i32
      %sign3A_872 = arith.extui %sign3A_871 : i1 to i32
      %sign3A_873 = arith.constant 0 : i32
      %sign3A_874 = arith.cmpi slt, %jit3A_861, %sign3A_873 : i32
      %sign3A_875 = arith.extui %sign3A_874 : i1 to i32
      %sign3A_876 = arith.subi %sign3A_872, %sign3A_875 : i32
      %ne3A_877 = arith.cmpi ne, %sign3A_869, %sign3A_876 : i32
      %rem3A_878 = arith.remsi %add3A_842, %jit3A_861 : i32
      %ne3A_879 = arith.constant 0 : i32
      %ne3A_880 = arith.cmpi ne, %rem3A_878, %ne3A_879 : i32
      %and3A_881 = arith.andi %ne3A_877, %ne3A_880 : i1
      %sub3A_882 = arith.constant 1 : i32
      %sub3A_883 = arith.subi %div3A_862, %sub3A_882 : i32
      %select_n3A_884 = arith.select %and3A_881, %sub3A_883, %div3A_862 : i32
      %jit3A_885 = arith.constant 2 : i32
      %eq3A_886 = arith.constant 0 : i32
      %eq3A_887 = arith.cmpi eq, %jit3A_885, %eq3A_886 : i32
      %jit3A_888 = arith.constant 1 : i32
      %select_n3A_889 = arith.select %eq3A_887, %jit3A_888, %jit3A_885 : i32
      %rem3A_890 = arith.remsi %add3A_842, %select_n3A_889 : i32
      %ne3A_891 = arith.constant 0 : i32
      %ne3A_892 = arith.cmpi ne, %rem3A_890, %ne3A_891 : i32
      %lt3A_893 = arith.constant 0 : i32
      %lt3A_894 = arith.cmpi slt, %rem3A_890, %lt3A_893 : i32
      %lt3A_895 = arith.constant 0 : i32
      %lt3A_896 = arith.cmpi slt, %select_n3A_889, %lt3A_895 : i32
      %ne3A_897 = arith.xori %lt3A_894, %lt3A_896 : i1
      %and3A_898 = arith.andi %ne3A_897, %ne3A_892 : i1
      %add3A_899 = arith.addi %rem3A_890, %select_n3A_889 : i32
      %select_n3A_900 = arith.select %and3A_898, %add3A_899, %rem3A_890 : i32
      %mul3A_901 = arith.constant 64 : i32
      %mul3A_902 = arith.muli %select_n3A_900, %mul3A_901 : i32
      %dma_start3A_903 = arith.constant 5 : i32
      %dma_start3A_904 = arith.constant 0 : i32
      %dma_start3A_905 = arith.constant 0 : i32
      %dma_start3A_906 = tpu.memref_slice %arg6[%dma_start3A_903, %dma_start3A_904, %dma_start3A_905] : memref<8x64x128xf32, #tpu.memory_space<vmem>> -> memref<1x64x128xf32, #tpu.memory_space<vmem>>
      %dma_start3A_907 = tpu.memref_squeeze %dma_start3A_906 : memref<1x64x128xf32, #tpu.memory_space<vmem>> -> memref<64x128xf32, #tpu.memory_space<vmem>>
      %dma_start3A_908 = tpu.memref_slice %arg5[%select_n3A_884, %mul3A_902] : memref<80x128xi32, #tpu.memory_space<vmem>> -> memref<1x64xi32, #tpu.memory_space<vmem>>
      %dma_start3A_909 = tpu.memref_squeeze %dma_start3A_908 : memref<1x64xi32, #tpu.memory_space<vmem>> -> memref<64xi32, #tpu.memory_space<vmem>>
      %dma_start3A_910 = arith.constant 0 : i32
      %dma_start3A_911 = arith.constant 0 : i32
      %dma_start3A_912 = tpu.memref_slice %arg7[%dma_start3A_910, %dma_start3A_911] : memref<9x128xf32, #tpu.memory_space<vmem_shared>> -> memref<9x128xf32, #tpu.memory_space<vmem_shared>>
      tpu.enqueue_indirect_dma source(%dma_start3A_912 : memref<9x128xf32, #tpu.memory_space<vmem_shared>>) target(%dma_start3A_907 : memref<64x128xf32, #tpu.memory_space<vmem>>) offsets(%dma_start3A_909 : memref<64xi32, #tpu.memory_space<vmem>>) semaphore(%arg13 : memref<!tpu.dma_semaphore, #tpu.memory_space<semaphore_mem>>)
      %add3A_913 = arith.constant 6 : i32
      %add3A_914 = arith.addi %mul3A_486, %add3A_913 : i32
      %sub3A_915 = arith.constant 8 : i32
      %sub3A_916 = arith.subi %add3A_914, %sub3A_915 : i32
      %mul3A_917 = arith.constant 64 : i32
      %mul3A_918 = arith.muli %sub3A_916, %mul3A_917 : i32
      %add3A_919 = arith.addi %mul3A_5, %mul3A_918 : i32
      %dma_wait3A_920 = arith.constant 6 : i32
      %dma_wait3A_921 = arith.constant 0 : i32
      %dma_wait3A_922 = arith.constant 0 : i32
      %dma_wait3A_923 = tpu.memref_slice %arg6[%dma_wait3A_920, %dma_wait3A_921, %dma_wait3A_922] : memref<8x64x128xf32, #tpu.memory_space<vmem>> -> memref<1x64x128xf32, #tpu.memory_space<vmem>>
      %dma_wait3A_924 = tpu.memref_squeeze %dma_wait3A_923 : memref<1x64x128xf32, #tpu.memory_space<vmem>> -> memref<64x128xf32, #tpu.memory_space<vmem>>
      %dma_wait3A_925 = arith.constant 0 : i32
      %dma_wait3A_926 = tpu.memref_slice %arg4[%add3A_919, %dma_wait3A_925] : memref<320000x128xf32, #tpu.memory_space<hbm>> -> memref<64x128xf32, #tpu.memory_space<hbm>>
      %dma_wait3A_927 = arith.constant 0 : i32
      %dma_wait3A_928 = tpu.memref_slice %arg4[%add3A_919, %dma_wait3A_927] : memref<320000x128xf32, #tpu.memory_space<hbm>> -> memref<64x128xf32, #tpu.memory_space<hbm>>
      %dma_wait3A_929 = arith.constant 0 : i32
      %dma_wait3A_930 = arith.constant 0 : i32
      %dma_wait3A_931 = tpu.memref_slice %arg6[%dma_wait3A_920, %dma_wait3A_929, %dma_wait3A_930] : memref<8x64x128xf32, #tpu.memory_space<vmem>> -> memref<1x64x128xf32, #tpu.memory_space<vmem>>
      %dma_wait3A_932 = tpu.memref_squeeze %dma_wait3A_931 : memref<1x64x128xf32, #tpu.memory_space<vmem>> -> memref<64x128xf32, #tpu.memory_space<vmem>>
      tpu.wait_dma2 semaphore(%arg22 : memref<!tpu.dma_semaphore, #tpu.memory_space<semaphore_mem>>) src(%dma_wait3A_932 : memref<64x128xf32, #tpu.memory_space<vmem>>) dst(%dma_wait3A_928 : memref<64x128xf32, #tpu.memory_space<hbm>>)
      %jit3A_933 = arith.constant 2 : i32
      %div3A_934 = arith.divsi %add3A_914, %jit3A_933 : i32
      %sign3A_935 = arith.constant 0 : i32
      %sign3A_936 = arith.cmpi sgt, %add3A_914, %sign3A_935 : i32
      %sign3A_937 = arith.extui %sign3A_936 : i1 to i32
      %sign3A_938 = arith.constant 0 : i32
      %sign3A_939 = arith.cmpi slt, %add3A_914, %sign3A_938 : i32
      %sign3A_940 = arith.extui %sign3A_939 : i1 to i32
      %sign3A_941 = arith.subi %sign3A_937, %sign3A_940 : i32
      %sign3A_942 = arith.constant 0 : i32
      %sign3A_943 = arith.cmpi sgt, %jit3A_933, %sign3A_942 : i32
      %sign3A_944 = arith.extui %sign3A_943 : i1 to i32
      %sign3A_945 = arith.constant 0 : i32
      %sign3A_946 = arith.cmpi slt, %jit3A_933, %sign3A_945 : i32
      %sign3A_947 = arith.extui %sign3A_946 : i1 to i32
      %sign3A_948 = arith.subi %sign3A_944, %sign3A_947 : i32
      %ne3A_949 = arith.cmpi ne, %sign3A_941, %sign3A_948 : i32
      %rem3A_950 = arith.remsi %add3A_914, %jit3A_933 : i32
      %ne3A_951 = arith.constant 0 : i32
      %ne3A_952 = arith.cmpi ne, %rem3A_950, %ne3A_951 : i32
      %and3A_953 = arith.andi %ne3A_949, %ne3A_952 : i1
      %sub3A_954 = arith.constant 1 : i32
      %sub3A_955 = arith.subi %div3A_934, %sub3A_954 : i32
      %select_n3A_956 = arith.select %and3A_953, %sub3A_955, %div3A_934 : i32
      %jit3A_957 = arith.constant 2 : i32
      %eq3A_958 = arith.constant 0 : i32
      %eq3A_959 = arith.cmpi eq, %jit3A_957, %eq3A_958 : i32
      %jit3A_960 = arith.constant 1 : i32
      %select_n3A_961 = arith.select %eq3A_959, %jit3A_960, %jit3A_957 : i32
      %rem3A_962 = arith.remsi %add3A_914, %select_n3A_961 : i32
      %ne3A_963 = arith.constant 0 : i32
      %ne3A_964 = arith.cmpi ne, %rem3A_962, %ne3A_963 : i32
      %lt3A_965 = arith.constant 0 : i32
      %lt3A_966 = arith.cmpi slt, %rem3A_962, %lt3A_965 : i32
      %lt3A_967 = arith.constant 0 : i32
      %lt3A_968 = arith.cmpi slt, %select_n3A_961, %lt3A_967 : i32
      %ne3A_969 = arith.xori %lt3A_966, %lt3A_968 : i1
      %and3A_970 = arith.andi %ne3A_969, %ne3A_964 : i1
      %add3A_971 = arith.addi %rem3A_962, %select_n3A_961 : i32
      %select_n3A_972 = arith.select %and3A_970, %add3A_971, %rem3A_962 : i32
      %mul3A_973 = arith.constant 64 : i32
      %mul3A_974 = arith.muli %select_n3A_972, %mul3A_973 : i32
      %dma_start3A_975 = arith.constant 6 : i32
      %dma_start3A_976 = arith.constant 0 : i32
      %dma_start3A_977 = arith.constant 0 : i32
      %dma_start3A_978 = tpu.memref_slice %arg6[%dma_start3A_975, %dma_start3A_976, %dma_start3A_977] : memref<8x64x128xf32, #tpu.memory_space<vmem>> -> memref<1x64x128xf32, #tpu.memory_space<vmem>>
      %dma_start3A_979 = tpu.memref_squeeze %dma_start3A_978 : memref<1x64x128xf32, #tpu.memory_space<vmem>> -> memref<64x128xf32, #tpu.memory_space<vmem>>
      %dma_start3A_980 = tpu.memref_slice %arg5[%select_n3A_956, %mul3A_974] : memref<80x128xi32, #tpu.memory_space<vmem>> -> memref<1x64xi32, #tpu.memory_space<vmem>>
      %dma_start3A_981 = tpu.memref_squeeze %dma_start3A_980 : memref<1x64xi32, #tpu.memory_space<vmem>> -> memref<64xi32, #tpu.memory_space<vmem>>
      %dma_start3A_982 = arith.constant 0 : i32
      %dma_start3A_983 = arith.constant 0 : i32
      %dma_start3A_984 = tpu.memref_slice %arg7[%dma_start3A_982, %dma_start3A_983] : memref<9x128xf32, #tpu.memory_space<vmem_shared>> -> memref<9x128xf32, #tpu.memory_space<vmem_shared>>
      tpu.enqueue_indirect_dma source(%dma_start3A_984 : memref<9x128xf32, #tpu.memory_space<vmem_shared>>) target(%dma_start3A_979 : memref<64x128xf32, #tpu.memory_space<vmem>>) offsets(%dma_start3A_981 : memref<64xi32, #tpu.memory_space<vmem>>) semaphore(%arg14 : memref<!tpu.dma_semaphore, #tpu.memory_space<semaphore_mem>>)
      %add3A_985 = arith.constant 7 : i32
      %add3A_986 = arith.addi %mul3A_486, %add3A_985 : i32
      %sub3A_987 = arith.constant 8 : i32
      %sub3A_988 = arith.subi %add3A_986, %sub3A_987 : i32
      %mul3A_989 = arith.constant 64 : i32
      %mul3A_990 = arith.muli %sub3A_988, %mul3A_989 : i32
      %add3A_991 = arith.addi %mul3A_5, %mul3A_990 : i32
      %dma_wait3A_992 = arith.constant 7 : i32
      %dma_wait3A_993 = arith.constant 0 : i32
      %dma_wait3A_994 = arith.constant 0 : i32
      %dma_wait3A_995 = tpu.memref_slice %arg6[%dma_wait3A_992, %dma_wait3A_993, %dma_wait3A_994] : memref<8x64x128xf32, #tpu.memory_space<vmem>> -> memref<1x64x128xf32, #tpu.memory_space<vmem>>
      %dma_wait3A_996 = tpu.memref_squeeze %dma_wait3A_995 : memref<1x64x128xf32, #tpu.memory_space<vmem>> -> memref<64x128xf32, #tpu.memory_space<vmem>>
      %dma_wait3A_997 = arith.constant 0 : i32
      %dma_wait3A_998 = tpu.memref_slice %arg4[%add3A_991, %dma_wait3A_997] : memref<320000x128xf32, #tpu.memory_space<hbm>> -> memref<64x128xf32, #tpu.memory_space<hbm>>
      %dma_wait3A_999 = arith.constant 0 : i32
      %dma_wait3A_1000 = tpu.memref_slice %arg4[%add3A_991, %dma_wait3A_999] : memref<320000x128xf32, #tpu.memory_space<hbm>> -> memref<64x128xf32, #tpu.memory_space<hbm>>
      %dma_wait3A_1001 = arith.constant 0 : i32
      %dma_wait3A_1002 = arith.constant 0 : i32
      %dma_wait3A_1003 = tpu.memref_slice %arg6[%dma_wait3A_992, %dma_wait3A_1001, %dma_wait3A_1002] : memref<8x64x128xf32, #tpu.memory_space<vmem>> -> memref<1x64x128xf32, #tpu.memory_space<vmem>>
      %dma_wait3A_1004 = tpu.memref_squeeze %dma_wait3A_1003 : memref<1x64x128xf32, #tpu.memory_space<vmem>> -> memref<64x128xf32, #tpu.memory_space<vmem>>
      tpu.wait_dma2 semaphore(%arg23 : memref<!tpu.dma_semaphore, #tpu.memory_space<semaphore_mem>>) src(%dma_wait3A_1004 : memref<64x128xf32, #tpu.memory_space<vmem>>) dst(%dma_wait3A_1000 : memref<64x128xf32, #tpu.memory_space<hbm>>)
      %jit3A_1005 = arith.constant 2 : i32
      %div3A_1006 = arith.divsi %add3A_986, %jit3A_1005 : i32
      %sign3A_1007 = arith.constant 0 : i32
      %sign3A_1008 = arith.cmpi sgt, %add3A_986, %sign3A_1007 : i32
      %sign3A_1009 = arith.extui %sign3A_1008 : i1 to i32
      %sign3A_1010 = arith.constant 0 : i32
      %sign3A_1011 = arith.cmpi slt, %add3A_986, %sign3A_1010 : i32
      %sign3A_1012 = arith.extui %sign3A_1011 : i1 to i32
      %sign3A_1013 = arith.subi %sign3A_1009, %sign3A_1012 : i32
      %sign3A_1014 = arith.constant 0 : i32
      %sign3A_1015 = arith.cmpi sgt, %jit3A_1005, %sign3A_1014 : i32
      %sign3A_1016 = arith.extui %sign3A_1015 : i1 to i32
      %sign3A_1017 = arith.constant 0 : i32
      %sign3A_1018 = arith.cmpi slt, %jit3A_1005, %sign3A_1017 : i32
      %sign3A_1019 = arith.extui %sign3A_1018 : i1 to i32
      %sign3A_1020 = arith.subi %sign3A_1016, %sign3A_1019 : i32
      %ne3A_1021 = arith.cmpi ne, %sign3A_1013, %sign3A_1020 : i32
      %rem3A_1022 = arith.remsi %add3A_986, %jit3A_1005 : i32
      %ne3A_1023 = arith.constant 0 : i32
      %ne3A_1024 = arith.cmpi ne, %rem3A_1022, %ne3A_1023 : i32
      %and3A_1025 = arith.andi %ne3A_1021, %ne3A_1024 : i1
      %sub3A_1026 = arith.constant 1 : i32
      %sub3A_1027 = arith.subi %div3A_1006, %sub3A_1026 : i32
      %select_n3A_1028 = arith.select %and3A_1025, %sub3A_1027, %div3A_1006 : i32
      %jit3A_1029 = arith.constant 2 : i32
      %eq3A_1030 = arith.constant 0 : i32
      %eq3A_1031 = arith.cmpi eq, %jit3A_1029, %eq3A_1030 : i32
      %jit3A_1032 = arith.constant 1 : i32
      %select_n3A_1033 = arith.select %eq3A_1031, %jit3A_1032, %jit3A_1029 : i32
      %rem3A_1034 = arith.remsi %add3A_986, %select_n3A_1033 : i32
      %ne3A_1035 = arith.constant 0 : i32
      %ne3A_1036 = arith.cmpi ne, %rem3A_1034, %ne3A_1035 : i32
      %lt3A_1037 = arith.constant 0 : i32
      %lt3A_1038 = arith.cmpi slt, %rem3A_1034, %lt3A_1037 : i32
      %lt3A_1039 = arith.constant 0 : i32
      %lt3A_1040 = arith.cmpi slt, %select_n3A_1033, %lt3A_1039 : i32
      %ne3A_1041 = arith.xori %lt3A_1038, %lt3A_1040 : i1
      %and3A_1042 = arith.andi %ne3A_1041, %ne3A_1036 : i1
      %add3A_1043 = arith.addi %rem3A_1034, %select_n3A_1033 : i32
      %select_n3A_1044 = arith.select %and3A_1042, %add3A_1043, %rem3A_1034 : i32
      %mul3A_1045 = arith.constant 64 : i32
      %mul3A_1046 = arith.muli %select_n3A_1044, %mul3A_1045 : i32
      %dma_start3A_1047 = arith.constant 7 : i32
      %dma_start3A_1048 = arith.constant 0 : i32
      %dma_start3A_1049 = arith.constant 0 : i32
      %dma_start3A_1050 = tpu.memref_slice %arg6[%dma_start3A_1047, %dma_start3A_1048, %dma_start3A_1049] : memref<8x64x128xf32, #tpu.memory_space<vmem>> -> memref<1x64x128xf32, #tpu.memory_space<vmem>>
      %dma_start3A_1051 = tpu.memref_squeeze %dma_start3A_1050 : memref<1x64x128xf32, #tpu.memory_space<vmem>> -> memref<64x128xf32, #tpu.memory_space<vmem>>
      %dma_start3A_1052 = tpu.memref_slice %arg5[%select_n3A_1028, %mul3A_1046] : memref<80x128xi32, #tpu.memory_space<vmem>> -> memref<1x64xi32, #tpu.memory_space<vmem>>
      %dma_start3A_1053 = tpu.memref_squeeze %dma_start3A_1052 : memref<1x64xi32, #tpu.memory_space<vmem>> -> memref<64xi32, #tpu.memory_space<vmem>>
      %dma_start3A_1054 = arith.constant 0 : i32
      %dma_start3A_1055 = arith.constant 0 : i32
      %dma_start3A_1056 = tpu.memref_slice %arg7[%dma_start3A_1054, %dma_start3A_1055] : memref<9x128xf32, #tpu.memory_space<vmem_shared>> -> memref<9x128xf32, #tpu.memory_space<vmem_shared>>
      tpu.enqueue_indirect_dma source(%dma_start3A_1056 : memref<9x128xf32, #tpu.memory_space<vmem_shared>>) target(%dma_start3A_1051 : memref<64x128xf32, #tpu.memory_space<vmem>>) offsets(%dma_start3A_1053 : memref<64xi32, #tpu.memory_space<vmem>>) semaphore(%arg15 : memref<!tpu.dma_semaphore, #tpu.memory_space<semaphore_mem>>)
      %add3A_1057 = arith.constant 0 : i32
      %add3A_1058 = arith.addi %mul3A_486, %add3A_1057 : i32
      %dma_wait3A_1059 = arith.constant 0 : i32
      %dma_wait3A_1060 = arith.constant 0 : i32
      %dma_wait3A_1061 = arith.constant 0 : i32
      %dma_wait3A_1062 = tpu.memref_slice %arg6[%dma_wait3A_1059, %dma_wait3A_1060, %dma_wait3A_1061] : memref<8x64x128xf32, #tpu.memory_space<vmem>> -> memref<1x64x128xf32, #tpu.memory_space<vmem>>
      %dma_wait3A_1063 = tpu.memref_squeeze %dma_wait3A_1062 : memref<1x64x128xf32, #tpu.memory_space<vmem>> -> memref<64x128xf32, #tpu.memory_space<vmem>>
      %dma_wait3A_1064 = tpu.memref_slice %arg5[%select_n3A_525, %mul3A_542] : memref<80x128xi32, #tpu.memory_space<vmem>> -> memref<1x64xi32, #tpu.memory_space<vmem>>
      %dma_wait3A_1065 = tpu.memref_squeeze %dma_wait3A_1064 : memref<1x64xi32, #tpu.memory_space<vmem>> -> memref<64xi32, #tpu.memory_space<vmem>>
      %dma_wait3A_1066 = arith.constant 0 : i32
      %dma_wait3A_1067 = arith.constant 0 : i32
      %dma_wait3A_1068 = tpu.memref_slice %arg7[%dma_wait3A_1066, %dma_wait3A_1067] : memref<9x128xf32, #tpu.memory_space<vmem_shared>> -> memref<9x128xf32, #tpu.memory_space<vmem_shared>>
      tpu.wait_indirect_dma semaphore(%arg8 : memref<!tpu.dma_semaphore, #tpu.memory_space<semaphore_mem>>) src(%dma_wait3A_1068 : memref<9x128xf32, #tpu.memory_space<vmem_shared>>) dst(%dma_wait3A_1063 : memref<64x128xf32, #tpu.memory_space<vmem>>)
      %mul3A_1069 = arith.constant 64 : i32
      %mul3A_1070 = arith.muli %add3A_1058, %mul3A_1069 : i32
      %add3A_1071 = arith.addi %mul3A_5, %mul3A_1070 : i32
      %dma_start3A_1072 = arith.constant 0 : i32
      %dma_start3A_1073 = arith.constant 0 : i32
      %dma_start3A_1074 = arith.constant 0 : i32
      %dma_start3A_1075 = tpu.memref_slice %arg6[%dma_start3A_1072, %dma_start3A_1073, %dma_start3A_1074] : memref<8x64x128xf32, #tpu.memory_space<vmem>> -> memref<1x64x128xf32, #tpu.memory_space<vmem>>
      %dma_start3A_1076 = tpu.memref_squeeze %dma_start3A_1075 : memref<1x64x128xf32, #tpu.memory_space<vmem>> -> memref<64x128xf32, #tpu.memory_space<vmem>>
      %dma_start3A_1077 = arith.constant 0 : i32
      %dma_start3A_1078 = tpu.memref_slice %arg4[%add3A_1071, %dma_start3A_1077] : memref<320000x128xf32, #tpu.memory_space<hbm>> -> memref<64x128xf32, #tpu.memory_space<hbm>>
      %dma_start3A_1079 = arith.constant 0 : i32
      %dma_start3A_1080 = tpu.memref_slice %arg4[%add3A_1071, %dma_start3A_1079] : memref<320000x128xf32, #tpu.memory_space<hbm>> -> memref<64x128xf32, #tpu.memory_space<hbm>>
      %dma_start3A_1081 = arith.constant 0 : i32
      %dma_start3A_1082 = arith.constant 0 : i32
      %dma_start3A_1083 = tpu.memref_slice %arg6[%dma_start3A_1072, %dma_start3A_1081, %dma_start3A_1082] : memref<8x64x128xf32, #tpu.memory_space<vmem>> -> memref<1x64x128xf32, #tpu.memory_space<vmem>>
      %dma_start3A_1084 = tpu.memref_squeeze %dma_start3A_1083 : memref<1x64x128xf32, #tpu.memory_space<vmem>> -> memref<64x128xf32, #tpu.memory_space<vmem>>
      tpu.enqueue_dma source(%dma_start3A_1084 : memref<64x128xf32, #tpu.memory_space<vmem>>) target(%dma_start3A_1080 : memref<64x128xf32, #tpu.memory_space<hbm>>) target_semaphore(%arg16 : memref<!tpu.dma_semaphore, #tpu.memory_space<semaphore_mem>>)
      %add3A_1085 = arith.constant 1 : i32
      %add3A_1086 = arith.addi %mul3A_486, %add3A_1085 : i32
      %dma_wait3A_1087 = arith.constant 1 : i32
      %dma_wait3A_1088 = arith.constant 0 : i32
      %dma_wait3A_1089 = arith.constant 0 : i32
      %dma_wait3A_1090 = tpu.memref_slice %arg6[%dma_wait3A_1087, %dma_wait3A_1088, %dma_wait3A_1089] : memref<8x64x128xf32, #tpu.memory_space<vmem>> -> memref<1x64x128xf32, #tpu.memory_space<vmem>>
      %dma_wait3A_1091 = tpu.memref_squeeze %dma_wait3A_1090 : memref<1x64x128xf32, #tpu.memory_space<vmem>> -> memref<64x128xf32, #tpu.memory_space<vmem>>
      %dma_wait3A_1092 = tpu.memref_slice %arg5[%select_n3A_596, %mul3A_614] : memref<80x128xi32, #tpu.memory_space<vmem>> -> memref<1x64xi32, #tpu.memory_space<vmem>>
      %dma_wait3A_1093 = tpu.memref_squeeze %dma_wait3A_1092 : memref<1x64xi32, #tpu.memory_space<vmem>> -> memref<64xi32, #tpu.memory_space<vmem>>
      %dma_wait3A_1094 = arith.constant 0 : i32
      %dma_wait3A_1095 = arith.constant 0 : i32
      %dma_wait3A_1096 = tpu.memref_slice %arg7[%dma_wait3A_1094, %dma_wait3A_1095] : memref<9x128xf32, #tpu.memory_space<vmem_shared>> -> memref<9x128xf32, #tpu.memory_space<vmem_shared>>
      tpu.wait_indirect_dma semaphore(%arg9 : memref<!tpu.dma_semaphore, #tpu.memory_space<semaphore_mem>>) src(%dma_wait3A_1096 : memref<9x128xf32, #tpu.memory_space<vmem_shared>>) dst(%dma_wait3A_1091 : memref<64x128xf32, #tpu.memory_space<vmem>>)
      %mul3A_1097 = arith.constant 64 : i32
      %mul3A_1098 = arith.muli %add3A_1086, %mul3A_1097 : i32
      %add3A_1099 = arith.addi %mul3A_5, %mul3A_1098 : i32
      %dma_start3A_1100 = arith.constant 1 : i32
      %dma_start3A_1101 = arith.constant 0 : i32
      %dma_start3A_1102 = arith.constant 0 : i32
      %dma_start3A_1103 = tpu.memref_slice %arg6[%dma_start3A_1100, %dma_start3A_1101, %dma_start3A_1102] : memref<8x64x128xf32, #tpu.memory_space<vmem>> -> memref<1x64x128xf32, #tpu.memory_space<vmem>>
      %dma_start3A_1104 = tpu.memref_squeeze %dma_start3A_1103 : memref<1x64x128xf32, #tpu.memory_space<vmem>> -> memref<64x128xf32, #tpu.memory_space<vmem>>
      %dma_start3A_1105 = arith.constant 0 : i32
      %dma_start3A_1106 = tpu.memref_slice %arg4[%add3A_1099, %dma_start3A_1105] : memref<320000x128xf32, #tpu.memory_space<hbm>> -> memref<64x128xf32, #tpu.memory_space<hbm>>
      %dma_start3A_1107 = arith.constant 0 : i32
      %dma_start3A_1108 = tpu.memref_slice %arg4[%add3A_1099, %dma_start3A_1107] : memref<320000x128xf32, #tpu.memory_space<hbm>> -> memref<64x128xf32, #tpu.memory_space<hbm>>
      %dma_start3A_1109 = arith.constant 0 : i32
      %dma_start3A_1110 = arith.constant 0 : i32
      %dma_start3A_1111 = tpu.memref_slice %arg6[%dma_start3A_1100, %dma_start3A_1109, %dma_start3A_1110] : memref<8x64x128xf32, #tpu.memory_space<vmem>> -> memref<1x64x128xf32, #tpu.memory_space<vmem>>
      %dma_start3A_1112 = tpu.memref_squeeze %dma_start3A_1111 : memref<1x64x128xf32, #tpu.memory_space<vmem>> -> memref<64x128xf32, #tpu.memory_space<vmem>>
      tpu.enqueue_dma source(%dma_start3A_1112 : memref<64x128xf32, #tpu.memory_space<vmem>>) target(%dma_start3A_1108 : memref<64x128xf32, #tpu.memory_space<hbm>>) target_semaphore(%arg17 : memref<!tpu.dma_semaphore, #tpu.memory_space<semaphore_mem>>)
      %add3A_1113 = arith.constant 2 : i32
      %add3A_1114 = arith.addi %mul3A_486, %add3A_1113 : i32
      %dma_wait3A_1115 = arith.constant 2 : i32
      %dma_wait3A_1116 = arith.constant 0 : i32
      %dma_wait3A_1117 = arith.constant 0 : i32
      %dma_wait3A_1118 = tpu.memref_slice %arg6[%dma_wait3A_1115, %dma_wait3A_1116, %dma_wait3A_1117] : memref<8x64x128xf32, #tpu.memory_space<vmem>> -> memref<1x64x128xf32, #tpu.memory_space<vmem>>
      %dma_wait3A_1119 = tpu.memref_squeeze %dma_wait3A_1118 : memref<1x64x128xf32, #tpu.memory_space<vmem>> -> memref<64x128xf32, #tpu.memory_space<vmem>>
      %dma_wait3A_1120 = tpu.memref_slice %arg5[%select_n3A_668, %mul3A_686] : memref<80x128xi32, #tpu.memory_space<vmem>> -> memref<1x64xi32, #tpu.memory_space<vmem>>
      %dma_wait3A_1121 = tpu.memref_squeeze %dma_wait3A_1120 : memref<1x64xi32, #tpu.memory_space<vmem>> -> memref<64xi32, #tpu.memory_space<vmem>>
      %dma_wait3A_1122 = arith.constant 0 : i32
      %dma_wait3A_1123 = arith.constant 0 : i32
      %dma_wait3A_1124 = tpu.memref_slice %arg7[%dma_wait3A_1122, %dma_wait3A_1123] : memref<9x128xf32, #tpu.memory_space<vmem_shared>> -> memref<9x128xf32, #tpu.memory_space<vmem_shared>>
      tpu.wait_indirect_dma semaphore(%arg10 : memref<!tpu.dma_semaphore, #tpu.memory_space<semaphore_mem>>) src(%dma_wait3A_1124 : memref<9x128xf32, #tpu.memory_space<vmem_shared>>) dst(%dma_wait3A_1119 : memref<64x128xf32, #tpu.memory_space<vmem>>)
      %mul3A_1125 = arith.constant 64 : i32
      %mul3A_1126 = arith.muli %add3A_1114, %mul3A_1125 : i32
      %add3A_1127 = arith.addi %mul3A_5, %mul3A_1126 : i32
      %dma_start3A_1128 = arith.constant 2 : i32
      %dma_start3A_1129 = arith.constant 0 : i32
      %dma_start3A_1130 = arith.constant 0 : i32
      %dma_start3A_1131 = tpu.memref_slice %arg6[%dma_start3A_1128, %dma_start3A_1129, %dma_start3A_1130] : memref<8x64x128xf32, #tpu.memory_space<vmem>> -> memref<1x64x128xf32, #tpu.memory_space<vmem>>
      %dma_start3A_1132 = tpu.memref_squeeze %dma_start3A_1131 : memref<1x64x128xf32, #tpu.memory_space<vmem>> -> memref<64x128xf32, #tpu.memory_space<vmem>>
      %dma_start3A_1133 = arith.constant 0 : i32
      %dma_start3A_1134 = tpu.memref_slice %arg4[%add3A_1127, %dma_start3A_1133] : memref<320000x128xf32, #tpu.memory_space<hbm>> -> memref<64x128xf32, #tpu.memory_space<hbm>>
      %dma_start3A_1135 = arith.constant 0 : i32
      %dma_start3A_1136 = tpu.memref_slice %arg4[%add3A_1127, %dma_start3A_1135] : memref<320000x128xf32, #tpu.memory_space<hbm>> -> memref<64x128xf32, #tpu.memory_space<hbm>>
      %dma_start3A_1137 = arith.constant 0 : i32
      %dma_start3A_1138 = arith.constant 0 : i32
      %dma_start3A_1139 = tpu.memref_slice %arg6[%dma_start3A_1128, %dma_start3A_1137, %dma_start3A_1138] : memref<8x64x128xf32, #tpu.memory_space<vmem>> -> memref<1x64x128xf32, #tpu.memory_space<vmem>>
      %dma_start3A_1140 = tpu.memref_squeeze %dma_start3A_1139 : memref<1x64x128xf32, #tpu.memory_space<vmem>> -> memref<64x128xf32, #tpu.memory_space<vmem>>
      tpu.enqueue_dma source(%dma_start3A_1140 : memref<64x128xf32, #tpu.memory_space<vmem>>) target(%dma_start3A_1136 : memref<64x128xf32, #tpu.memory_space<hbm>>) target_semaphore(%arg18 : memref<!tpu.dma_semaphore, #tpu.memory_space<semaphore_mem>>)
      %add3A_1141 = arith.constant 3 : i32
      %add3A_1142 = arith.addi %mul3A_486, %add3A_1141 : i32
      %dma_wait3A_1143 = arith.constant 3 : i32
      %dma_wait3A_1144 = arith.constant 0 : i32
      %dma_wait3A_1145 = arith.constant 0 : i32
      %dma_wait3A_1146 = tpu.memref_slice %arg6[%dma_wait3A_1143, %dma_wait3A_1144, %dma_wait3A_1145] : memref<8x64x128xf32, #tpu.memory_space<vmem>> -> memref<1x64x128xf32, #tpu.memory_space<vmem>>
      %dma_wait3A_1147 = tpu.memref_squeeze %dma_wait3A_1146 : memref<1x64x128xf32, #tpu.memory_space<vmem>> -> memref<64x128xf32, #tpu.memory_space<vmem>>
      %dma_wait3A_1148 = tpu.memref_slice %arg5[%select_n3A_740, %mul3A_758] : memref<80x128xi32, #tpu.memory_space<vmem>> -> memref<1x64xi32, #tpu.memory_space<vmem>>
      %dma_wait3A_1149 = tpu.memref_squeeze %dma_wait3A_1148 : memref<1x64xi32, #tpu.memory_space<vmem>> -> memref<64xi32, #tpu.memory_space<vmem>>
      %dma_wait3A_1150 = arith.constant 0 : i32
      %dma_wait3A_1151 = arith.constant 0 : i32
      %dma_wait3A_1152 = tpu.memref_slice %arg7[%dma_wait3A_1150, %dma_wait3A_1151] : memref<9x128xf32, #tpu.memory_space<vmem_shared>> -> memref<9x128xf32, #tpu.memory_space<vmem_shared>>
      tpu.wait_indirect_dma semaphore(%arg11 : memref<!tpu.dma_semaphore, #tpu.memory_space<semaphore_mem>>) src(%dma_wait3A_1152 : memref<9x128xf32, #tpu.memory_space<vmem_shared>>) dst(%dma_wait3A_1147 : memref<64x128xf32, #tpu.memory_space<vmem>>)
      %mul3A_1153 = arith.constant 64 : i32
      %mul3A_1154 = arith.muli %add3A_1142, %mul3A_1153 : i32
      %add3A_1155 = arith.addi %mul3A_5, %mul3A_1154 : i32
      %dma_start3A_1156 = arith.constant 3 : i32
      %dma_start3A_1157 = arith.constant 0 : i32
      %dma_start3A_1158 = arith.constant 0 : i32
      %dma_start3A_1159 = tpu.memref_slice %arg6[%dma_start3A_1156, %dma_start3A_1157, %dma_start3A_1158] : memref<8x64x128xf32, #tpu.memory_space<vmem>> -> memref<1x64x128xf32, #tpu.memory_space<vmem>>
      %dma_start3A_1160 = tpu.memref_squeeze %dma_start3A_1159 : memref<1x64x128xf32, #tpu.memory_space<vmem>> -> memref<64x128xf32, #tpu.memory_space<vmem>>
      %dma_start3A_1161 = arith.constant 0 : i32
      %dma_start3A_1162 = tpu.memref_slice %arg4[%add3A_1155, %dma_start3A_1161] : memref<320000x128xf32, #tpu.memory_space<hbm>> -> memref<64x128xf32, #tpu.memory_space<hbm>>
      %dma_start3A_1163 = arith.constant 0 : i32
      %dma_start3A_1164 = tpu.memref_slice %arg4[%add3A_1155, %dma_start3A_1163] : memref<320000x128xf32, #tpu.memory_space<hbm>> -> memref<64x128xf32, #tpu.memory_space<hbm>>
      %dma_start3A_1165 = arith.constant 0 : i32
      %dma_start3A_1166 = arith.constant 0 : i32
      %dma_start3A_1167 = tpu.memref_slice %arg6[%dma_start3A_1156, %dma_start3A_1165, %dma_start3A_1166] : memref<8x64x128xf32, #tpu.memory_space<vmem>> -> memref<1x64x128xf32, #tpu.memory_space<vmem>>
      %dma_start3A_1168 = tpu.memref_squeeze %dma_start3A_1167 : memref<1x64x128xf32, #tpu.memory_space<vmem>> -> memref<64x128xf32, #tpu.memory_space<vmem>>
      tpu.enqueue_dma source(%dma_start3A_1168 : memref<64x128xf32, #tpu.memory_space<vmem>>) target(%dma_start3A_1164 : memref<64x128xf32, #tpu.memory_space<hbm>>) target_semaphore(%arg19 : memref<!tpu.dma_semaphore, #tpu.memory_space<semaphore_mem>>)
      %add3A_1169 = arith.constant 4 : i32
      %add3A_1170 = arith.addi %mul3A_486, %add3A_1169 : i32
      %dma_wait3A_1171 = arith.constant 4 : i32
      %dma_wait3A_1172 = arith.constant 0 : i32
      %dma_wait3A_1173 = arith.constant 0 : i32
      %dma_wait3A_1174 = tpu.memref_slice %arg6[%dma_wait3A_1171, %dma_wait3A_1172, %dma_wait3A_1173] : memref<8x64x128xf32, #tpu.memory_space<vmem>> -> memref<1x64x128xf32, #tpu.memory_space<vmem>>
      %dma_wait3A_1175 = tpu.memref_squeeze %dma_wait3A_1174 : memref<1x64x128xf32, #tpu.memory_space<vmem>> -> memref<64x128xf32, #tpu.memory_space<vmem>>
      %dma_wait3A_1176 = tpu.memref_slice %arg5[%select_n3A_812, %mul3A_830] : memref<80x128xi32, #tpu.memory_space<vmem>> -> memref<1x64xi32, #tpu.memory_space<vmem>>
      %dma_wait3A_1177 = tpu.memref_squeeze %dma_wait3A_1176 : memref<1x64xi32, #tpu.memory_space<vmem>> -> memref<64xi32, #tpu.memory_space<vmem>>
      %dma_wait3A_1178 = arith.constant 0 : i32
      %dma_wait3A_1179 = arith.constant 0 : i32
      %dma_wait3A_1180 = tpu.memref_slice %arg7[%dma_wait3A_1178, %dma_wait3A_1179] : memref<9x128xf32, #tpu.memory_space<vmem_shared>> -> memref<9x128xf32, #tpu.memory_space<vmem_shared>>
      tpu.wait_indirect_dma semaphore(%arg12 : memref<!tpu.dma_semaphore, #tpu.memory_space<semaphore_mem>>) src(%dma_wait3A_1180 : memref<9x128xf32, #tpu.memory_space<vmem_shared>>) dst(%dma_wait3A_1175 : memref<64x128xf32, #tpu.memory_space<vmem>>)
      %mul3A_1181 = arith.constant 64 : i32
      %mul3A_1182 = arith.muli %add3A_1170, %mul3A_1181 : i32
      %add3A_1183 = arith.addi %mul3A_5, %mul3A_1182 : i32
      %dma_start3A_1184 = arith.constant 4 : i32
      %dma_start3A_1185 = arith.constant 0 : i32
      %dma_start3A_1186 = arith.constant 0 : i32
      %dma_start3A_1187 = tpu.memref_slice %arg6[%dma_start3A_1184, %dma_start3A_1185, %dma_start3A_1186] : memref<8x64x128xf32, #tpu.memory_space<vmem>> -> memref<1x64x128xf32, #tpu.memory_space<vmem>>
      %dma_start3A_1188 = tpu.memref_squeeze %dma_start3A_1187 : memref<1x64x128xf32, #tpu.memory_space<vmem>> -> memref<64x128xf32, #tpu.memory_space<vmem>>
      %dma_start3A_1189 = arith.constant 0 : i32
      %dma_start3A_1190 = tpu.memref_slice %arg4[%add3A_1183, %dma_start3A_1189] : memref<320000x128xf32, #tpu.memory_space<hbm>> -> memref<64x128xf32, #tpu.memory_space<hbm>>
      %dma_start3A_1191 = arith.constant 0 : i32
      %dma_start3A_1192 = tpu.memref_slice %arg4[%add3A_1183, %dma_start3A_1191] : memref<320000x128xf32, #tpu.memory_space<hbm>> -> memref<64x128xf32, #tpu.memory_space<hbm>>
      %dma_start3A_1193 = arith.constant 0 : i32
      %dma_start3A_1194 = arith.constant 0 : i32
      %dma_start3A_1195 = tpu.memref_slice %arg6[%dma_start3A_1184, %dma_start3A_1193, %dma_start3A_1194] : memref<8x64x128xf32, #tpu.memory_space<vmem>> -> memref<1x64x128xf32, #tpu.memory_space<vmem>>
      %dma_start3A_1196 = tpu.memref_squeeze %dma_start3A_1195 : memref<1x64x128xf32, #tpu.memory_space<vmem>> -> memref<64x128xf32, #tpu.memory_space<vmem>>
      tpu.enqueue_dma source(%dma_start3A_1196 : memref<64x128xf32, #tpu.memory_space<vmem>>) target(%dma_start3A_1192 : memref<64x128xf32, #tpu.memory_space<hbm>>) target_semaphore(%arg20 : memref<!tpu.dma_semaphore, #tpu.memory_space<semaphore_mem>>)
      %add3A_1197 = arith.constant 5 : i32
      %add3A_1198 = arith.addi %mul3A_486, %add3A_1197 : i32
      %dma_wait3A_1199 = arith.constant 5 : i32
      %dma_wait3A_1200 = arith.constant 0 : i32
      %dma_wait3A_1201 = arith.constant 0 : i32
      %dma_wait3A_1202 = tpu.memref_slice %arg6[%dma_wait3A_1199, %dma_wait3A_1200, %dma_wait3A_1201] : memref<8x64x128xf32, #tpu.memory_space<vmem>> -> memref<1x64x128xf32, #tpu.memory_space<vmem>>
      %dma_wait3A_1203 = tpu.memref_squeeze %dma_wait3A_1202 : memref<1x64x128xf32, #tpu.memory_space<vmem>> -> memref<64x128xf32, #tpu.memory_space<vmem>>
      %dma_wait3A_1204 = tpu.memref_slice %arg5[%select_n3A_884, %mul3A_902] : memref<80x128xi32, #tpu.memory_space<vmem>> -> memref<1x64xi32, #tpu.memory_space<vmem>>
      %dma_wait3A_1205 = tpu.memref_squeeze %dma_wait3A_1204 : memref<1x64xi32, #tpu.memory_space<vmem>> -> memref<64xi32, #tpu.memory_space<vmem>>
      %dma_wait3A_1206 = arith.constant 0 : i32
      %dma_wait3A_1207 = arith.constant 0 : i32
      %dma_wait3A_1208 = tpu.memref_slice %arg7[%dma_wait3A_1206, %dma_wait3A_1207] : memref<9x128xf32, #tpu.memory_space<vmem_shared>> -> memref<9x128xf32, #tpu.memory_space<vmem_shared>>
      tpu.wait_indirect_dma semaphore(%arg13 : memref<!tpu.dma_semaphore, #tpu.memory_space<semaphore_mem>>) src(%dma_wait3A_1208 : memref<9x128xf32, #tpu.memory_space<vmem_shared>>) dst(%dma_wait3A_1203 : memref<64x128xf32, #tpu.memory_space<vmem>>)
      %mul3A_1209 = arith.constant 64 : i32
      %mul3A_1210 = arith.muli %add3A_1198, %mul3A_1209 : i32
      %add3A_1211 = arith.addi %mul3A_5, %mul3A_1210 : i32
      %dma_start3A_1212 = arith.constant 5 : i32
      %dma_start3A_1213 = arith.constant 0 : i32
      %dma_start3A_1214 = arith.constant 0 : i32
      %dma_start3A_1215 = tpu.memref_slice %arg6[%dma_start3A_1212, %dma_start3A_1213, %dma_start3A_1214] : memref<8x64x128xf32, #tpu.memory_space<vmem>> -> memref<1x64x128xf32, #tpu.memory_space<vmem>>
      %dma_start3A_1216 = tpu.memref_squeeze %dma_start3A_1215 : memref<1x64x128xf32, #tpu.memory_space<vmem>> -> memref<64x128xf32, #tpu.memory_space<vmem>>
      %dma_start3A_1217 = arith.constant 0 : i32
      %dma_start3A_1218 = tpu.memref_slice %arg4[%add3A_1211, %dma_start3A_1217] : memref<320000x128xf32, #tpu.memory_space<hbm>> -> memref<64x128xf32, #tpu.memory_space<hbm>>
      %dma_start3A_1219 = arith.constant 0 : i32
      %dma_start3A_1220 = tpu.memref_slice %arg4[%add3A_1211, %dma_start3A_1219] : memref<320000x128xf32, #tpu.memory_space<hbm>> -> memref<64x128xf32, #tpu.memory_space<hbm>>
      %dma_start3A_1221 = arith.constant 0 : i32
      %dma_start3A_1222 = arith.constant 0 : i32
      %dma_start3A_1223 = tpu.memref_slice %arg6[%dma_start3A_1212, %dma_start3A_1221, %dma_start3A_1222] : memref<8x64x128xf32, #tpu.memory_space<vmem>> -> memref<1x64x128xf32, #tpu.memory_space<vmem>>
      %dma_start3A_1224 = tpu.memref_squeeze %dma_start3A_1223 : memref<1x64x128xf32, #tpu.memory_space<vmem>> -> memref<64x128xf32, #tpu.memory_space<vmem>>
      tpu.enqueue_dma source(%dma_start3A_1224 : memref<64x128xf32, #tpu.memory_space<vmem>>) target(%dma_start3A_1220 : memref<64x128xf32, #tpu.memory_space<hbm>>) target_semaphore(%arg21 : memref<!tpu.dma_semaphore, #tpu.memory_space<semaphore_mem>>)
      %add3A_1225 = arith.constant 6 : i32
      %add3A_1226 = arith.addi %mul3A_486, %add3A_1225 : i32
      %dma_wait3A_1227 = arith.constant 6 : i32
      %dma_wait3A_1228 = arith.constant 0 : i32
      %dma_wait3A_1229 = arith.constant 0 : i32
      %dma_wait3A_1230 = tpu.memref_slice %arg6[%dma_wait3A_1227, %dma_wait3A_1228, %dma_wait3A_1229] : memref<8x64x128xf32, #tpu.memory_space<vmem>> -> memref<1x64x128xf32, #tpu.memory_space<vmem>>
      %dma_wait3A_1231 = tpu.memref_squeeze %dma_wait3A_1230 : memref<1x64x128xf32, #tpu.memory_space<vmem>> -> memref<64x128xf32, #tpu.memory_space<vmem>>
      %dma_wait3A_1232 = tpu.memref_slice %arg5[%select_n3A_956, %mul3A_974] : memref<80x128xi32, #tpu.memory_space<vmem>> -> memref<1x64xi32, #tpu.memory_space<vmem>>
      %dma_wait3A_1233 = tpu.memref_squeeze %dma_wait3A_1232 : memref<1x64xi32, #tpu.memory_space<vmem>> -> memref<64xi32, #tpu.memory_space<vmem>>
      %dma_wait3A_1234 = arith.constant 0 : i32
      %dma_wait3A_1235 = arith.constant 0 : i32
      %dma_wait3A_1236 = tpu.memref_slice %arg7[%dma_wait3A_1234, %dma_wait3A_1235] : memref<9x128xf32, #tpu.memory_space<vmem_shared>> -> memref<9x128xf32, #tpu.memory_space<vmem_shared>>
      tpu.wait_indirect_dma semaphore(%arg14 : memref<!tpu.dma_semaphore, #tpu.memory_space<semaphore_mem>>) src(%dma_wait3A_1236 : memref<9x128xf32, #tpu.memory_space<vmem_shared>>) dst(%dma_wait3A_1231 : memref<64x128xf32, #tpu.memory_space<vmem>>)
      %mul3A_1237 = arith.constant 64 : i32
      %mul3A_1238 = arith.muli %add3A_1226, %mul3A_1237 : i32
      %add3A_1239 = arith.addi %mul3A_5, %mul3A_1238 : i32
      %dma_start3A_1240 = arith.constant 6 : i32
      %dma_start3A_1241 = arith.constant 0 : i32
      %dma_start3A_1242 = arith.constant 0 : i32
      %dma_start3A_1243 = tpu.memref_slice %arg6[%dma_start3A_1240, %dma_start3A_1241, %dma_start3A_1242] : memref<8x64x128xf32, #tpu.memory_space<vmem>> -> memref<1x64x128xf32, #tpu.memory_space<vmem>>
      %dma_start3A_1244 = tpu.memref_squeeze %dma_start3A_1243 : memref<1x64x128xf32, #tpu.memory_space<vmem>> -> memref<64x128xf32, #tpu.memory_space<vmem>>
      %dma_start3A_1245 = arith.constant 0 : i32
      %dma_start3A_1246 = tpu.memref_slice %arg4[%add3A_1239, %dma_start3A_1245] : memref<320000x128xf32, #tpu.memory_space<hbm>> -> memref<64x128xf32, #tpu.memory_space<hbm>>
      %dma_start3A_1247 = arith.constant 0 : i32
      %dma_start3A_1248 = tpu.memref_slice %arg4[%add3A_1239, %dma_start3A_1247] : memref<320000x128xf32, #tpu.memory_space<hbm>> -> memref<64x128xf32, #tpu.memory_space<hbm>>
      %dma_start3A_1249 = arith.constant 0 : i32
      %dma_start3A_1250 = arith.constant 0 : i32
      %dma_start3A_1251 = tpu.memref_slice %arg6[%dma_start3A_1240, %dma_start3A_1249, %dma_start3A_1250] : memref<8x64x128xf32, #tpu.memory_space<vmem>> -> memref<1x64x128xf32, #tpu.memory_space<vmem>>
      %dma_start3A_1252 = tpu.memref_squeeze %dma_start3A_1251 : memref<1x64x128xf32, #tpu.memory_space<vmem>> -> memref<64x128xf32, #tpu.memory_space<vmem>>
      tpu.enqueue_dma source(%dma_start3A_1252 : memref<64x128xf32, #tpu.memory_space<vmem>>) target(%dma_start3A_1248 : memref<64x128xf32, #tpu.memory_space<hbm>>) target_semaphore(%arg22 : memref<!tpu.dma_semaphore, #tpu.memory_space<semaphore_mem>>)
      %add3A_1253 = arith.constant 7 : i32
      %add3A_1254 = arith.addi %mul3A_486, %add3A_1253 : i32
      %dma_wait3A_1255 = arith.constant 7 : i32
      %dma_wait3A_1256 = arith.constant 0 : i32
      %dma_wait3A_1257 = arith.constant 0 : i32
      %dma_wait3A_1258 = tpu.memref_slice %arg6[%dma_wait3A_1255, %dma_wait3A_1256, %dma_wait3A_1257] : memref<8x64x128xf32, #tpu.memory_space<vmem>> -> memref<1x64x128xf32, #tpu.memory_space<vmem>>
      %dma_wait3A_1259 = tpu.memref_squeeze %dma_wait3A_1258 : memref<1x64x128xf32, #tpu.memory_space<vmem>> -> memref<64x128xf32, #tpu.memory_space<vmem>>
      %dma_wait3A_1260 = tpu.memref_slice %arg5[%select_n3A_1028, %mul3A_1046] : memref<80x128xi32, #tpu.memory_space<vmem>> -> memref<1x64xi32, #tpu.memory_space<vmem>>
      %dma_wait3A_1261 = tpu.memref_squeeze %dma_wait3A_1260 : memref<1x64xi32, #tpu.memory_space<vmem>> -> memref<64xi32, #tpu.memory_space<vmem>>
      %dma_wait3A_1262 = arith.constant 0 : i32
      %dma_wait3A_1263 = arith.constant 0 : i32
      %dma_wait3A_1264 = tpu.memref_slice %arg7[%dma_wait3A_1262, %dma_wait3A_1263] : memref<9x128xf32, #tpu.memory_space<vmem_shared>> -> memref<9x128xf32, #tpu.memory_space<vmem_shared>>
      tpu.wait_indirect_dma semaphore(%arg15 : memref<!tpu.dma_semaphore, #tpu.memory_space<semaphore_mem>>) src(%dma_wait3A_1264 : memref<9x128xf32, #tpu.memory_space<vmem_shared>>) dst(%dma_wait3A_1259 : memref<64x128xf32, #tpu.memory_space<vmem>>)
      %mul3A_1265 = arith.constant 64 : i32
      %mul3A_1266 = arith.muli %add3A_1254, %mul3A_1265 : i32
      %add3A_1267 = arith.addi %mul3A_5, %mul3A_1266 : i32
      %dma_start3A_1268 = arith.constant 7 : i32
      %dma_start3A_1269 = arith.constant 0 : i32
      %dma_start3A_1270 = arith.constant 0 : i32
      %dma_start3A_1271 = tpu.memref_slice %arg6[%dma_start3A_1268, %dma_start3A_1269, %dma_start3A_1270] : memref<8x64x128xf32, #tpu.memory_space<vmem>> -> memref<1x64x128xf32, #tpu.memory_space<vmem>>
      %dma_start3A_1272 = tpu.memref_squeeze %dma_start3A_1271 : memref<1x64x128xf32, #tpu.memory_space<vmem>> -> memref<64x128xf32, #tpu.memory_space<vmem>>
      %dma_start3A_1273 = arith.constant 0 : i32
      %dma_start3A_1274 = tpu.memref_slice %arg4[%add3A_1267, %dma_start3A_1273] : memref<320000x128xf32, #tpu.memory_space<hbm>> -> memref<64x128xf32, #tpu.memory_space<hbm>>
      %dma_start3A_1275 = arith.constant 0 : i32
      %dma_start3A_1276 = tpu.memref_slice %arg4[%add3A_1267, %dma_start3A_1275] : memref<320000x128xf32, #tpu.memory_space<hbm>> -> memref<64x128xf32, #tpu.memory_space<hbm>>
      %dma_start3A_1277 = arith.constant 0 : i32
      %dma_start3A_1278 = arith.constant 0 : i32
      %dma_start3A_1279 = tpu.memref_slice %arg6[%dma_start3A_1268, %dma_start3A_1277, %dma_start3A_1278] : memref<8x64x128xf32, #tpu.memory_space<vmem>> -> memref<1x64x128xf32, #tpu.memory_space<vmem>>
      %dma_start3A_1280 = tpu.memref_squeeze %dma_start3A_1279 : memref<1x64x128xf32, #tpu.memory_space<vmem>> -> memref<64x128xf32, #tpu.memory_space<vmem>>
      tpu.enqueue_dma source(%dma_start3A_1280 : memref<64x128xf32, #tpu.memory_space<vmem>>) target(%dma_start3A_1276 : memref<64x128xf32, #tpu.memory_space<hbm>>) target_semaphore(%arg23 : memref<!tpu.dma_semaphore, #tpu.memory_space<semaphore_mem>>)
    }
    %sub3A = arith.constant 1 : i32
    %sub3A_337 = arith.subi %select_n3A_14, %sub3A : i32
    %mul3A_338 = arith.constant 8 : i32
    %mul3A_339 = arith.muli %sub3A_337, %mul3A_338 : i32
    %add3A_340 = arith.constant 0 : i32
    %add3A_341 = arith.addi %mul3A_339, %add3A_340 : i32
    %mul3A_342 = arith.constant 64 : i32
    %mul3A_343 = arith.muli %add3A_341, %mul3A_342 : i32
    %add3A_344 = arith.addi %mul3A_5, %mul3A_343 : i32
    %dma_wait3A_345 = arith.constant 0 : i32
    %dma_wait3A_346 = arith.constant 0 : i32
    %dma_wait3A_347 = arith.constant 0 : i32
    %dma_wait3A_348 = tpu.memref_slice %arg6[%dma_wait3A_345, %dma_wait3A_346, %dma_wait3A_347] : memref<8x64x128xf32, #tpu.memory_space<vmem>> -> memref<1x64x128xf32, #tpu.memory_space<vmem>>
    %dma_wait3A_349 = tpu.memref_squeeze %dma_wait3A_348 : memref<1x64x128xf32, #tpu.memory_space<vmem>> -> memref<64x128xf32, #tpu.memory_space<vmem>>
    %dma_wait3A_350 = arith.constant 0 : i32
    %dma_wait3A_351 = tpu.memref_slice %arg4[%add3A_344, %dma_wait3A_350] : memref<320000x128xf32, #tpu.memory_space<hbm>> -> memref<64x128xf32, #tpu.memory_space<hbm>>
    %dma_wait3A_352 = arith.constant 0 : i32
    %dma_wait3A_353 = tpu.memref_slice %arg4[%add3A_344, %dma_wait3A_352] : memref<320000x128xf32, #tpu.memory_space<hbm>> -> memref<64x128xf32, #tpu.memory_space<hbm>>
    %dma_wait3A_354 = arith.constant 0 : i32
    %dma_wait3A_355 = arith.constant 0 : i32
    %dma_wait3A_356 = tpu.memref_slice %arg6[%dma_wait3A_345, %dma_wait3A_354, %dma_wait3A_355] : memref<8x64x128xf32, #tpu.memory_space<vmem>> -> memref<1x64x128xf32, #tpu.memory_space<vmem>>
    %dma_wait3A_357 = tpu.memref_squeeze %dma_wait3A_356 : memref<1x64x128xf32, #tpu.memory_space<vmem>> -> memref<64x128xf32, #tpu.memory_space<vmem>>
    tpu.wait_dma2 semaphore(%arg16 : memref<!tpu.dma_semaphore, #tpu.memory_space<semaphore_mem>>) src(%dma_wait3A_357 : memref<64x128xf32, #tpu.memory_space<vmem>>) dst(%dma_wait3A_353 : memref<64x128xf32, #tpu.memory_space<hbm>>)
    %add3A_358 = arith.constant 1 : i32
    %add3A_359 = arith.addi %mul3A_339, %add3A_358 : i32
    %mul3A_360 = arith.constant 64 : i32
    %mul3A_361 = arith.muli %add3A_359, %mul3A_360 : i32
    %add3A_362 = arith.addi %mul3A_5, %mul3A_361 : i32
    %dma_wait3A_363 = arith.constant 1 : i32
    %dma_wait3A_364 = arith.constant 0 : i32
    %dma_wait3A_365 = arith.constant 0 : i32
    %dma_wait3A_366 = tpu.memref_slice %arg6[%dma_wait3A_363, %dma_wait3A_364, %dma_wait3A_365] : memref<8x64x128xf32, #tpu.memory_space<vmem>> -> memref<1x64x128xf32, #tpu.memory_space<vmem>>
    %dma_wait3A_367 = tpu.memref_squeeze %dma_wait3A_366 : memref<1x64x128xf32, #tpu.memory_space<vmem>> -> memref<64x128xf32, #tpu.memory_space<vmem>>
    %dma_wait3A_368 = arith.constant 0 : i32
    %dma_wait3A_369 = tpu.memref_slice %arg4[%add3A_362, %dma_wait3A_368] : memref<320000x128xf32, #tpu.memory_space<hbm>> -> memref<64x128xf32, #tpu.memory_space<hbm>>
    %dma_wait3A_370 = arith.constant 0 : i32
    %dma_wait3A_371 = tpu.memref_slice %arg4[%add3A_362, %dma_wait3A_370] : memref<320000x128xf32, #tpu.memory_space<hbm>> -> memref<64x128xf32, #tpu.memory_space<hbm>>
    %dma_wait3A_372 = arith.constant 0 : i32
    %dma_wait3A_373 = arith.constant 0 : i32
    %dma_wait3A_374 = tpu.memref_slice %arg6[%dma_wait3A_363, %dma_wait3A_372, %dma_wait3A_373] : memref<8x64x128xf32, #tpu.memory_space<vmem>> -> memref<1x64x128xf32, #tpu.memory_space<vmem>>
    %dma_wait3A_375 = tpu.memref_squeeze %dma_wait3A_374 : memref<1x64x128xf32, #tpu.memory_space<vmem>> -> memref<64x128xf32, #tpu.memory_space<vmem>>
    tpu.wait_dma2 semaphore(%arg17 : memref<!tpu.dma_semaphore, #tpu.memory_space<semaphore_mem>>) src(%dma_wait3A_375 : memref<64x128xf32, #tpu.memory_space<vmem>>) dst(%dma_wait3A_371 : memref<64x128xf32, #tpu.memory_space<hbm>>)
    %add3A_376 = arith.constant 2 : i32
    %add3A_377 = arith.addi %mul3A_339, %add3A_376 : i32
    %mul3A_378 = arith.constant 64 : i32
    %mul3A_379 = arith.muli %add3A_377, %mul3A_378 : i32
    %add3A_380 = arith.addi %mul3A_5, %mul3A_379 : i32
    %dma_wait3A_381 = arith.constant 2 : i32
    %dma_wait3A_382 = arith.constant 0 : i32
    %dma_wait3A_383 = arith.constant 0 : i32
    %dma_wait3A_384 = tpu.memref_slice %arg6[%dma_wait3A_381, %dma_wait3A_382, %dma_wait3A_383] : memref<8x64x128xf32, #tpu.memory_space<vmem>> -> memref<1x64x128xf32, #tpu.memory_space<vmem>>
    %dma_wait3A_385 = tpu.memref_squeeze %dma_wait3A_384 : memref<1x64x128xf32, #tpu.memory_space<vmem>> -> memref<64x128xf32, #tpu.memory_space<vmem>>
    %dma_wait3A_386 = arith.constant 0 : i32
    %dma_wait3A_387 = tpu.memref_slice %arg4[%add3A_380, %dma_wait3A_386] : memref<320000x128xf32, #tpu.memory_space<hbm>> -> memref<64x128xf32, #tpu.memory_space<hbm>>
    %dma_wait3A_388 = arith.constant 0 : i32
    %dma_wait3A_389 = tpu.memref_slice %arg4[%add3A_380, %dma_wait3A_388] : memref<320000x128xf32, #tpu.memory_space<hbm>> -> memref<64x128xf32, #tpu.memory_space<hbm>>
    %dma_wait3A_390 = arith.constant 0 : i32
    %dma_wait3A_391 = arith.constant 0 : i32
    %dma_wait3A_392 = tpu.memref_slice %arg6[%dma_wait3A_381, %dma_wait3A_390, %dma_wait3A_391] : memref<8x64x128xf32, #tpu.memory_space<vmem>> -> memref<1x64x128xf32, #tpu.memory_space<vmem>>
    %dma_wait3A_393 = tpu.memref_squeeze %dma_wait3A_392 : memref<1x64x128xf32, #tpu.memory_space<vmem>> -> memref<64x128xf32, #tpu.memory_space<vmem>>
    tpu.wait_dma2 semaphore(%arg18 : memref<!tpu.dma_semaphore, #tpu.memory_space<semaphore_mem>>) src(%dma_wait3A_393 : memref<64x128xf32, #tpu.memory_space<vmem>>) dst(%dma_wait3A_389 : memref<64x128xf32, #tpu.memory_space<hbm>>)
    %add3A_394 = arith.constant 3 : i32
    %add3A_395 = arith.addi %mul3A_339, %add3A_394 : i32
    %mul3A_396 = arith.constant 64 : i32
    %mul3A_397 = arith.muli %add3A_395, %mul3A_396 : i32
    %add3A_398 = arith.addi %mul3A_5, %mul3A_397 : i32
    %dma_wait3A_399 = arith.constant 3 : i32
    %dma_wait3A_400 = arith.constant 0 : i32
    %dma_wait3A_401 = arith.constant 0 : i32
    %dma_wait3A_402 = tpu.memref_slice %arg6[%dma_wait3A_399, %dma_wait3A_400, %dma_wait3A_401] : memref<8x64x128xf32, #tpu.memory_space<vmem>> -> memref<1x64x128xf32, #tpu.memory_space<vmem>>
    %dma_wait3A_403 = tpu.memref_squeeze %dma_wait3A_402 : memref<1x64x128xf32, #tpu.memory_space<vmem>> -> memref<64x128xf32, #tpu.memory_space<vmem>>
    %dma_wait3A_404 = arith.constant 0 : i32
    %dma_wait3A_405 = tpu.memref_slice %arg4[%add3A_398, %dma_wait3A_404] : memref<320000x128xf32, #tpu.memory_space<hbm>> -> memref<64x128xf32, #tpu.memory_space<hbm>>
    %dma_wait3A_406 = arith.constant 0 : i32
    %dma_wait3A_407 = tpu.memref_slice %arg4[%add3A_398, %dma_wait3A_406] : memref<320000x128xf32, #tpu.memory_space<hbm>> -> memref<64x128xf32, #tpu.memory_space<hbm>>
    %dma_wait3A_408 = arith.constant 0 : i32
    %dma_wait3A_409 = arith.constant 0 : i32
    %dma_wait3A_410 = tpu.memref_slice %arg6[%dma_wait3A_399, %dma_wait3A_408, %dma_wait3A_409] : memref<8x64x128xf32, #tpu.memory_space<vmem>> -> memref<1x64x128xf32, #tpu.memory_space<vmem>>
    %dma_wait3A_411 = tpu.memref_squeeze %dma_wait3A_410 : memref<1x64x128xf32, #tpu.memory_space<vmem>> -> memref<64x128xf32, #tpu.memory_space<vmem>>
    tpu.wait_dma2 semaphore(%arg19 : memref<!tpu.dma_semaphore, #tpu.memory_space<semaphore_mem>>) src(%dma_wait3A_411 : memref<64x128xf32, #tpu.memory_space<vmem>>) dst(%dma_wait3A_407 : memref<64x128xf32, #tpu.memory_space<hbm>>)
    %add3A_412 = arith.constant 4 : i32
    %add3A_413 = arith.addi %mul3A_339, %add3A_412 : i32
    %mul3A_414 = arith.constant 64 : i32
    %mul3A_415 = arith.muli %add3A_413, %mul3A_414 : i32
    %add3A_416 = arith.addi %mul3A_5, %mul3A_415 : i32
    %dma_wait3A_417 = arith.constant 4 : i32
    %dma_wait3A_418 = arith.constant 0 : i32
    %dma_wait3A_419 = arith.constant 0 : i32
    %dma_wait3A_420 = tpu.memref_slice %arg6[%dma_wait3A_417, %dma_wait3A_418, %dma_wait3A_419] : memref<8x64x128xf32, #tpu.memory_space<vmem>> -> memref<1x64x128xf32, #tpu.memory_space<vmem>>
    %dma_wait3A_421 = tpu.memref_squeeze %dma_wait3A_420 : memref<1x64x128xf32, #tpu.memory_space<vmem>> -> memref<64x128xf32, #tpu.memory_space<vmem>>
    %dma_wait3A_422 = arith.constant 0 : i32
    %dma_wait3A_423 = tpu.memref_slice %arg4[%add3A_416, %dma_wait3A_422] : memref<320000x128xf32, #tpu.memory_space<hbm>> -> memref<64x128xf32, #tpu.memory_space<hbm>>
    %dma_wait3A_424 = arith.constant 0 : i32
    %dma_wait3A_425 = tpu.memref_slice %arg4[%add3A_416, %dma_wait3A_424] : memref<320000x128xf32, #tpu.memory_space<hbm>> -> memref<64x128xf32, #tpu.memory_space<hbm>>
    %dma_wait3A_426 = arith.constant 0 : i32
    %dma_wait3A_427 = arith.constant 0 : i32
    %dma_wait3A_428 = tpu.memref_slice %arg6[%dma_wait3A_417, %dma_wait3A_426, %dma_wait3A_427] : memref<8x64x128xf32, #tpu.memory_space<vmem>> -> memref<1x64x128xf32, #tpu.memory_space<vmem>>
    %dma_wait3A_429 = tpu.memref_squeeze %dma_wait3A_428 : memref<1x64x128xf32, #tpu.memory_space<vmem>> -> memref<64x128xf32, #tpu.memory_space<vmem>>
    tpu.wait_dma2 semaphore(%arg20 : memref<!tpu.dma_semaphore, #tpu.memory_space<semaphore_mem>>) src(%dma_wait3A_429 : memref<64x128xf32, #tpu.memory_space<vmem>>) dst(%dma_wait3A_425 : memref<64x128xf32, #tpu.memory_space<hbm>>)
    %add3A_430 = arith.constant 5 : i32
    %add3A_431 = arith.addi %mul3A_339, %add3A_430 : i32
    %mul3A_432 = arith.constant 64 : i32
    %mul3A_433 = arith.muli %add3A_431, %mul3A_432 : i32
    %add3A_434 = arith.addi %mul3A_5, %mul3A_433 : i32
    %dma_wait3A_435 = arith.constant 5 : i32
    %dma_wait3A_436 = arith.constant 0 : i32
    %dma_wait3A_437 = arith.constant 0 : i32
    %dma_wait3A_438 = tpu.memref_slice %arg6[%dma_wait3A_435, %dma_wait3A_436, %dma_wait3A_437] : memref<8x64x128xf32, #tpu.memory_space<vmem>> -> memref<1x64x128xf32, #tpu.memory_space<vmem>>
    %dma_wait3A_439 = tpu.memref_squeeze %dma_wait3A_438 : memref<1x64x128xf32, #tpu.memory_space<vmem>> -> memref<64x128xf32, #tpu.memory_space<vmem>>
    %dma_wait3A_440 = arith.constant 0 : i32
    %dma_wait3A_441 = tpu.memref_slice %arg4[%add3A_434, %dma_wait3A_440] : memref<320000x128xf32, #tpu.memory_space<hbm>> -> memref<64x128xf32, #tpu.memory_space<hbm>>
    %dma_wait3A_442 = arith.constant 0 : i32
    %dma_wait3A_443 = tpu.memref_slice %arg4[%add3A_434, %dma_wait3A_442] : memref<320000x128xf32, #tpu.memory_space<hbm>> -> memref<64x128xf32, #tpu.memory_space<hbm>>
    %dma_wait3A_444 = arith.constant 0 : i32
    %dma_wait3A_445 = arith.constant 0 : i32
    %dma_wait3A_446 = tpu.memref_slice %arg6[%dma_wait3A_435, %dma_wait3A_444, %dma_wait3A_445] : memref<8x64x128xf32, #tpu.memory_space<vmem>> -> memref<1x64x128xf32, #tpu.memory_space<vmem>>
    %dma_wait3A_447 = tpu.memref_squeeze %dma_wait3A_446 : memref<1x64x128xf32, #tpu.memory_space<vmem>> -> memref<64x128xf32, #tpu.memory_space<vmem>>
    tpu.wait_dma2 semaphore(%arg21 : memref<!tpu.dma_semaphore, #tpu.memory_space<semaphore_mem>>) src(%dma_wait3A_447 : memref<64x128xf32, #tpu.memory_space<vmem>>) dst(%dma_wait3A_443 : memref<64x128xf32, #tpu.memory_space<hbm>>)
    %add3A_448 = arith.constant 6 : i32
    %add3A_449 = arith.addi %mul3A_339, %add3A_448 : i32
    %mul3A_450 = arith.constant 64 : i32
    %mul3A_451 = arith.muli %add3A_449, %mul3A_450 : i32
    %add3A_452 = arith.addi %mul3A_5, %mul3A_451 : i32
    %dma_wait3A_453 = arith.constant 6 : i32
    %dma_wait3A_454 = arith.constant 0 : i32
    %dma_wait3A_455 = arith.constant 0 : i32
    %dma_wait3A_456 = tpu.memref_slice %arg6[%dma_wait3A_453, %dma_wait3A_454, %dma_wait3A_455] : memref<8x64x128xf32, #tpu.memory_space<vmem>> -> memref<1x64x128xf32, #tpu.memory_space<vmem>>
    %dma_wait3A_457 = tpu.memref_squeeze %dma_wait3A_456 : memref<1x64x128xf32, #tpu.memory_space<vmem>> -> memref<64x128xf32, #tpu.memory_space<vmem>>
    %dma_wait3A_458 = arith.constant 0 : i32
    %dma_wait3A_459 = tpu.memref_slice %arg4[%add3A_452, %dma_wait3A_458] : memref<320000x128xf32, #tpu.memory_space<hbm>> -> memref<64x128xf32, #tpu.memory_space<hbm>>
    %dma_wait3A_460 = arith.constant 0 : i32
    %dma_wait3A_461 = tpu.memref_slice %arg4[%add3A_452, %dma_wait3A_460] : memref<320000x128xf32, #tpu.memory_space<hbm>> -> memref<64x128xf32, #tpu.memory_space<hbm>>
    %dma_wait3A_462 = arith.constant 0 : i32
    %dma_wait3A_463 = arith.constant 0 : i32
    %dma_wait3A_464 = tpu.memref_slice %arg6[%dma_wait3A_453, %dma_wait3A_462, %dma_wait3A_463] : memref<8x64x128xf32, #tpu.memory_space<vmem>> -> memref<1x64x128xf32, #tpu.memory_space<vmem>>
    %dma_wait3A_465 = tpu.memref_squeeze %dma_wait3A_464 : memref<1x64x128xf32, #tpu.memory_space<vmem>> -> memref<64x128xf32, #tpu.memory_space<vmem>>
    tpu.wait_dma2 semaphore(%arg22 : memref<!tpu.dma_semaphore, #tpu.memory_space<semaphore_mem>>) src(%dma_wait3A_465 : memref<64x128xf32, #tpu.memory_space<vmem>>) dst(%dma_wait3A_461 : memref<64x128xf32, #tpu.memory_space<hbm>>)
    %add3A_466 = arith.constant 7 : i32
    %add3A_467 = arith.addi %mul3A_339, %add3A_466 : i32
    %mul3A_468 = arith.constant 64 : i32
    %mul3A_469 = arith.muli %add3A_467, %mul3A_468 : i32
    %add3A_470 = arith.addi %mul3A_5, %mul3A_469 : i32
    %dma_wait3A_471 = arith.constant 7 : i32
    %dma_wait3A_472 = arith.constant 0 : i32
    %dma_wait3A_473 = arith.constant 0 : i32
    %dma_wait3A_474 = tpu.memref_slice %arg6[%dma_wait3A_471, %dma_wait3A_472, %dma_wait3A_473] : memref<8x64x128xf32, #tpu.memory_space<vmem>> -> memref<1x64x128xf32, #tpu.memory_space<vmem>>
    %dma_wait3A_475 = tpu.memref_squeeze %dma_wait3A_474 : memref<1x64x128xf32, #tpu.memory_space<vmem>> -> memref<64x128xf32, #tpu.memory_space<vmem>>
    %dma_wait3A_476 = arith.constant 0 : i32
    %dma_wait3A_477 = tpu.memref_slice %arg4[%add3A_470, %dma_wait3A_476] : memref<320000x128xf32, #tpu.memory_space<hbm>> -> memref<64x128xf32, #tpu.memory_space<hbm>>
    %dma_wait3A_478 = arith.constant 0 : i32
    %dma_wait3A_479 = tpu.memref_slice %arg4[%add3A_470, %dma_wait3A_478] : memref<320000x128xf32, #tpu.memory_space<hbm>> -> memref<64x128xf32, #tpu.memory_space<hbm>>
    %dma_wait3A_480 = arith.constant 0 : i32
    %dma_wait3A_481 = arith.constant 0 : i32
    %dma_wait3A_482 = tpu.memref_slice %arg6[%dma_wait3A_471, %dma_wait3A_480, %dma_wait3A_481] : memref<8x64x128xf32, #tpu.memory_space<vmem>> -> memref<1x64x128xf32, #tpu.memory_space<vmem>>
    %dma_wait3A_483 = tpu.memref_squeeze %dma_wait3A_482 : memref<1x64x128xf32, #tpu.memory_space<vmem>> -> memref<64x128xf32, #tpu.memory_space<vmem>>
    tpu.wait_dma2 semaphore(%arg23 : memref<!tpu.dma_semaphore, #tpu.memory_space<semaphore_mem>>) src(%dma_wait3A_483 : memref<64x128xf32, #tpu.memory_space<vmem>>) dst(%dma_wait3A_479 : memref<64x128xf32, #tpu.memory_space<hbm>>)
    return
  }
}

</mosaic_0001>

<sc_bundles>
// kernel: kernel.3.cloned.1.call-start
scs
__scs_entry_jumppad:
0x0: {  	(pc) =	sbr.rel $0x88, $3  }
0x1: {  	(tag) =	ssettag $0x0;
	lr =	simm.s32 $0x1  }
0x2: {  	[smem:$0x3F9F] =	sst lr;
	_ =	strace $0xD0000000  }
0x3: {  	_ = 	snop  }
0x4: {  	_ = 	snop  }
0x5: {  	_ = 	snop  }
0x6: {  	_ = 	snop  }
0x7: {  	_ = 	snop  }
__scs_overlays_trampoline_lowered:
0x8: {  	[smem:$0x3FAE] =	sst s0  }
0x9: {  	[smem:$0x3FAF] =	sst s1  }
0xa: {  	[smem:$0x3FB0] =	sst s2  }
0xb: {  	[smem:$0x3FB1] =	sst s3  }
0xc: {  	[smem:$0x3FB2] =	sst s4  }
0xd: {  	[smem:$0x3FB3] =	sst s5  }
0xe: {  	[smem:$0x3FB4] =	sst s6  }
0xf: {  	[smem:$0x3FB5] =	sst s7  }
0x10: {  	[smem:$0x3FB6] =	sst s8  }
0x11: {  	[smem:$0x3FB7] =	sst s9;
	s0 =	simm.s32 @!p0 $0x0  }
0x12: {  	s1 =	sld [smem:$0x3F9D];
	s0 =	simm.s32 @p0 $0x1  }
0x13: {  	[smem:$0x3FB8] =	sst s0;
	s0 =	simm.s32 @!p1 $0x0  }
0x14: {  	s2 =	sld [smem:$0x3F9C];
	s0 =	simm.s32 @p1 $0x1  }
0x15: {  	[smem:$0x3FB9] =	sst s0;
	s0 =	simm.s32 @!p2 $0x0  }
0x16: {  	s3 =	sld [smem:$0x3FDB];
	s0 =	simm.s32 @p2 $0x1  }
0x17: {  	s4 =	simm.s32 $0x1BF5;
	[smem:$0x3FBB] =	sst s0  }
0x18: {  	s0 =	sld [smem:$0x3F9E];
	_ =	swait.ge [sflag:s4], $0x0  }
0x19: {  	s7 =	sld [smem:$0x3F9F]  }
0x1a: {  	s8 =	sadd.s32 $0xFFFFE003, lr  }
0x1b: {  	s9 =	sadd.s32 $0xFFFFFEF7, lr;
	s5 =	simm.s32 $0xFFFFFFFF;
	p2 =	slt.u32 s8, $0xFFFFF086  }
0x1c: {  	p1 =	slt.u32 s9, $0xF7A;
	s5 =	simm.s32 @!p2 $0x0  }
0x1d: {  	s5 =	simm.s32 @p1 $0x1;
	p0 =	seq.s32 s7, s2  }
0x1e: {  	s7 =	smul.u32 @!p0 $0xF7A, s2;
	p2 =	seq.s32 @!p0 s5, $0x0  }
0x1f: {  	s9 =	smul.u32 $0xF7A, s1;
	s8 =	simm.s32 @!p0 $0x1BF5;
	p2 =	por !p2, p0  }
0x20: {  	[sflag:s8] =	ssyncset.s32 @!p0 $0xFFFFF086;
	s6 =	sadd.s32 @!p0 s3, s7;
	s7 =	simm.s32 @!p0 $0x108  }
0x21: {  	s3 =	sadd.s32 s3, s9;
	s6 =	sadd.s32 @!p0 $0x88, s6;
	s7 =	simm.s32 @p2 $0x1082  }
0x22: {  	[simem:s7], [sflag:s8] =	dma.local @!p0 [hbm:s6], $0xF7A  }
0x23: {  	s9 =	sor.u32 $0xD0000000, s2;
	s6 =	simm.s32 $0x108;
	_ =	swait.ge @!p0 [sflag:s8], $0x0  }
0x24: {  	s3 =	sadd.s32 $0x88, s3;
	s6 =	simm.s32 @!p1 $0x1082;
	[sflag:s4] =	ssyncset.s32 $0xFFFFF086  }
0x25: {  	[simem:s6], [sflag:s4] =	dma.local [hbm:s3], $0xF7A  }
0x26: {  	[smem:$0x3F9F] =	sst s1;
	(tag) =	ssettag s2;
	_ =	strace s9  }
0x27: {  	s1 =	sld [smem:$0x3FAF]  }
0x28: {  	s2 =	sld [smem:$0x3FB0]  }
0x29: {  	s4 =	sld [smem:$0x3FB2]  }
0x2a: {  	p0 =	seq.s32 s5, $0x0;
	s5 =	sld [smem:$0x3FB3]  }
0x2b: {  	s6 =	sld [smem:$0x3FB4]  }
0x2c: {  	s7 =	sld [smem:$0x3FB5]  }
0x2d: {  	s3 =	simm.s32 $0x108;
	s8 =	sld [smem:$0x3FB6]  }
0x2e: {  	s3 =	simm.s32 @!p0 $0x1082;
	s9 =	sld [smem:$0x3FB7]  }
0x2f: {  	lr =	sadd.s32 s0, s3;
	s0 =	sld [smem:$0x3FAE]  }
0x30: {  	s3 =	sld [smem:$0x3FB1]  }
0x31: {  	[smem:$0x3FBA] =	sst s10  }
0x32: {  	s10 =	sld [smem:$0x3FB8];
	_ =	sdelay $0x3  }
0x33: {  	p0 =	seq.s32 s10, $0x1;
	s10 =	sld [smem:$0x3FBA];
	_ =	sdelay $0x3  }
0x34: {  	[smem:$0x3FBA] =	sst s10  }
0x35: {  	s10 =	sld [smem:$0x3FB9];
	_ =	sdelay $0x3  }
0x36: {  	p1 =	seq.s32 s10, $0x1;
	s10 =	sld [smem:$0x3FBA];
	_ =	sdelay $0x3  }
0x37: {  	[smem:$0x3FBA] =	sst s10  }
0x38: {  	s10 =	sld [smem:$0x3FBB]  }
0x39: {  	_ = 	snop;
	(pc) =	sbr.ind lr, $3  }
0x3a: {  	_ = 	snop  }
0x3b: {  	_ = 	snop  }
0x3c: {  	p2 =	seq.s32 s10, $0x1;
	s10 =	sld [smem:$0x3FBA]  }
0x3d: {  	_ =	shalt  }
0x3e: {  	_ =	shalt  }
0x3f: {  	_ =	shalt  }
0x40: {  	_ =	shalt  }
0x41: {  	_ =	shalt  }
0x42: {  	_ =	shalt  }
0x43: {  	_ =	shalt  }
0x44: {  	_ =	shalt  }
0x45: {  	_ =	shalt  }
0x46: {  	_ =	shalt  }
0x47: {  	_ =	shalt  }
0x48: {  	_ =	shalt  }
0x49: {  	_ =	shalt  }
0x4a: {  	_ =	shalt  }
0x4b: {  	_ =	shalt  }
0x4c: {  	_ =	shalt  }
0x4d: {  	_ =	shalt  }
0x4e: {  	_ =	shalt  }
0x4f: {  	_ =	shalt  }
0x50: {  	_ =	shalt  }
0x51: {  	_ =	shalt  }
0x52: {  	_ =	shalt  }
0x53: {  	_ =	shalt  }
0x54: {  	_ =	shalt  }
0x55: {  	_ =	shalt  }
0x56: {  	_ =	shalt  }
0x57: {  	_ =	shalt  }
0x58: {  	_ =	shalt  }
0x59: {  	_ =	shalt  }
0x5a: {  	_ =	shalt  }
0x5b: {  	_ =	shalt  }
0x5c: {  	_ =	shalt  }
0x5d: {  	_ =	shalt  }
0x5e: {  	_ =	shalt  }
0x5f: {  	_ =	shalt  }
0x60: {  	_ =	shalt  }
0x61: {  	_ =	shalt  }
0x62: {  	_ =	shalt  }
0x63: {  	_ =	shalt  }
0x64: {  	_ =	shalt  }
0x65: {  	_ =	shalt  }
0x66: {  	_ =	shalt  }
0x67: {  	_ =	shalt  }
0x68: {  	_ =	shalt  }
0x69: {  	_ =	shalt  }
0x6a: {  	_ =	shalt  }
0x6b: {  	_ =	shalt  }
0x6c: {  	_ =	shalt  }
0x6d: {  	_ =	shalt  }
0x6e: {  	_ =	shalt  }
0x6f: {  	_ =	shalt  }
0x70: {  	_ =	shalt  }
0x71: {  	_ =	shalt  }
0x72: {  	_ =	shalt  }
0x73: {  	_ =	shalt  }
0x74: {  	_ =	shalt  }
0x75: {  	_ =	shalt  }
0x76: {  	_ =	shalt  }
0x77: {  	_ =	shalt  }
0x78: {  	_ =	shalt  }
0x79: {  	_ =	shalt  }
0x7a: {  	_ =	shalt  }
0x7b: {  	_ =	shalt  }
0x7c: {  	_ =	shalt  }
0x7d: {  	_ =	shalt  }
0x7e: {  	_ =	shalt  }
0x7f: {  	_ =	shalt  }
0x80: {  	_ =	shalt  }
0x81: {  	_ =	shalt  }
0x82: {  	_ =	shalt  }
0x83: {  	_ =	shalt  }
0x84: {  	_ =	shalt  }
0x85: {  	_ =	shalt  }
0x86: {  	_ =	shalt  }
0x87: {  	_ =	shalt  }
.Lfunc_end0:
.L_simem_size_0:
called_computation_lowered:
.L_overlay_start_0:
0x88: {  	s2 =	sld [smem:$0x3FD9]  }
0x89: {  	s3 =	sld [smem:$0x3FFE];
	_ =	sdelay $0x1  }
0x8a: {  	s1 =	srdreg.scid  }
0x8b: {  	s0 =	sand.u32 $0x1, s1  }
0x8c: {  	s17 =	sshll.u32 s0, $0xA;
	s2 =	sadd.s32 s3, s2  }
0x8d: {  	s2 =	sadd.s32 s2, s17  }
0x8e: {  	[smem:$0x3FC6] =	sst s2  }
0x8f: {  	_ = 	snop  }
0x90: {  	s2 =	sld [smem:$0x3FC8]  }
0x91: {  	s18 =	sld [smem:$0x3FD0];
	(tm) =	ssettm $0x1  }
0x92: {  	s4 =	sld [smem:$0x3FFB];
	_ =	sdelay $0x3  }
0x93: {  	_ =	strace s4  }
0x94: {  	s4 =	sld [smem:$0x3FFC];
	_ =	sdelay $0x3  }
0x95: {  	_ =	strace s4  }
0x96: {  	s4 =	sld [smem:$0x3FFD];
	_ =	sdelay $0x3  }
0x97: {  	_ =	strace s4  }
0x98: {  	_ =	strace $0x8FFFFFFF  }
0x99: {  	s19 =	sld [smem:$0x3FDB];
	_ =	sdelay $0x1  }
0x9a: {  	s5 =	simm.s32 $_scs_section_size  }
0x9b: {  	s6 =	simm.s32 $_size__tile_overlayer_lowered;
	s7 =	simm.s32 $_tile_overlayer_lowered  }
0x9c: {  	s22 =	simm.s32 $0x1BFF;
	s21 =	sshll.u32 s7, $0x1;
	s4 =	sadd.s32 s5, s19  }
0x9d: {  	s8 =	simm.s32 $0x0;
	s20 =	sshll.u32 s6, $0x1;
	s6 =	sadd.s32 s21, s4  }
0x9e: {  	[timem:s8], [sflag:s22] =	dma.local [hbm:s6], s20  }
0x9f: {  	_ =	swait.ge [sflag:s22], s20  }
0xa0: {  	s5 =	ssub.s32 $0x0, s20;
	[sflag:s22] =	ssyncset.done $0x0  }
0xa1: {  	[sflag:s22] =	ssyncadd.s32 s5;
	_ =	sdelay $0x1  }
0xa2: {  	s23 =	simm.s32 $0x1B8B  }
0xa3: {  	_ =	swait.ge [sflag:s23], $0x1  }
0xa4: {  	[sflag:s23] =	ssyncset.done $0x0  }
0xa5: {  	s25 =	simm.s32 $0x1B8E;
	s24 =	sld [smem:$0x3FFE];
	[sflag:s23] =	ssyncadd.s32 $0xFFFFFFFF  }
0xa6: {  	s26 =	simm.s32 $execute0_lowered;
	[smem:$0x3FD2] =	sst s25  }
0xa7: {  	s6 =	sshll.u32 s26, $0x1;
	_ =	strace $0x80000046;
	[dreg:$0x1] =	wrdreg $0xFFFFFFFF  }
0xa8: {  	s28 =	simm.s32 $_size_execute0_lowered;
	s4 =	sadd.s32 s4, s6;
	[dreg:$0x0] =	wrdreg $0x0  }
0xa9: {  	s6 =	sshll.u32 s28, $0x1;
	[dreg:$0x2] =	wrdreg s4  }
0xaa: {  	[dreg:$0x3] =	wrdreg s6  }
0xab: {  	[dreg:$0x4] =	wrdreg $0xC0  }
0xac: {  	_ =	task [dreg:s8], $0x5FFFF  }
0xad: {  	[dreg:$0x1] =	wrdreg $0xFFFFFFFF  }
0xae: {  	[dreg:$0x0] =	wrdreg $0x60  }
0xaf: {  	[dreg:$0x2] =	wrdreg s24  }
0xb0: {  	[dreg:$0x3] =	wrdreg s2  }
0xb1: {  	[dreg:$0x4] =	wrdreg s18  }
0xb2: {  	[dreg:$0x5] =	wrdreg $0x128000  }
0xb3: {  	[dreg:$0x6] =	wrdreg $0x9  }
0xb4: {  	_ =	task.clear_ibuf [dreg:s8], $0x7FFFF;
	_ =	strace $0x90000046  }
0xb5: {  	s29 =	simm.s32 $0x9;
	_ =	strace $0x80000048  }
0xb6: {  	_ =	swait.ge [sflag:s29], $0x1  }
0xb7: {  	[sflag:s29] =	ssyncadd.s32 $0xFFFFFFFF  }
0xb8: {  	_ =	strace $0x90000048  }
0xb9: {  	_ =	sfence  }
0xba: {  	s30 =	sld [smem:$0x0];
	_ =	sdelay $0x2  }
0xbb: {  	s31 =	sshll.u32 s1, $0xD;
	s1 =	sshrl.u32 s1, $0x2  }
0xbc: {  	s3 =	sand.u32 $0x4000, s31;
	s1 =	sadd.s32 s1, s30  }
0xbd: {  	s0 =	sor.u32 s3, s0;
	s1 =	sshll.u32 s1, $0x11  }
0xbe: {  	s0 =	sor.u32 s1, s0  }
0xbf: {  	s0 =	sadd.s32 $0x8F2B, s0  }
0xc0: {  	[sflag:s0] =	ssyncadd.remote.s32 $0x1  }
0xc1: {  	_ =	sfence.sel $0xFFFF  }
0xc2: {  	[dreg:$0x0] =	wrdreg $0xFFFFFFFF;
	(pc) =	sbr.abs _section_cstart, $3  }
0xc3: {  	[dreg:$0x1] =	wrdreg $0xFFFFFFFF  }
0xc4: {  	_ =	task.clear_ibuf [dreg:s8], $0x2FFFF;
	_ =	strace $0x9FFFFFFF  }
0xc5: {  	(tm) =	ssettm $0x7FFFFFFF  }
tec
execute0_lowered:
.L_overlay_start_1:
0x0: {  	(tag) =	ssettag $0x1  }
0x1: {  	s0 =	srdreg.scid  }
0x2: {  	s1 =	stileid.u32;
	s4 =	rddreg [dreg:$0x0]  }
0x3: {  	s6 =	rddreg [dreg:$0x2];
	s3 =	simm.s32 $0x0;
	s17 =	simm.s32 $0x40  }
0x4: {  	s16 =	simm.s32 $0x2800;
	s18 =	simm.s32 $0x4800;
	s28 =	simm.s32 $0x5  }
0x5: {  	s29 =	simm.s32 $0x6;
	s13 =	simm.s32 $0x4;
	s12 =	simm.s32 $0x8  }
0x6: {  	s11 =	simm.s32 $0xE;
	s0 =	sand.u32 $0x1, s0;
	s2 =	sshll.u32 s1, $0x1  }
0x7: {  	s9 =	simm.s32 $0xB;
	[smem:$0x7FF] =	sst s3;
	s5 =	sor.u32 s0, s2  }
0x8: {  	s2 =	rddreg [dreg:$0x3];
	s0 =	ssub.s32 $0x2, s0;
	s7 =	smul.u32 $0x50, s5  }
0x9: {  	p0 =	seq.s32 s5, $0x1F;
	p1 =	seq.s32 s5, $0x1E;
	s5 =	simm.s32 $0xD  }
0xa: {  	_ =	strace $0x80000047;
	s19 =	sshrl.u32 s0, $0x1;
	s5 =	simm.s32 @!p0 $0x14  }
0xb: {  	s0 =	ssub.s32 s0, s19;
	s7 =	simm.s32 @p0 $0x990;
	s5 =	simm.s32 @p1 $0xC  }
0xc: {  	s0 =	smax.u32 s0, $0x1;
	p0 =	sne.s32 s1, $0x0;
	s8 =	sshll.u32 s7, $0x4  }
0xd: {  	s5 =	sshll.u32 s5, $0xD;
	[dreg:$0xe] =	wrdreg s0;
	s0 =	sshrl.u32 @!p0 s2, $0x3  }
0xe: {  	s7 =	sshll.u32 s7, $0xB;
	s5 =	sadd.s32 $0xFFFFE000, s5;
	[dreg:$0xf] =	wrdreg s0  }
0xf: {  	s8 =	sadd.s32 s8, s4;
	s22 =	sadd.s32 s6, s7;
	[dreg:$0x5] =	wrdreg s5  }
0x10: {  	s10 =	simm.s32 $0xC;
	s8 =	sadd.s32 $0x400, s8;
	[dreg:$0x11] =	wrdreg s22  }
0x11: {  	s30 =	simm.s32 $0x8800;
	s6 =	sadd.s32 $0x400, s22;
	[dreg:$0x6] =	wrdreg s8  }
0x12: {  	s31 =	simm.s32 $0x6;
	s20 =	sadd.s32 $0x800, s22;
	[dreg:$0x7] =	wrdreg s6  }
0x13: {  	s19 =	simm.s32 $0x6800;
	s21 =	sadd.s32 $0xC00, s22;
	[dreg:$0x8] =	wrdreg s20  }
0x14: {  	s1 =	simm.s32 $0xA800;
	s23 =	sadd.s32 $0x1000, s22;
	[dreg:$0x9] =	wrdreg s21  }
0x15: {  	s4 =	simm.s32 $0xC800;
	s24 =	sadd.s32 $0x1400, s22;
	[dreg:$0xa] =	wrdreg s23  }
0x16: {  	s0 =	simm.s32 $0x0;
	s25 =	sadd.s32 $0x1800, s22;
	[dreg:$0xb] =	wrdreg s24  }
0x17: {  	s7 =	simm.s32 $0x9;
	s26 =	sadd.s32 $0x1C00, s22;
	[dreg:$0xc] =	wrdreg s25  }
0x18: {  	s5 =	simm.s32 $0x7;
	[dreg:$0xd] =	wrdreg s26;
	s23 =	simm.s32 $0x8800  }
0x19: {  	s20 =	simm.s32 $0xE800;
	s25 =	simm.s32 $0x10800;
	s21 =	simm.s32 $0x1  }
0x1a: {  	s24 =	simm.s32 $0x2;
	s26 =	simm.s32 $0x3;
	s8 =	simm.s32 $0xA  }
.LBB2_1:
0x1b: {  	[dreg:$0x10] =	wrdreg s0  }
0x1c: {  	s14 =	rddreg [dreg:$0x1]  }
0x1d: {  	s6 =	simm.s32 @!p0 $0x1C11;
	s15 =	rddreg [dreg:$0xf]  }
0x1e: {  	[spmem:s15], [sflag:s6] =	dma.local @!p0 [hbm:s14], $0x90  }
0x1f: {  	s6 =	simm.s32 @!p0 $0x11  }
0x20: {  	_ =	swait.ge @!p0 [sflag:s6], $0x90  }
0x21: {  	[sflag:s6] =	ssyncset.done @!p0 $0x0  }
0x22: {  	s15 =	simm.s32 $0x11;
	s14 =	rddreg [dreg:$0x6];
	[sflag:s6] =	ssyncadd.s32 @!p0 $0xFFFFFF70  }
0x23: {  	[tilespmem:s3], [sflag:$0x11] =	stream.linear.gather [hbm4b:s14+s3], $0x2800, $0x38;
	[tilespmem:$0x12848] =	vst v63  }
0x24: {  	_ =	swait.ge [sflag:s15], $0x2800  }
0x25: {  	[sflag:s15] =	ssyncset.done $0x0  }
0x26: {  	[sflag:s15] =	ssyncadd.s32 $0xFFFFD800  }
0x27: {  	[bflag:$0x0] =	sbarrier.arrive $0xFFFF  }
0x28: {  	[tilespmem:s16], [sflag:$0x1] =	stream.indirect.gather [spmem:s2], $0x80, s3, s17, $0xb8;
	[tilespmem:$0x12848] =	vst v63  }
0x29: {  	_ = 	snop  }
0x2a: {  	[tilespmem:s18], [sflag:$0x2] =	stream.indirect.gather [spmem:s2], $0x80, s17, s17, $0xb8;
	[tilespmem:$0x12848] =	vst v63  }
0x2b: {  	s14 =	simm.s32 $0x80  }
0x2c: {  	[tilespmem:s19], [sflag:$0x3] =	stream.indirect.gather [spmem:s2], $0x80, s14, s17, $0xb8;
	[tilespmem:$0x12848] =	vst v63  }
0x2d: {  	s15 =	simm.s32 $0xC0  }
0x2e: {  	[tilespmem:s23], [sflag:$0x4] =	stream.indirect.gather [spmem:s2], $0x80, s15, s17, $0xb8;
	[tilespmem:$0x12848] =	vst v63  }
0x2f: {  	s14 =	simm.s32 $0x100  }
0x30: {  	[tilespmem:s1], [sflag:$0x5] =	stream.indirect.gather [spmem:s2], $0x80, s14, s17, $0xb8;
	[tilespmem:$0x12848] =	vst v63  }
0x31: {  	s15 =	simm.s32 $0x140  }
0x32: {  	[tilespmem:s4], [sflag:$0x6] =	stream.indirect.gather [spmem:s2], $0x80, s15, s17, $0xb8;
	[tilespmem:$0x12848] =	vst v63  }
0x33: {  	s14 =	simm.s32 $0x180  }
0x34: {  	[tilespmem:s20], [sflag:$0x7] =	stream.indirect.gather [spmem:s2], $0x80, s14, s17, $0xb8;
	[tilespmem:$0x12848] =	vst v63  }
0x35: {  	s15 =	simm.s32 $0x1C0  }
0x36: {  	[tilespmem:s25], [sflag:$0x8] =	stream.indirect.gather [spmem:s2], $0x80, s15, s17, $0xb8;
	[tilespmem:$0x12848] =	vst v63  }
0x37: {  	_ =	swait.ge [sflag:s21], $0x2000  }
0x38: {  	[sflag:s21] =	ssyncset.done $0x0  }
0x39: {  	[sflag:s21] =	ssyncadd.s32 $0xFFFFE000  }
0x3a: {  	[hbm4b:s22+s3] =	stream.linear.scatter [tilespmem:s16], [sflag:$0x9], $0x2000, $0x38;
	[tilespmem:$0x12848] =	vst v63  }
0x3b: {  	_ =	swait.ge [sflag:s24], $0x2000  }
0x3c: {  	[sflag:s24] =	ssyncset.done $0x0  }
0x3d: {  	s16 =	rddreg [dreg:$0x7];
	[sflag:s24] =	ssyncadd.s32 $0xFFFFE000  }
0x3e: {  	[hbm4b:s16+s3] =	stream.linear.scatter [tilespmem:s18], [sflag:$0xA], $0x2000, $0x38;
	[tilespmem:$0x12848] =	vst v63  }
0x3f: {  	_ =	swait.ge [sflag:s26], $0x2000  }
0x40: {  	[sflag:s26] =	ssyncset.done $0x0  }
0x41: {  	s18 =	rddreg [dreg:$0x8];
	[sflag:s26] =	ssyncadd.s32 $0xFFFFE000  }
0x42: {  	[hbm4b:s18+s3] =	stream.linear.scatter [tilespmem:s19], [sflag:$0xB], $0x2000, $0x38;
	[tilespmem:$0x12848] =	vst v63  }
0x43: {  	_ =	swait.ge [sflag:s13], $0x2000  }
0x44: {  	[sflag:s13] =	ssyncset.done $0x0  }
0x45: {  	s21 =	rddreg [dreg:$0x9];
	[sflag:s13] =	ssyncadd.s32 $0xFFFFE000  }
0x46: {  	[hbm4b:s21+s3] =	stream.linear.scatter [tilespmem:s23], [sflag:$0xC], $0x2000, $0x38;
	[tilespmem:$0x12848] =	vst v63  }
0x47: {  	_ =	swait.ge [sflag:s28], $0x2000  }
0x48: {  	[sflag:s28] =	ssyncset.done $0x0  }
0x49: {  	s0 =	simm.s32 $0xD;
	s22 =	rddreg [dreg:$0xa];
	[sflag:s28] =	ssyncadd.s32 $0xFFFFE000  }
0x4a: {  	[hbm4b:s22+s3] =	stream.linear.scatter [tilespmem:s1], [sflag:$0xD], $0x2000, $0x38;
	[tilespmem:$0x12848] =	vst v63  }
0x4b: {  	s6 =	simm.s32 $0x0;
	s14 =	simm.s32 $0x8;
	_ =	swait.ge [sflag:s29], $0x2000  }
0x4c: {  	s15 =	simm.s32 $0x200;
	s16 =	simm.s32 $0x4;
	[sflag:s29] =	ssyncset.done $0x0  }
0x4d: {  	s13 =	simm.s32 $0x4;
	s23 =	rddreg [dreg:$0xb];
	[sflag:s29] =	ssyncadd.s32 $0xFFFFE000  }
0x4e: {  	[hbm4b:s23+s3] =	stream.linear.scatter [tilespmem:s4], [sflag:$0xE], $0x2000, $0x38;
	[tilespmem:$0x12848] =	vst v63  }
0x4f: {  	s21 =	simm.s32 $0x1;
	s28 =	simm.s32 $0x6800;
	_ =	swait.ge [sflag:s5], $0x2000  }
0x50: {  	s1 =	simm.s32 $0xA800;
	s22 =	simm.s32 $0x10800;
	[sflag:s5] =	ssyncset.done $0x0  }
0x51: {  	s29 =	simm.s32 $0x5;
	s24 =	rddreg [dreg:$0xc];
	[sflag:s5] =	ssyncadd.s32 $0xFFFFE000  }
0x52: {  	[hbm4b:s24+s3] =	stream.linear.scatter [tilespmem:s20], [sflag:$0xF], $0x2000, $0x38;
	[tilespmem:$0x12848] =	vst v63  }
0x53: {  	s23 =	simm.s32 $0x2800;
	s4 =	simm.s32 $0xC800;
	_ =	swait.ge [sflag:s12], $0x2000  }
0x54: {  	s5 =	simm.s32 $0x7;
	s20 =	simm.s32 $0xE800;
	[sflag:s12] =	ssyncset.done $0x0  }
0x55: {  	s24 =	simm.s32 $0x2;
	s26 =	rddreg [dreg:$0xd];
	[sflag:s12] =	ssyncadd.s32 $0xFFFFE000  }
0x56: {  	[hbm4b:s26+s3] =	stream.linear.scatter [tilespmem:s25], [sflag:$0x10], $0x2000, $0x38;
	[tilespmem:$0x12848] =	vst v63  }
0x57: {  	s12 =	simm.s32 $0x8;
	s25 =	simm.s32 $0x4800;
	s26 =	simm.s32 $0x3  }
.LBB2_2:
0x58: {  	_ =	swait.ge [sflag:s7], $0x2000  }
0x59: {  	s18 =	sshra.s32 s14, $0x1F;
	[sflag:s7] =	ssyncset.done $0x0  }
0x5a: {  	s18 =	sadd.s32 s18, s16;
	[sflag:s7] =	ssyncadd.s32 $0xFFFFE000  }
0x5b: {  	[tilespmem:s23], [sflag:$0x1] =	stream.indirect.gather [spmem:s2], $0x80, s15, s17, $0xb8;
	[tilespmem:$0x12848] =	vst v63  }
0x5c: {  	s18 =	sshll.u32 s18, $0x9;
	_ =	swait.ge [sflag:s8], $0x2000  }
0x5d: {  	s19 =	sshra.s32 s18, $0x2;
	[sflag:s8] =	ssyncset.done $0x0  }
0x5e: {  	s19 =	sor.u32 $0x40, s19;
	[sflag:s8] =	ssyncadd.s32 $0xFFFFE000  }
0x5f: {  	[tilespmem:s25], [sflag:$0x2] =	stream.indirect.gather [spmem:s2], $0x80, s19, s17, $0xb8;
	[tilespmem:$0x12848] =	vst v63  }
0x60: {  	_ =	swait.ge [sflag:s9], $0x2000  }
0x61: {  	[sflag:s9] =	ssyncset.done $0x0  }
0x62: {  	s19 =	sadd.s32 $0x80, s15;
	[sflag:s9] =	ssyncadd.s32 $0xFFFFE000  }
0x63: {  	[tilespmem:s28], [sflag:$0x3] =	stream.indirect.gather [spmem:s2], $0x80, s19, s17, $0xb8;
	[tilespmem:$0x12848] =	vst v63  }
0x64: {  	s19 =	sadd.s32 $0x200, s18;
	_ =	swait.ge [sflag:s10], $0x2000  }
0x65: {  	s19 =	sshra.s32 s19, $0x2;
	[sflag:s10] =	ssyncset.done $0x0  }
0x66: {  	s19 =	sor.u32 $0x40, s19;
	[sflag:s10] =	ssyncadd.s32 $0xFFFFE000  }
0x67: {  	[tilespmem:s30], [sflag:$0x4] =	stream.indirect.gather [spmem:s2], $0x80, s19, s17, $0xb8;
	[tilespmem:$0x12848] =	vst v63  }
0x68: {  	_ =	swait.ge [sflag:s0], $0x2000  }
0x69: {  	[sflag:s0] =	ssyncset.done $0x0  }
0x6a: {  	s19 =	sadd.s32 $0x100, s15;
	[sflag:s0] =	ssyncadd.s32 $0xFFFFE000  }
0x6b: {  	[tilespmem:s1], [sflag:$0x5] =	stream.indirect.gather [spmem:s2], $0x80, s19, s17, $0xb8;
	[tilespmem:$0x12848] =	vst v63  }
0x6c: {  	s19 =	sadd.s32 $0x400, s18;
	_ =	swait.ge [sflag:s11], $0x2000  }
0x6d: {  	s19 =	sshra.s32 s19, $0x2;
	[sflag:s11] =	ssyncset.done $0x0  }
0x6e: {  	s19 =	sor.u32 $0x40, s19;
	[sflag:s11] =	ssyncadd.s32 $0xFFFFE000  }
0x6f: {  	[tilespmem:s4], [sflag:$0x6] =	stream.indirect.gather [spmem:s2], $0x80, s19, s17, $0xb8;
	[tilespmem:$0x12848] =	vst v63  }
0x70: {  	s19 =	simm.s32 $0xF  }
0x71: {  	_ =	swait.ge [sflag:s19], $0x2000  }
0x72: {  	[sflag:s19] =	ssyncset.done $0x0  }
0x73: {  	[sflag:s19] =	ssyncadd.s32 $0xFFFFE000;
	s19 =	sadd.s32 $0x180, s15  }
0x74: {  	[tilespmem:s20], [sflag:$0x7] =	stream.indirect.gather [spmem:s2], $0x80, s19, s17, $0xb8;
	[tilespmem:$0x12848] =	vst v63  }
0x75: {  	s19 =	simm.s32 $0x10  }
0x76: {  	s18 =	sadd.s32 $0x600, s18;
	_ =	swait.ge [sflag:s19], $0x2000  }
0x77: {  	s18 =	sshra.s32 s18, $0x2;
	[sflag:s19] =	ssyncset.done $0x0  }
0x78: {  	s18 =	sor.u32 $0x40, s18;
	[sflag:s19] =	ssyncadd.s32 $0xFFFFE000  }
0x79: {  	[tilespmem:s22], [sflag:$0x8] =	stream.indirect.gather [spmem:s2], $0x80, s18, s17, $0xb8;
	[tilespmem:$0x12848] =	vst v63  }
0x7a: {  	_ =	swait.ge [sflag:s21], $0x2000  }
0x7b: {  	s19 =	rddreg [dreg:$0x11]  }
0x7c: {  	[sflag:s21] =	ssyncset.done $0x0;
	s18 =	sadd.s32 s6, s19  }
0x7d: {  	[sflag:s21] =	ssyncadd.s32 $0xFFFFE000;
	s19 =	sadd.s32 $0x2000, s18  }
0x7e: {  	[hbm4b:s19+s3] =	stream.linear.scatter [tilespmem:s23], [sflag:$0x9], $0x2000, $0x38;
	[tilespmem:$0x12848] =	vst v63  }
0x7f: {  	_ =	swait.ge [sflag:s24], $0x2000  }
0x80: {  	[sflag:s24] =	ssyncset.done $0x0  }
0x81: {  	s19 =	sadd.s32 $0x2400, s18;
	[sflag:s24] =	ssyncadd.s32 $0xFFFFE000  }
0x82: {  	[hbm4b:s19+s3] =	stream.linear.scatter [tilespmem:s25], [sflag:$0xA], $0x2000, $0x38;
	[tilespmem:$0x12848] =	vst v63  }
0x83: {  	_ =	swait.ge [sflag:s26], $0x2000  }
0x84: {  	[sflag:s26] =	ssyncset.done $0x0  }
0x85: {  	s19 =	sadd.s32 $0x2800, s18;
	[sflag:s26] =	ssyncadd.s32 $0xFFFFE000  }
0x86: {  	[hbm4b:s19+s3] =	stream.linear.scatter [tilespmem:s28], [sflag:$0xB], $0x2000, $0x38;
	[tilespmem:$0x12848] =	vst v63  }
0x87: {  	_ =	swait.ge [sflag:s13], $0x2000  }
0x88: {  	[sflag:s13] =	ssyncset.done $0x0  }
0x89: {  	s19 =	sadd.s32 $0x2C00, s18;
	[sflag:s13] =	ssyncadd.s32 $0xFFFFE000  }
0x8a: {  	[hbm4b:s19+s3] =	stream.linear.scatter [tilespmem:s30], [sflag:$0xC], $0x2000, $0x38;
	[tilespmem:$0x12848] =	vst v63  }
0x8b: {  	_ =	swait.ge [sflag:s29], $0x2000  }
0x8c: {  	[sflag:s29] =	ssyncset.done $0x0  }
0x8d: {  	s19 =	sadd.s32 $0x3000, s18;
	[sflag:s29] =	ssyncadd.s32 $0xFFFFE000  }
0x8e: {  	[hbm4b:s19+s3] =	stream.linear.scatter [tilespmem:s1], [sflag:$0xD], $0x2000, $0x38;
	[tilespmem:$0x12848] =	vst v63  }
0x8f: {  	_ =	swait.ge [sflag:s31], $0x2000  }
0x90: {  	[sflag:s31] =	ssyncset.done $0x0  }
0x91: {  	s19 =	sadd.s32 $0x3400, s18;
	[sflag:s31] =	ssyncadd.s32 $0xFFFFE000  }
0x92: {  	[hbm4b:s19+s3] =	stream.linear.scatter [tilespmem:s4], [sflag:$0xE], $0x2000, $0x38;
	[tilespmem:$0x12848] =	vst v63  }
0x93: {  	_ =	swait.ge [sflag:s5], $0x2000  }
0x94: {  	[sflag:s5] =	ssyncset.done $0x0  }
0x95: {  	s19 =	sadd.s32 $0x3800, s18;
	[sflag:s5] =	ssyncadd.s32 $0xFFFFE000  }
0x96: {  	[hbm4b:s19+s3] =	stream.linear.scatter [tilespmem:s20], [sflag:$0xF], $0x2000, $0x38;
	[tilespmem:$0x12848] =	vst v63  }
0x97: {  	_ =	swait.ge [sflag:s12], $0x2000  }
0x98: {  	s6 =	sadd.s32 $0x2000, s6;
	s19 =	rddreg [dreg:$0x5]  }
0x99: {  	p1 =	sne.s32 s19, s6  }
.Ltmp0:
0x9a: {  	_ = 	snop;
	(pc) =	sbr.rel @p1 .LBB2_2-.Ltmp0, $4  }
0x9b: {  	_ = 	snop  }
0x9c: {  	s14 =	sadd.s32 $0x8, s14;
	s16 =	sadd.s32 $0x4, s16;
	[sflag:s12] =	ssyncset.done $0x0  }
0x9d: {  	s15 =	sadd.s32 $0x200, s15;
	s18 =	sadd.s32 $0x3C00, s18;
	[sflag:s12] =	ssyncadd.s32 $0xFFFFE000  }
0x9e: {  	[hbm4b:s18+s3] =	stream.linear.scatter [tilespmem:s22], [sflag:$0x10], $0x2000, $0x38;
	[tilespmem:$0x12848] =	vst v63  }
0x9f: {  	_ =	swait.ge [sflag:s7], $0x2000  }
0xa0: {  	[sflag:s7] =	ssyncset.done $0x0  }
0xa1: {  	[sflag:s7] =	ssyncadd.s32 $0xFFFFE000  }
0xa2: {  	_ =	swait.ge [sflag:s8], $0x2000  }
0xa3: {  	[sflag:s8] =	ssyncset.done $0x0  }
0xa4: {  	[sflag:s8] =	ssyncadd.s32 $0xFFFFE000  }
0xa5: {  	_ =	swait.ge [sflag:s9], $0x2000  }
0xa6: {  	[sflag:s9] =	ssyncset.done $0x0  }
0xa7: {  	[sflag:s9] =	ssyncadd.s32 $0xFFFFE000  }
0xa8: {  	_ =	swait.ge [sflag:s10], $0x2000  }
0xa9: {  	[sflag:s10] =	ssyncset.done $0x0  }
0xaa: {  	[sflag:s10] =	ssyncadd.s32 $0xFFFFE000  }
0xab: {  	_ =	swait.ge [sflag:s0], $0x2000  }
0xac: {  	[sflag:s0] =	ssyncset.done $0x0  }
0xad: {  	[sflag:s0] =	ssyncadd.s32 $0xFFFFE000  }
0xae: {  	_ =	swait.ge [sflag:s11], $0x2000  }
0xaf: {  	[sflag:s11] =	ssyncset.done $0x0  }
0xb0: {  	s25 =	simm.s32 $0xF;
	[sflag:s11] =	ssyncadd.s32 $0xFFFFE000  }
0xb1: {  	_ =	swait.ge [sflag:s25], $0x2000  }
0xb2: {  	[sflag:s25] =	ssyncset.done $0x0  }
0xb3: {  	s1 =	simm.s32 $0x10;
	[sflag:s25] =	ssyncadd.s32 $0xFFFFE000  }
0xb4: {  	_ =	swait.ge [sflag:s1], $0x2000  }
0xb5: {  	s16 =	simm.s32 $0x2800;
	s18 =	simm.s32 $0x4800;
	s26 =	rddreg [dreg:$0x10]  }
0xb6: {  	s19 =	simm.s32 $0x6800;
	s6 =	rddreg [dreg:$0xe];
	s0 =	sadd.s32 $0x1, s26  }
0xb7: {  	s23 =	simm.s32 $0x8800;
	s4 =	simm.s32 $0xC800;
	p1 =	sne.s32 s0, s6  }
.Ltmp1:
0xb8: {  	s20 =	simm.s32 $0xE800;
	s21 =	simm.s32 $0x1;
	(pc) =	sbr.rel @p1 .LBB2_1-.Ltmp1, $4  }
0xb9: {  	s24 =	simm.s32 $0x2;
	s28 =	simm.s32 $0x5;
	s29 =	simm.s32 $0x6  }
0xba: {  	s5 =	simm.s32 $0x7;
	s13 =	simm.s32 $0x4;
	s12 =	simm.s32 $0x8  }
0xbb: {  	s25 =	simm.s32 $0x10800;
	[sflag:s1] =	ssyncset.done $0x0;
	s22 =	rddreg [dreg:$0x11]  }
0xbc: {  	[sflag:s1] =	ssyncadd.s32 $0xFFFFE000;
	s1 =	simm.s32 $0xA800;
	s26 =	simm.s32 $0x3  }
0xbd: {  	_ =	sfence.sel $0x180000  }
0xbe: {  	[bflag:$0x0] =	sbarrier.arrive $0xFFFF  }
0xbf: {  	_ =	strace $0x90000047  }
0xc0: {  	[bflag:$0x2] =	sbarrier.arrive $0xFFFF  }
0xc1: {  	s0 =	rddreg [dreg:$0x4]  }
0xc2: {  	s0 =	sadd.s32 @!p0 $0x100000, s0  }
0xc3: {  	[sflag:s0] =	ssyncadd.tile.s32 @!p0 $0x1;
	_ =	shalt  }
.Lfunc_end2:
_tile_overlayer_lowered:
.L_overlay_start_2:
0xc4: {  	(tag) =	ssettag $0x2  }
0xc5: {  	s0 =	rddreg [dreg:$0x0];
	s2 =	stileid.u32  }
0xc6: {  	s1 =	rddreg [dreg:$0x1];
	p0 =	sne.s32 s2, $0x0  }
0xc7: {  	s3 =	rddreg [dreg:$0x2];
	[bflag:$0x3] =	sbarrier.arrive $0xFFFF;
	s2 =	simm.s32 @!p0 $0x1C11  }
0xc8: {  	[timem:s3], [sflag:s2] =	dma.local @!p0 [hbm:s0], s1  }
0xc9: {  	s0 =	simm.s32 @!p0 $0x11  }
0xca: {  	_ =	swait.ge @!p0 [sflag:s0], s1  }
0xcb: {  	s1 =	ssub.s32 @!p0 $0x0, s1;
	[sflag:s0] =	ssyncset.done @!p0 $0x0  }
0xcc: {  	[sflag:s0] =	ssyncadd.s32 @!p0 s1  }
0xcd: {  	[bflag:$0x3] =	sbarrier.arrive $0xFFFF  }
0xce: {  	_ =	shalt  }

</sc_bundles>
